<compile_context>
chip_gen: v7x
topology: tpu7x:2x2x1
jax: 0.10.2.dev20260603
libtpu: 0.0.44.dev20260713+nightly
codegen_flags: <defaults>
</compile_context>

<pallas_src>
import functools

import jax
import jax.numpy as jnp
from jax import lax
from jax.experimental import pallas as pl
from jax.experimental.pallas import tpu as pltpu
from jax.experimental.pallas import tpu_sc as plsc

N = 10000
R = 4
E = 80000
D = 128

NCORE = 2
NSUB = 16
LANES = 16
REL_PER_CORE = R // NCORE
NP = 10240
ROWS_PER_TILE = NP // NSUB
EDGES_PER_TILE = E // NSUB
CH = 128
NCH = EDGES_PER_TILE // CH
TAIL = EDGES_PER_TILE - NCH * CH
ZROWS = 128


def _sc_agg_body(feat, srcf, dstf, agg_out,
                 idx_s, idx_d, rows, z128, tidx_s, tidx_d, trows, sem,
                 acc_sh):
    cid = lax.axis_index("c")
    sid = lax.axis_index("s")

    zv = jnp.zeros((LANES,), jnp.float32)

    def z128_row(i, _):
        def z128_col(j, _):
            z128[i, pl.ds(j * LANES, LANES)] = zv
            return 0
        return lax.fori_loop(0, D // LANES, z128_col, 0)

    lax.fori_loop(0, ZROWS, z128_row, 0)

    row0 = sid * ROWS_PER_TILE

    for k in range(REL_PER_CORE):
        r = cid * REL_PER_CORE + k

        for m in range(ROWS_PER_TILE // ZROWS):
            pltpu.sync_copy(z128, acc_sh.at[pl.ds(row0 + m * ZROWS, ZROWS)])
        plsc.subcore_barrier()

        ebase = r * E + sid * EDGES_PER_TILE

        def chunk(c, _):
            off = ebase + c * CH
            pltpu.sync_copy(srcf.at[pl.ds(off, CH)], idx_s)
            pltpu.sync_copy(dstf.at[pl.ds(off, CH)], idx_d)
            pltpu.async_copy(feat.at[idx_s], rows, sem).wait()
            pltpu.sync_copy(rows, acc_sh.at[idx_d], add=True)
            return 0

        lax.fori_loop(0, NCH, chunk, 0)

        toff = ebase + NCH * CH
        pltpu.sync_copy(srcf.at[pl.ds(toff, TAIL)], tidx_s)
        pltpu.sync_copy(dstf.at[pl.ds(toff, TAIL)], tidx_d)
        pltpu.async_copy(feat.at[tidx_s], trows, sem).wait()
        pltpu.sync_copy(trows, acc_sh.at[tidx_d], add=True)

        plsc.subcore_barrier()

        pltpu.sync_copy(acc_sh.at[pl.ds(row0, ROWS_PER_TILE)],
                        agg_out.at[pl.ds(r * NP + row0, ROWS_PER_TILE)])


def _sc_deg_body(dstf, deg_out, idx_d, ones_b, z128, tidx_d, dacc_sh):
    cid = lax.axis_index("c")
    sid = lax.axis_index("s")

    zv = jnp.zeros((LANES,), jnp.float32)

    def z128_row(i, _):
        def z128_col(j, _):
            z128[i, pl.ds(j * LANES, LANES)] = zv
            return 0
        return lax.fori_loop(0, D // LANES, z128_col, 0)

    lax.fori_loop(0, ZROWS, z128_row, 0)

    ov = jnp.ones((LANES,), jnp.float32)

    def ones_row(i, _):
        def ones_col(j, _):
            ones_b[i, pl.ds(j * LANES, LANES)] = ov
            return 0
        return lax.fori_loop(0, D // LANES, ones_col, 0)

    lax.fori_loop(0, CH, ones_row, 0)

    row0 = sid * ROWS_PER_TILE

    for k in range(REL_PER_CORE):
        r = cid * REL_PER_CORE + k

        for m in range(ROWS_PER_TILE // ZROWS):
            pltpu.sync_copy(z128, dacc_sh.at[pl.ds(row0 + m * ZROWS, ZROWS)])
        plsc.subcore_barrier()

        ebase = r * E + sid * EDGES_PER_TILE

        def chunk(c, _):
            off = ebase + c * CH
            pltpu.sync_copy(dstf.at[pl.ds(off, CH)], idx_d)
            pltpu.sync_copy(ones_b, dacc_sh.at[idx_d], add=True)
            return 0

        lax.fori_loop(0, NCH, chunk, 0)

        toff = ebase + NCH * CH
        pltpu.sync_copy(dstf.at[pl.ds(toff, TAIL)], tidx_d)
        pltpu.sync_copy(ones_b.at[pl.ds(0, TAIL)], dacc_sh.at[tidx_d],
                        add=True)

        plsc.subcore_barrier()

        pltpu.sync_copy(dacc_sh.at[pl.ds(row0, ROWS_PER_TILE)],
                        deg_out.at[pl.ds(r * NP + row0, ROWS_PER_TILE)])


@functools.lru_cache(maxsize=None)
def _make_sc_agg():
    return pl.kernel(
        _sc_agg_body,
        out_type=[jax.ShapeDtypeStruct((R * NP, D), jnp.float32)],
        mesh=plsc.VectorSubcoreMesh(core_axis_name="c", subcore_axis_name="s"),
        scratch_types=[
            pltpu.VMEM((CH,), jnp.int32),
            pltpu.VMEM((CH,), jnp.int32),
            pltpu.VMEM((CH, D), jnp.float32),
            pltpu.VMEM((ZROWS, D), jnp.float32),
            pltpu.VMEM((TAIL,), jnp.int32),
            pltpu.VMEM((TAIL,), jnp.int32),
            pltpu.VMEM((TAIL, D), jnp.float32),
            pltpu.SemaphoreType.DMA,
            pltpu.VMEM_SHARED((NP, D), jnp.float32),
        ],
        name="sc_rel_agg",
    )


@functools.lru_cache(maxsize=None)
def _make_sc_deg():
    return pl.kernel(
        _sc_deg_body,
        out_type=[jax.ShapeDtypeStruct((R * NP, D), jnp.float32)],
        mesh=plsc.VectorSubcoreMesh(core_axis_name="c", subcore_axis_name="s"),
        scratch_types=[
            pltpu.VMEM((CH,), jnp.int32),
            pltpu.VMEM((CH, D), jnp.float32),
            pltpu.VMEM((ZROWS, D), jnp.float32),
            pltpu.VMEM((TAIL,), jnp.int32),
            pltpu.VMEM_SHARED((NP, D), jnp.float32),
        ],
        name="sc_rel_deg",
    )


NBLK = 400


def _tc_mix_body(stage, agg_ref, deg_ref, w_ref, b_ref, o_ref):
    acc = None
    for r in range(R):
        d = jnp.maximum(deg_ref[r, :, 0:1], 1.0)
        a = agg_ref[r] / d
        p = jnp.dot(a, w_ref[r], preferred_element_type=jnp.float32)
        acc = p if acc is None else acc + p
    if stage == 0:
        o_ref[...] = jnp.maximum(acc, 0.0)
    else:
        o_ref[...] = acc + b_ref[...]


def _tc_mix(stage, agg, deg16, W, bias2d):
    return pl.pallas_call(
        functools.partial(_tc_mix_body, stage),
        grid=(N // NBLK,),
        in_specs=[
            pl.BlockSpec((R, NBLK, D), lambda i: (0, i, 0)),
            pl.BlockSpec((R, NBLK, D), lambda i: (0, i, 0)),
            pl.BlockSpec((R, D, D), lambda i: (0, 0, 0)),
            pl.BlockSpec((1, D), lambda i: (0, 0)),
        ],
        out_specs=pl.BlockSpec((NBLK, D), lambda i: (i, 0)),
        out_shape=jax.ShapeDtypeStruct((N, D), jnp.float32),
        name=f"tc_mix{stage}",
    )(agg, deg16, W, bias2d)


def kernel(x, edge_index, W, h_bias):
    src = edge_index[:, 0, :].reshape(-1)
    dst = edge_index[:, 1, :].reshape(-1)
    bias2d = h_bias.reshape(1, D)

    (deg16,) = _make_sc_deg()(dst)
    deg16 = deg16.reshape(R, NP, D)

    (agg1,) = _make_sc_agg()(x, src, dst)
    agg1 = agg1.reshape(R, NP, D)
    h = _tc_mix(0, agg1, deg16, W, bias2d)

    (agg2,) = _make_sc_agg()(h, src, dst)
    agg2 = agg2.reshape(R, NP, D)
    return _tc_mix(1, agg2, deg16, W, bias2d)

# --- scband reference (transcript-rebuilt; emitter-appended) ---
"""Pipeline reference for scband-rel-graph-conv-two-layer-13511967113595 (READ-ONLY COPY).

The authoritative reference and input builder live on the scoring server;
editing this copy changes nothing except your own understanding.
"""

import jax, jax.numpy as jnp
import numpy as np

N = 10000
R = 4
E = 80000
D = 128

def setup_inputs(seed: int = 0):
    key = jax.random.key(seed)
    k1, k2, k3 = jax.random.split(key, 3)
    x = jax.random.normal(k1, (N, D), dtype=jnp.float32)
    edge_index = jax.random.randint(k2, (R, 2, E), 0, N, dtype=jnp.int32)
    gain = np.sqrt(2.0)
    bound = gain * np.sqrt(6.0 / (D + D))
    W = jax.random.uniform(k3, (R, D, D), minval=-bound, maxval=bound, dtype=jnp.float32)
    h_bias = jnp.zeros((D,), dtype=jnp.float32)
    return {"x": x, "edge_index": edge_index, "W": W, "h_bias": h_bias}

def _hetero_conv(feat, edge_index, W):
    # HeteroGraphConv over R relations; each relation is GraphConv(norm='right',
    # weight=False) with an externally supplied weight W[r]. Since in_feat == out_feat,
    # DGL's GraphConv aggregates first then applies the weight (mult-after branch).
    # HeteroGraphConv default cross-relation aggregate is sum.
    n = feat.shape[0]
    out = jnp.zeros((n, W.shape[2]), dtype=feat.dtype)
    for r in range(W.shape[0]):
        src = edge_index[r, 0]
        dst = edge_index[r, 1]
        msg = jnp.take(feat, src, axis=0)
        agg = jax.ops.segment_sum(msg, dst, num_segments=n)
        deg = jax.ops.segment_sum(jnp.ones((src.shape[0],), dtype=feat.dtype), dst, num_segments=n)
        deg = jnp.maximum(deg, 1.0)  # DGL clamps in-degree to min 1 for norm='right'
        rst = (agg / deg[:, None]) @ W[r]
        out = out + rst
    return out

def reference(x, edge_index, W, h_bias):
    # h = relu(conv1(g, inputs)); dropout(p=0.0) is identity in eval
    h = jax.nn.relu(_hetero_conv(x, edge_index, W))
    # conv2 reuses the same wdict (same weight parameter), valid since in_feat == out_feat
    h2 = _hetero_conv(h, edge_index, W)
    # _apply: self_loop=False, bias=True, activation=None, dropout identity
    h2 = h2 + h_bias
    return h2

if __name__ == "__main__":
    import jax
    _d = setup_inputs()
    print(jax.jit(kernel)(*tuple(_d.values())))

</pallas_src>

<mosaic_0001>
#map = affine_map<(d0, d1) -> (0)>
#map1 = affine_map<(d0, d1) -> (0, 0)>
module attributes {stable_mosaic.version = 14 : i64} {
  func.func @sc_rel_deg(%arg0: i32, %arg1: i32, %arg2: memref<320000xi32, #tpu.memory_space<hbm>>, %arg3: memref<40960x128xf32, #tpu.memory_space<hbm>>, %arg4: memref<128xi32, #tpu.memory_space<vmem>>, %arg5: memref<128x128xf32, #tpu.memory_space<vmem>>, %arg6: memref<128x128xf32, #tpu.memory_space<vmem>>, %arg7: memref<8xi32, #tpu.memory_space<vmem>>, %arg8: memref<10240x128xf32, #tpu.memory_space<vmem_shared>>) attributes {dimension_semantics = [#tpu.dimension_semantics<core_parallel>, #tpu.dimension_semantics<subcore_parallel>], iteration_bounds = array<i64: 2, 16>, scalar_prefetch = 0 : i64, scratch_operands = 5 : i64, tpu.core_type = #tpu.core_type<sc_vector_subcore>, window_params = [{transform_indices = #map}, {transform_indices = #map1}]} {
    %broadcast_in_dim3A = arith.constant 0.000000e+00 : f32
    %broadcast_in_dim3A_0 = vector.broadcast %broadcast_in_dim3A : f32 to vector<16xf32>
    %scan3A = arith.constant 0 : i32
    %scan3A_1 = arith.constant 0 : i32
    %scan3A_2 = arith.constant 128 : i32
    %scan3A_3 = arith.addi %scan3A_1, %scan3A_2 : i32
    %scan3A_4 = arith.constant 1 : i32
    %scan3A_5 = scf.for %scan3A_81 = %scan3A_1 to %scan3A_3 step %scan3A_4 iter_args(%scan3A_82 = %scan3A) -> (i32)  : i32 {
      %scan3A_83 = arith.constant 0 : i32
      %scan3A_84 = arith.constant 0 : i32
      %scan3A_85 = arith.constant 8 : i32
      %scan3A_86 = arith.addi %scan3A_84, %scan3A_85 : i32
      %scan3A_87 = arith.constant 1 : i32
      %scan3A_88 = scf.for %scan3A_90 = %scan3A_84 to %scan3A_86 step %scan3A_87 iter_args(%scan3A_91 = %scan3A_83) -> (i32)  : i32 {
        %mul3A_92 = arith.constant 16 : i32
        %mul3A_93 = arith.muli %scan3A_90, %mul3A_92 : i32
        %swap3A = arith.index_cast %scan3A_81 : i32 to index
        %swap3A_94 = arith.index_cast %mul3A_93 : i32 to index
        %swap3A_95 = tpu.vector_load %arg6[%swap3A, %swap3A_94] {strides = array<i32>} : memref<128x128xf32, #tpu.memory_space<vmem>>, vector<1x16xf32>,
        %swap3A_96 = vector.shape_cast %swap3A_95 : vector<1x16xf32> to vector<16xf32>
        %swap3A_97 = vector.shape_cast %broadcast_in_dim3A_0 : vector<16xf32> to vector<1x16xf32>
        tpu.vector_store %arg6[%swap3A, %swap3A_94], %swap3A_97 {strides = array<i32>} : memref<128x128xf32, #tpu.memory_space<vmem>>, vector<1x16xf32>,
        %scan3A_98 = arith.constant 0 : i32
        scf.yield %scan3A_98 : i32
      }
      %scan3A_89 = arith.constant 8 : i32
      scf.yield %scan3A_88 : i32
    }
    %scan3A_6 = arith.constant 128 : i32
    %broadcast_in_dim3A_7 = arith.constant 1.000000e+00 : f32
    %broadcast_in_dim3A_8 = vector.broadcast %broadcast_in_dim3A_7 : f32 to vector<16xf32>
    %scan3A_9 = arith.constant 0 : i32
    %scan3A_10 = arith.constant 0 : i32
    %scan3A_11 = arith.constant 128 : i32
    %scan3A_12 = arith.addi %scan3A_10, %scan3A_11 : i32
    %scan3A_13 = arith.constant 1 : i32
    %scan3A_14 = scf.for %scan3A_81 = %scan3A_10 to %scan3A_12 step %scan3A_13 iter_args(%scan3A_82 = %scan3A_9) -> (i32)  : i32 {
      %scan3A_83 = arith.constant 0 : i32
      %scan3A_84 = arith.constant 0 : i32
      %scan3A_85 = arith.constant 8 : i32
      %scan3A_86 = arith.addi %scan3A_84, %scan3A_85 : i32
      %scan3A_87 = arith.constant 1 : i32
      %scan3A_88 = scf.for %scan3A_90 = %scan3A_84 to %scan3A_86 step %scan3A_87 iter_args(%scan3A_91 = %scan3A_83) -> (i32)  : i32 {
        %mul3A_92 = arith.constant 16 : i32
        %mul3A_93 = arith.muli %scan3A_90, %mul3A_92 : i32
        %swap3A = arith.index_cast %scan3A_81 : i32 to index
        %swap3A_94 = arith.index_cast %mul3A_93 : i32 to index
        %swap3A_95 = tpu.vector_load %arg5[%swap3A, %swap3A_94] {strides = array<i32>} : memref<128x128xf32, #tpu.memory_space<vmem>>, vector<1x16xf32>,
        %swap3A_96 = vector.shape_cast %swap3A_95 : vector<1x16xf32> to vector<16xf32>
        %swap3A_97 = vector.shape_cast %broadcast_in_dim3A_8 : vector<16xf32> to vector<1x16xf32>
        tpu.vector_store %arg5[%swap3A, %swap3A_94], %swap3A_97 {strides = array<i32>} : memref<128x128xf32, #tpu.memory_space<vmem>>, vector<1x16xf32>,
        %scan3A_98 = arith.constant 0 : i32
        scf.yield %scan3A_98 : i32
      }
      %scan3A_89 = arith.constant 8 : i32
      scf.yield %scan3A_88 : i32
    }
    %scan3A_15 = arith.constant 128 : i32
    %mul3A = arith.constant 640 : i32
    %mul3A_16 = arith.muli %arg1, %mul3A : i32
    %mul3A_17 = arith.constant 2 : i32
    %mul3A_18 = arith.muli %arg0, %mul3A_17 : i32
    %add3A = arith.constant 0 : i32
    %add3A_19 = arith.addi %mul3A_18, %add3A : i32
    %add3A_20 = arith.constant 0 : i32
    %add3A_21 = arith.addi %mul3A_16, %add3A_20 : i32
    "tpu.region"() ({
      %run_scoped3A = tpu.sem_alloc : memref<!tpu.dma_semaphore, #tpu.memory_space<semaphore_mem>>
      %dma_start3A = arith.constant 0 : i32
      %dma_start3A_81 = tpu.memref_slice %arg8[%add3A_21, %dma_start3A] : memref<10240x128xf32, #tpu.memory_space<vmem_shared>> -> memref<128x128xf32, #tpu.memory_space<vmem_shared>>
      %dma_start3A_82 = arith.constant 0 : i32
      %dma_start3A_83 = tpu.memref_slice %arg8[%add3A_21, %dma_start3A_82] : memref<10240x128xf32, #tpu.memory_space<vmem_shared>> -> memref<128x128xf32, #tpu.memory_space<vmem_shared>>
      tpu.enqueue_dma source(%arg6 : memref<128x128xf32, #tpu.memory_space<vmem>>) target(%dma_start3A_83 : memref<128x128xf32, #tpu.memory_space<vmem_shared>>) target_semaphore(%run_scoped3A : memref<!tpu.dma_semaphore, #tpu.memory_space<semaphore_mem>>)
      %dma_wait3A = arith.constant 0 : i32
      %dma_wait3A_84 = tpu.memref_slice %arg8[%add3A_21, %dma_wait3A] : memref<10240x128xf32, #tpu.memory_space<vmem_shared>> -> memref<128x128xf32, #tpu.memory_space<vmem_shared>>
      %dma_wait3A_85 = arith.constant 0 : i32
      %dma_wait3A_86 = tpu.memref_slice %arg8[%add3A_21, %dma_wait3A_85] : memref<10240x128xf32, #tpu.memory_space<vmem_shared>> -> memref<128x128xf32, #tpu.memory_space<vmem_shared>>
      tpu.wait_dma2 semaphore(%run_scoped3A : memref<!tpu.dma_semaphore, #tpu.memory_space<semaphore_mem>>) src(%arg6 : memref<128x128xf32, #tpu.memory_space<vmem>>) dst(%dma_wait3A_86 : memref<128x128xf32, #tpu.memory_space<vmem_shared>>)
      tpu.yield
    }) : () -> ()
    %add3A_22 = arith.constant 128 : i32
    %add3A_23 = arith.addi %mul3A_16, %add3A_22 : i32
    "tpu.region"() ({
      %run_scoped3A = tpu.sem_alloc : memref<!tpu.dma_semaphore, #tpu.memory_space<semaphore_mem>>
      %dma_start3A = arith.constant 0 : i32
      %dma_start3A_81 = tpu.memref_slice %arg8[%add3A_23, %dma_start3A] : memref<10240x128xf32, #tpu.memory_space<vmem_shared>> -> memref<128x128xf32, #tpu.memory_space<vmem_shared>>
      %dma_start3A_82 = arith.constant 0 : i32
      %dma_start3A_83 = tpu.memref_slice %arg8[%add3A_23, %dma_start3A_82] : memref<10240x128xf32, #tpu.memory_space<vmem_shared>> -> memref<128x128xf32, #tpu.memory_space<vmem_shared>>
      tpu.enqueue_dma source(%arg6 : memref<128x128xf32, #tpu.memory_space<vmem>>) target(%dma_start3A_83 : memref<128x128xf32, #tpu.memory_space<vmem_shared>>) target_semaphore(%run_scoped3A : memref<!tpu.dma_semaphore, #tpu.memory_space<semaphore_mem>>)
      %dma_wait3A = arith.constant 0 : i32
      %dma_wait3A_84 = tpu.memref_slice %arg8[%add3A_23, %dma_wait3A] : memref<10240x128xf32, #tpu.memory_space<vmem_shared>> -> memref<128x128xf32, #tpu.memory_space<vmem_shared>>
      %dma_wait3A_85 = arith.constant 0 : i32
      %dma_wait3A_86 = tpu.memref_slice %arg8[%add3A_23, %dma_wait3A_85] : memref<10240x128xf32, #tpu.memory_space<vmem_shared>> -> memref<128x128xf32, #tpu.memory_space<vmem_shared>>
      tpu.wait_dma2 semaphore(%run_scoped3A : memref<!tpu.dma_semaphore, #tpu.memory_space<semaphore_mem>>) src(%arg6 : memref<128x128xf32, #tpu.memory_space<vmem>>) dst(%dma_wait3A_86 : memref<128x128xf32, #tpu.memory_space<vmem_shared>>)
      tpu.yield
    }) : () -> ()
    %add3A_24 = arith.constant 256 : i32
    %add3A_25 = arith.addi %mul3A_16, %add3A_24 : i32
    "tpu.region"() ({
      %run_scoped3A = tpu.sem_alloc : memref<!tpu.dma_semaphore, #tpu.memory_space<semaphore_mem>>
      %dma_start3A = arith.constant 0 : i32
      %dma_start3A_81 = tpu.memref_slice %arg8[%add3A_25, %dma_start3A] : memref<10240x128xf32, #tpu.memory_space<vmem_shared>> -> memref<128x128xf32, #tpu.memory_space<vmem_shared>>
      %dma_start3A_82 = arith.constant 0 : i32
      %dma_start3A_83 = tpu.memref_slice %arg8[%add3A_25, %dma_start3A_82] : memref<10240x128xf32, #tpu.memory_space<vmem_shared>> -> memref<128x128xf32, #tpu.memory_space<vmem_shared>>
      tpu.enqueue_dma source(%arg6 : memref<128x128xf32, #tpu.memory_space<vmem>>) target(%dma_start3A_83 : memref<128x128xf32, #tpu.memory_space<vmem_shared>>) target_semaphore(%run_scoped3A : memref<!tpu.dma_semaphore, #tpu.memory_space<semaphore_mem>>)
      %dma_wait3A = arith.constant 0 : i32
      %dma_wait3A_84 = tpu.memref_slice %arg8[%add3A_25, %dma_wait3A] : memref<10240x128xf32, #tpu.memory_space<vmem_shared>> -> memref<128x128xf32, #tpu.memory_space<vmem_shared>>
      %dma_wait3A_85 = arith.constant 0 : i32
      %dma_wait3A_86 = tpu.memref_slice %arg8[%add3A_25, %dma_wait3A_85] : memref<10240x128xf32, #tpu.memory_space<vmem_shared>> -> memref<128x128xf32, #tpu.memory_space<vmem_shared>>
      tpu.wait_dma2 semaphore(%run_scoped3A : memref<!tpu.dma_semaphore, #tpu.memory_space<semaphore_mem>>) src(%arg6 : memref<128x128xf32, #tpu.memory_space<vmem>>) dst(%dma_wait3A_86 : memref<128x128xf32, #tpu.memory_space<vmem_shared>>)
      tpu.yield
    }) : () -> ()
    %add3A_26 = arith.constant 384 : i32
    %add3A_27 = arith.addi %mul3A_16, %add3A_26 : i32
    "tpu.region"() ({
      %run_scoped3A = tpu.sem_alloc : memref<!tpu.dma_semaphore, #tpu.memory_space<semaphore_mem>>
      %dma_start3A = arith.constant 0 : i32
      %dma_start3A_81 = tpu.memref_slice %arg8[%add3A_27, %dma_start3A] : memref<10240x128xf32, #tpu.memory_space<vmem_shared>> -> memref<128x128xf32, #tpu.memory_space<vmem_shared>>
      %dma_start3A_82 = arith.constant 0 : i32
      %dma_start3A_83 = tpu.memref_slice %arg8[%add3A_27, %dma_start3A_82] : memref<10240x128xf32, #tpu.memory_space<vmem_shared>> -> memref<128x128xf32, #tpu.memory_space<vmem_shared>>
      tpu.enqueue_dma source(%arg6 : memref<128x128xf32, #tpu.memory_space<vmem>>) target(%dma_start3A_83 : memref<128x128xf32, #tpu.memory_space<vmem_shared>>) target_semaphore(%run_scoped3A : memref<!tpu.dma_semaphore, #tpu.memory_space<semaphore_mem>>)
      %dma_wait3A = arith.constant 0 : i32
      %dma_wait3A_84 = tpu.memref_slice %arg8[%add3A_27, %dma_wait3A] : memref<10240x128xf32, #tpu.memory_space<vmem_shared>> -> memref<128x128xf32, #tpu.memory_space<vmem_shared>>
      %dma_wait3A_85 = arith.constant 0 : i32
      %dma_wait3A_86 = tpu.memref_slice %arg8[%add3A_27, %dma_wait3A_85] : memref<10240x128xf32, #tpu.memory_space<vmem_shared>> -> memref<128x128xf32, #tpu.memory_space<vmem_shared>>
      tpu.wait_dma2 semaphore(%run_scoped3A : memref<!tpu.dma_semaphore, #tpu.memory_space<semaphore_mem>>) src(%arg6 : memref<128x128xf32, #tpu.memory_space<vmem>>) dst(%dma_wait3A_86 : memref<128x128xf32, #tpu.memory_space<vmem_shared>>)
      tpu.yield
    }) : () -> ()
    %add3A_28 = arith.constant 512 : i32
    %add3A_29 = arith.addi %mul3A_16, %add3A_28 : i32
    "tpu.region"() ({
      %run_scoped3A = tpu.sem_alloc : memref<!tpu.dma_semaphore, #tpu.memory_space<semaphore_mem>>
      %dma_start3A = arith.constant 0 : i32
      %dma_start3A_81 = tpu.memref_slice %arg8[%add3A_29, %dma_start3A] : memref<10240x128xf32, #tpu.memory_space<vmem_shared>> -> memref<128x128xf32, #tpu.memory_space<vmem_shared>>
      %dma_start3A_82 = arith.constant 0 : i32
      %dma_start3A_83 = tpu.memref_slice %arg8[%add3A_29, %dma_start3A_82] : memref<10240x128xf32, #tpu.memory_space<vmem_shared>> -> memref<128x128xf32, #tpu.memory_space<vmem_shared>>
      tpu.enqueue_dma source(%arg6 : memref<128x128xf32, #tpu.memory_space<vmem>>) target(%dma_start3A_83 : memref<128x128xf32, #tpu.memory_space<vmem_shared>>) target_semaphore(%run_scoped3A : memref<!tpu.dma_semaphore, #tpu.memory_space<semaphore_mem>>)
      %dma_wait3A = arith.constant 0 : i32
      %dma_wait3A_84 = tpu.memref_slice %arg8[%add3A_29, %dma_wait3A] : memref<10240x128xf32, #tpu.memory_space<vmem_shared>> -> memref<128x128xf32, #tpu.memory_space<vmem_shared>>
      %dma_wait3A_85 = arith.constant 0 : i32
      %dma_wait3A_86 = tpu.memref_slice %arg8[%add3A_29, %dma_wait3A_85] : memref<10240x128xf32, #tpu.memory_space<vmem_shared>> -> memref<128x128xf32, #tpu.memory_space<vmem_shared>>
      tpu.wait_dma2 semaphore(%run_scoped3A : memref<!tpu.dma_semaphore, #tpu.memory_space<semaphore_mem>>) src(%arg6 : memref<128x128xf32, #tpu.memory_space<vmem>>) dst(%dma_wait3A_86 : memref<128x128xf32, #tpu.memory_space<vmem_shared>>)
      tpu.yield
    }) : () -> ()
    %barrier3A = arith.constant 0 : index
    tpu.barrier barrier_id(%barrier3A)
    %mul3A_30 = arith.constant 80000 : i32
    %mul3A_31 = arith.muli %add3A_19, %mul3A_30 : i32
    %mul3A_32 = arith.constant 5000 : i32
    %mul3A_33 = arith.muli %arg1, %mul3A_32 : i32
    %add3A_34 = arith.addi %mul3A_31, %mul3A_33 : i32
    %scan3A_35 = arith.constant 0 : i32
    %scan3A_36 = arith.constant 0 : i32
    %scan3A_37 = arith.constant 39 : i32
    %scan3A_38 = arith.addi %scan3A_36, %scan3A_37 : i32
    %scan3A_39 = arith.constant 1 : i32
    %scan3A_40 = scf.for %scan3A_81 = %scan3A_36 to %scan3A_38 step %scan3A_39 iter_args(%scan3A_82 = %scan3A_35) -> (i32)  : i32 {
      %mul3A_83 = arith.constant 128 : i32
      %mul3A_84 = arith.muli %scan3A_81, %mul3A_83 : i32
      %add3A_85 = arith.addi %add3A_34, %mul3A_84 : i32
      "tpu.region"() ({
        %run_scoped3A = tpu.sem_alloc : memref<!tpu.dma_semaphore, #tpu.memory_space<semaphore_mem>>
        %dma_start3A = tpu.memref_slice %arg2[%add3A_85] : memref<320000xi32, #tpu.memory_space<hbm>> -> memref<128xi32, #tpu.memory_space<hbm>>
        %dma_start3A_87 = tpu.memref_slice %arg2[%add3A_85] : memref<320000xi32, #tpu.memory_space<hbm>> -> memref<128xi32, #tpu.memory_space<hbm>>
        tpu.enqueue_dma source(%dma_start3A_87 : memref<128xi32, #tpu.memory_space<hbm>>) target(%arg4 : memref<128xi32, #tpu.memory_space<vmem>>) target_semaphore(%run_scoped3A : memref<!tpu.dma_semaphore, #tpu.memory_space<semaphore_mem>>)
        %dma_wait3A = tpu.memref_slice %arg2[%add3A_85] : memref<320000xi32, #tpu.memory_space<hbm>> -> memref<128xi32, #tpu.memory_space<hbm>>
        %dma_wait3A_88 = tpu.memref_slice %arg2[%add3A_85] : memref<320000xi32, #tpu.memory_space<hbm>> -> memref<128xi32, #tpu.memory_space<hbm>>
        tpu.wait_dma2 semaphore(%run_scoped3A : memref<!tpu.dma_semaphore, #tpu.memory_space<semaphore_mem>>) src(%dma_wait3A_88 : memref<128xi32, #tpu.memory_space<hbm>>) dst(%arg4 : memref<128xi32, #tpu.memory_space<vmem>>)
        tpu.yield
      }) : () -> ()
      "tpu.region"() ({
        %run_scoped3A = tpu.sem_alloc : memref<!tpu.dma_semaphore, #tpu.memory_space<semaphore_mem>>
        %dma_start3A = arith.constant 0 : i32
        %dma_start3A_87 = arith.constant 0 : i32
        %dma_start3A_88 = tpu.memref_slice %arg8[%dma_start3A, %dma_start3A_87] : memref<10240x128xf32, #tpu.memory_space<vmem_shared>> -> memref<10240x128xf32, #tpu.memory_space<vmem_shared>>
        tpu.enqueue_indirect_dma source(%arg5 : memref<128x128xf32, #tpu.memory_space<vmem>>) target(%dma_start3A_88 : memref<10240x128xf32, #tpu.memory_space<vmem_shared>>) offsets(%arg4 : memref<128xi32, #tpu.memory_space<vmem>>) semaphore(%run_scoped3A : memref<!tpu.dma_semaphore, #tpu.memory_space<semaphore_mem>>) {add = true}
        %dma_wait3A = arith.constant 0 : i32
        %dma_wait3A_89 = arith.constant 0 : i32
        %dma_wait3A_90 = tpu.memref_slice %arg8[%dma_wait3A, %dma_wait3A_89] : memref<10240x128xf32, #tpu.memory_space<vmem_shared>> -> memref<10240x128xf32, #tpu.memory_space<vmem_shared>>
        tpu.wait_indirect_dma semaphore(%run_scoped3A : memref<!tpu.dma_semaphore, #tpu.memory_space<semaphore_mem>>) src(%arg5 : memref<128x128xf32, #tpu.memory_space<vmem>>) dst(%dma_wait3A_90 : memref<10240x128xf32, #tpu.memory_space<vmem_shared>>)
        tpu.yield
      }) : () -> ()
      %scan3A_86 = arith.constant 0 : i32
      scf.yield %scan3A_86 : i32
    }
    %scan3A_41 = arith.constant 39 : i32
    %add3A_42 = arith.constant 4992 : i32
    %add3A_43 = arith.addi %add3A_34, %add3A_42 : i32
    "tpu.region"() ({
      %run_scoped3A = tpu.sem_alloc : memref<!tpu.dma_semaphore, #tpu.memory_space<semaphore_mem>>
      %dma_start3A = tpu.memref_slice %arg2[%add3A_43] : memref<320000xi32, #tpu.memory_space<hbm>> -> memref<8xi32, #tpu.memory_space<hbm>>
      %dma_start3A_81 = tpu.memref_slice %arg2[%add3A_43] : memref<320000xi32, #tpu.memory_space<hbm>> -> memref<8xi32, #tpu.memory_space<hbm>>
      tpu.enqueue_dma source(%dma_start3A_81 : memref<8xi32, #tpu.memory_space<hbm>>) target(%arg7 : memref<8xi32, #tpu.memory_space<vmem>>) target_semaphore(%run_scoped3A : memref<!tpu.dma_semaphore, #tpu.memory_space<semaphore_mem>>)
      %dma_wait3A = tpu.memref_slice %arg2[%add3A_43] : memref<320000xi32, #tpu.memory_space<hbm>> -> memref<8xi32, #tpu.memory_space<hbm>>
      %dma_wait3A_82 = tpu.memref_slice %arg2[%add3A_43] : memref<320000xi32, #tpu.memory_space<hbm>> -> memref<8xi32, #tpu.memory_space<hbm>>
      tpu.wait_dma2 semaphore(%run_scoped3A : memref<!tpu.dma_semaphore, #tpu.memory_space<semaphore_mem>>) src(%dma_wait3A_82 : memref<8xi32, #tpu.memory_space<hbm>>) dst(%arg7 : memref<8xi32, #tpu.memory_space<vmem>>)
      tpu.yield
    }) : () -> ()
    "tpu.region"() ({
      %run_scoped3A = tpu.sem_alloc : memref<!tpu.dma_semaphore, #tpu.memory_space<semaphore_mem>>
      %dma_start3A = arith.constant 0 : i32
      %dma_start3A_81 = arith.constant 0 : i32
      %dma_start3A_82 = tpu.memref_slice %arg5[%dma_start3A, %dma_start3A_81] : memref<128x128xf32, #tpu.memory_space<vmem>> -> memref<8x128xf32, #tpu.memory_space<vmem>>
      %dma_start3A_83 = arith.constant 0 : i32
      %dma_start3A_84 = arith.constant 0 : i32
      %dma_start3A_85 = tpu.memref_slice %arg8[%dma_start3A_83, %dma_start3A_84] : memref<10240x128xf32, #tpu.memory_space<vmem_shared>> -> memref<10240x128xf32, #tpu.memory_space<vmem_shared>>
      tpu.enqueue_indirect_dma source(%dma_start3A_82 : memref<8x128xf32, #tpu.memory_space<vmem>>) target(%dma_start3A_85 : memref<10240x128xf32, #tpu.memory_space<vmem_shared>>) offsets(%arg7 : memref<8xi32, #tpu.memory_space<vmem>>) semaphore(%run_scoped3A : memref<!tpu.dma_semaphore, #tpu.memory_space<semaphore_mem>>) {add = true}
      %dma_wait3A = arith.constant 0 : i32
      %dma_wait3A_86 = arith.constant 0 : i32
      %dma_wait3A_87 = tpu.memref_slice %arg5[%dma_wait3A, %dma_wait3A_86] : memref<128x128xf32, #tpu.memory_space<vmem>> -> memref<8x128xf32, #tpu.memory_space<vmem>>
      %dma_wait3A_88 = arith.constant 0 : i32
      %dma_wait3A_89 = arith.constant 0 : i32
      %dma_wait3A_90 = tpu.memref_slice %arg8[%dma_wait3A_88, %dma_wait3A_89] : memref<10240x128xf32, #tpu.memory_space<vmem_shared>> -> memref<10240x128xf32, #tpu.memory_space<vmem_shared>>
      tpu.wait_indirect_dma semaphore(%run_scoped3A : memref<!tpu.dma_semaphore, #tpu.memory_space<semaphore_mem>>) src(%dma_wait3A_87 : memref<8x128xf32, #tpu.memory_space<vmem>>) dst(%dma_wait3A_90 : memref<10240x128xf32, #tpu.memory_space<vmem_shared>>)
      tpu.yield
    }) : () -> ()
    %barrier3A_44 = arith.constant 0 : index
    tpu.barrier barrier_id(%barrier3A_44)
    %mul3A_45 = arith.constant 10240 : i32
    %mul3A_46 = arith.muli %add3A_19, %mul3A_45 : i32
    %add3A_47 = arith.addi %mul3A_46, %mul3A_16 : i32
    "tpu.region"() ({
      %run_scoped3A = tpu.sem_alloc : memref<!tpu.dma_semaphore, #tpu.memory_space<semaphore_mem>>
      %dma_start3A = arith.constant 0 : i32
      %dma_start3A_81 = tpu.memref_slice %arg3[%add3A_47, %dma_start3A] : memref<40960x128xf32, #tpu.memory_space<hbm>> -> memref<640x128xf32, #tpu.memory_space<hbm>>
      %dma_start3A_82 = arith.constant 0 : i32
      %dma_start3A_83 = tpu.memref_slice %arg8[%mul3A_16, %dma_start3A_82] : memref<10240x128xf32, #tpu.memory_space<vmem_shared>> -> memref<640x128xf32, #tpu.memory_space<vmem_shared>>
      tpu.enqueue_dma source(%dma_start3A_83 : memref<640x128xf32, #tpu.memory_space<vmem_shared>>) target(%dma_start3A_81 : memref<640x128xf32, #tpu.memory_space<hbm>>) target_semaphore(%run_scoped3A : memref<!tpu.dma_semaphore, #tpu.memory_space<semaphore_mem>>)
      %dma_wait3A = arith.constant 0 : i32
      %dma_wait3A_84 = tpu.memref_slice %arg3[%add3A_47, %dma_wait3A] : memref<40960x128xf32, #tpu.memory_space<hbm>> -> memref<640x128xf32, #tpu.memory_space<hbm>>
      %dma_wait3A_85 = arith.constant 0 : i32
      %dma_wait3A_86 = tpu.memref_slice %arg8[%mul3A_16, %dma_wait3A_85] : memref<10240x128xf32, #tpu.memory_space<vmem_shared>> -> memref<640x128xf32, #tpu.memory_space<vmem_shared>>
      tpu.wait_dma2 semaphore(%run_scoped3A : memref<!tpu.dma_semaphore, #tpu.memory_space<semaphore_mem>>) src(%dma_wait3A_86 : memref<640x128xf32, #tpu.memory_space<vmem_shared>>) dst(%dma_wait3A_84 : memref<640x128xf32, #tpu.memory_space<hbm>>)
      tpu.yield
    }) : () -> ()
    %mul3A_48 = arith.constant 2 : i32
    %mul3A_49 = arith.muli %arg0, %mul3A_48 : i32
    %add3A_50 = arith.constant 1 : i32
    %add3A_51 = arith.addi %mul3A_49, %add3A_50 : i32
    %add3A_52 = arith.constant 0 : i32
    %add3A_53 = arith.addi %mul3A_16, %add3A_52 : i32
    "tpu.region"() ({
      %run_scoped3A = tpu.sem_alloc : memref<!tpu.dma_semaphore, #tpu.memory_space<semaphore_mem>>
      %dma_start3A = arith.constant 0 : i32
      %dma_start3A_81 = tpu.memref_slice %arg8[%add3A_53, %dma_start3A] : memref<10240x128xf32, #tpu.memory_space<vmem_shared>> -> memref<128x128xf32, #tpu.memory_space<vmem_shared>>
      %dma_start3A_82 = arith.constant 0 : i32
      %dma_start3A_83 = tpu.memref_slice %arg8[%add3A_53, %dma_start3A_82] : memref<10240x128xf32, #tpu.memory_space<vmem_shared>> -> memref<128x128xf32, #tpu.memory_space<vmem_shared>>
      tpu.enqueue_dma source(%arg6 : memref<128x128xf32, #tpu.memory_space<vmem>>) target(%dma_start3A_83 : memref<128x128xf32, #tpu.memory_space<vmem_shared>>) target_semaphore(%run_scoped3A : memref<!tpu.dma_semaphore, #tpu.memory_space<semaphore_mem>>)
      %dma_wait3A = arith.constant 0 : i32
      %dma_wait3A_84 = tpu.memref_slice %arg8[%add3A_53, %dma_wait3A] : memref<10240x128xf32, #tpu.memory_space<vmem_shared>> -> memref<128x128xf32, #tpu.memory_space<vmem_shared>>
      %dma_wait3A_85 = arith.constant 0 : i32
      %dma_wait3A_86 = tpu.memref_slice %arg8[%add3A_53, %dma_wait3A_85] : memref<10240x128xf32, #tpu.memory_space<vmem_shared>> -> memref<128x128xf32, #tpu.memory_space<vmem_shared>>
      tpu.wait_dma2 semaphore(%run_scoped3A : memref<!tpu.dma_semaphore, #tpu.memory_space<semaphore_mem>>) src(%arg6 : memref<128x128xf32, #tpu.memory_space<vmem>>) dst(%dma_wait3A_86 : memref<128x128xf32, #tpu.memory_space<vmem_shared>>)
      tpu.yield
    }) : () -> ()
    %add3A_54 = arith.constant 128 : i32
    %add3A_55 = arith.addi %mul3A_16, %add3A_54 : i32
    "tpu.region"() ({
      %run_scoped3A = tpu.sem_alloc : memref<!tpu.dma_semaphore, #tpu.memory_space<semaphore_mem>>
      %dma_start3A = arith.constant 0 : i32
      %dma_start3A_81 = tpu.memref_slice %arg8[%add3A_55, %dma_start3A] : memref<10240x128xf32, #tpu.memory_space<vmem_shared>> -> memref<128x128xf32, #tpu.memory_space<vmem_shared>>
      %dma_start3A_82 = arith.constant 0 : i32
      %dma_start3A_83 = tpu.memref_slice %arg8[%add3A_55, %dma_start3A_82] : memref<10240x128xf32, #tpu.memory_space<vmem_shared>> -> memref<128x128xf32, #tpu.memory_space<vmem_shared>>
      tpu.enqueue_dma source(%arg6 : memref<128x128xf32, #tpu.memory_space<vmem>>) target(%dma_start3A_83 : memref<128x128xf32, #tpu.memory_space<vmem_shared>>) target_semaphore(%run_scoped3A : memref<!tpu.dma_semaphore, #tpu.memory_space<semaphore_mem>>)
      %dma_wait3A = arith.constant 0 : i32
      %dma_wait3A_84 = tpu.memref_slice %arg8[%add3A_55, %dma_wait3A] : memref<10240x128xf32, #tpu.memory_space<vmem_shared>> -> memref<128x128xf32, #tpu.memory_space<vmem_shared>>
      %dma_wait3A_85 = arith.constant 0 : i32
      %dma_wait3A_86 = tpu.memref_slice %arg8[%add3A_55, %dma_wait3A_85] : memref<10240x128xf32, #tpu.memory_space<vmem_shared>> -> memref<128x128xf32, #tpu.memory_space<vmem_shared>>
      tpu.wait_dma2 semaphore(%run_scoped3A : memref<!tpu.dma_semaphore, #tpu.memory_space<semaphore_mem>>) src(%arg6 : memref<128x128xf32, #tpu.memory_space<vmem>>) dst(%dma_wait3A_86 : memref<128x128xf32, #tpu.memory_space<vmem_shared>>)
      tpu.yield
    }) : () -> ()
    %add3A_56 = arith.constant 256 : i32
    %add3A_57 = arith.addi %mul3A_16, %add3A_56 : i32
    "tpu.region"() ({
      %run_scoped3A = tpu.sem_alloc : memref<!tpu.dma_semaphore, #tpu.memory_space<semaphore_mem>>
      %dma_start3A = arith.constant 0 : i32
      %dma_start3A_81 = tpu.memref_slice %arg8[%add3A_57, %dma_start3A] : memref<10240x128xf32, #tpu.memory_space<vmem_shared>> -> memref<128x128xf32, #tpu.memory_space<vmem_shared>>
      %dma_start3A_82 = arith.constant 0 : i32
      %dma_start3A_83 = tpu.memref_slice %arg8[%add3A_57, %dma_start3A_82] : memref<10240x128xf32, #tpu.memory_space<vmem_shared>> -> memref<128x128xf32, #tpu.memory_space<vmem_shared>>
      tpu.enqueue_dma source(%arg6 : memref<128x128xf32, #tpu.memory_space<vmem>>) target(%dma_start3A_83 : memref<128x128xf32, #tpu.memory_space<vmem_shared>>) target_semaphore(%run_scoped3A : memref<!tpu.dma_semaphore, #tpu.memory_space<semaphore_mem>>)
      %dma_wait3A = arith.constant 0 : i32
      %dma_wait3A_84 = tpu.memref_slice %arg8[%add3A_57, %dma_wait3A] : memref<10240x128xf32, #tpu.memory_space<vmem_shared>> -> memref<128x128xf32, #tpu.memory_space<vmem_shared>>
      %dma_wait3A_85 = arith.constant 0 : i32
      %dma_wait3A_86 = tpu.memref_slice %arg8[%add3A_57, %dma_wait3A_85] : memref<10240x128xf32, #tpu.memory_space<vmem_shared>> -> memref<128x128xf32, #tpu.memory_space<vmem_shared>>
      tpu.wait_dma2 semaphore(%run_scoped3A : memref<!tpu.dma_semaphore, #tpu.memory_space<semaphore_mem>>) src(%arg6 : memref<128x128xf32, #tpu.memory_space<vmem>>) dst(%dma_wait3A_86 : memref<128x128xf32, #tpu.memory_space<vmem_shared>>)
      tpu.yield
    }) : () -> ()
    %add3A_58 = arith.constant 384 : i32
    %add3A_59 = arith.addi %mul3A_16, %add3A_58 : i32
    "tpu.region"() ({
      %run_scoped3A = tpu.sem_alloc : memref<!tpu.dma_semaphore, #tpu.memory_space<semaphore_mem>>
      %dma_start3A = arith.constant 0 : i32
      %dma_start3A_81 = tpu.memref_slice %arg8[%add3A_59, %dma_start3A] : memref<10240x128xf32, #tpu.memory_space<vmem_shared>> -> memref<128x128xf32, #tpu.memory_space<vmem_shared>>
      %dma_start3A_82 = arith.constant 0 : i32
      %dma_start3A_83 = tpu.memref_slice %arg8[%add3A_59, %dma_start3A_82] : memref<10240x128xf32, #tpu.memory_space<vmem_shared>> -> memref<128x128xf32, #tpu.memory_space<vmem_shared>>
      tpu.enqueue_dma source(%arg6 : memref<128x128xf32, #tpu.memory_space<vmem>>) target(%dma_start3A_83 : memref<128x128xf32, #tpu.memory_space<vmem_shared>>) target_semaphore(%run_scoped3A : memref<!tpu.dma_semaphore, #tpu.memory_space<semaphore_mem>>)
      %dma_wait3A = arith.constant 0 : i32
      %dma_wait3A_84 = tpu.memref_slice %arg8[%add3A_59, %dma_wait3A] : memref<10240x128xf32, #tpu.memory_space<vmem_shared>> -> memref<128x128xf32, #tpu.memory_space<vmem_shared>>
      %dma_wait3A_85 = arith.constant 0 : i32
      %dma_wait3A_86 = tpu.memref_slice %arg8[%add3A_59, %dma_wait3A_85] : memref<10240x128xf32, #tpu.memory_space<vmem_shared>> -> memref<128x128xf32, #tpu.memory_space<vmem_shared>>
      tpu.wait_dma2 semaphore(%run_scoped3A : memref<!tpu.dma_semaphore, #tpu.memory_space<semaphore_mem>>) src(%arg6 : memref<128x128xf32, #tpu.memory_space<vmem>>) dst(%dma_wait3A_86 : memref<128x128xf32, #tpu.memory_space<vmem_shared>>)
      tpu.yield
    }) : () -> ()
    %add3A_60 = arith.constant 512 : i32
    %add3A_61 = arith.addi %mul3A_16, %add3A_60 : i32
    "tpu.region"() ({
      %run_scoped3A = tpu.sem_alloc : memref<!tpu.dma_semaphore, #tpu.memory_space<semaphore_mem>>
      %dma_start3A = arith.constant 0 : i32
      %dma_start3A_81 = tpu.memref_slice %arg8[%add3A_61, %dma_start3A] : memref<10240x128xf32, #tpu.memory_space<vmem_shared>> -> memref<128x128xf32, #tpu.memory_space<vmem_shared>>
      %dma_start3A_82 = arith.constant 0 : i32
      %dma_start3A_83 = tpu.memref_slice %arg8[%add3A_61, %dma_start3A_82] : memref<10240x128xf32, #tpu.memory_space<vmem_shared>> -> memref<128x128xf32, #tpu.memory_space<vmem_shared>>
      tpu.enqueue_dma source(%arg6 : memref<128x128xf32, #tpu.memory_space<vmem>>) target(%dma_start3A_83 : memref<128x128xf32, #tpu.memory_space<vmem_shared>>) target_semaphore(%run_scoped3A : memref<!tpu.dma_semaphore, #tpu.memory_space<semaphore_mem>>)
      %dma_wait3A = arith.constant 0 : i32
      %dma_wait3A_84 = tpu.memref_slice %arg8[%add3A_61, %dma_wait3A] : memref<10240x128xf32, #tpu.memory_space<vmem_shared>> -> memref<128x128xf32, #tpu.memory_space<vmem_shared>>
      %dma_wait3A_85 = arith.constant 0 : i32
      %dma_wait3A_86 = tpu.memref_slice %arg8[%add3A_61, %dma_wait3A_85] : memref<10240x128xf32, #tpu.memory_space<vmem_shared>> -> memref<128x128xf32, #tpu.memory_space<vmem_shared>>
      tpu.wait_dma2 semaphore(%run_scoped3A : memref<!tpu.dma_semaphore, #tpu.memory_space<semaphore_mem>>) src(%arg6 : memref<128x128xf32, #tpu.memory_space<vmem>>) dst(%dma_wait3A_86 : memref<128x128xf32, #tpu.memory_space<vmem_shared>>)
      tpu.yield
    }) : () -> ()
    %barrier3A_62 = arith.constant 0 : index
    tpu.barrier barrier_id(%barrier3A_62)
    %mul3A_63 = arith.constant 80000 : i32
    %mul3A_64 = arith.muli %add3A_51, %mul3A_63 : i32
    %mul3A_65 = arith.constant 5000 : i32
    %mul3A_66 = arith.muli %arg1, %mul3A_65 : i32
    %add3A_67 = arith.addi %mul3A_64, %mul3A_66 : i32
    %scan3A_68 = arith.constant 0 : i32
    %scan3A_69 = arith.constant 0 : i32
    %scan3A_70 = arith.constant 39 : i32
    %scan3A_71 = arith.addi %scan3A_69, %scan3A_70 : i32
    %scan3A_72 = arith.constant 1 : i32
    %scan3A_73 = scf.for %scan3A_81 = %scan3A_69 to %scan3A_71 step %scan3A_72 iter_args(%scan3A_82 = %scan3A_68) -> (i32)  : i32 {
      %mul3A_83 = arith.constant 128 : i32
      %mul3A_84 = arith.muli %scan3A_81, %mul3A_83 : i32
      %add3A_85 = arith.addi %add3A_67, %mul3A_84 : i32
      "tpu.region"() ({
        %run_scoped3A = tpu.sem_alloc : memref<!tpu.dma_semaphore, #tpu.memory_space<semaphore_mem>>
        %dma_start3A = tpu.memref_slice %arg2[%add3A_85] : memref<320000xi32, #tpu.memory_space<hbm>> -> memref<128xi32, #tpu.memory_space<hbm>>
        %dma_start3A_87 = tpu.memref_slice %arg2[%add3A_85] : memref<320000xi32, #tpu.memory_space<hbm>> -> memref<128xi32, #tpu.memory_space<hbm>>
        tpu.enqueue_dma source(%dma_start3A_87 : memref<128xi32, #tpu.memory_space<hbm>>) target(%arg4 : memref<128xi32, #tpu.memory_space<vmem>>) target_semaphore(%run_scoped3A : memref<!tpu.dma_semaphore, #tpu.memory_space<semaphore_mem>>)
        %dma_wait3A = tpu.memref_slice %arg2[%add3A_85] : memref<320000xi32, #tpu.memory_space<hbm>> -> memref<128xi32, #tpu.memory_space<hbm>>
        %dma_wait3A_88 = tpu.memref_slice %arg2[%add3A_85] : memref<320000xi32, #tpu.memory_space<hbm>> -> memref<128xi32, #tpu.memory_space<hbm>>
        tpu.wait_dma2 semaphore(%run_scoped3A : memref<!tpu.dma_semaphore, #tpu.memory_space<semaphore_mem>>) src(%dma_wait3A_88 : memref<128xi32, #tpu.memory_space<hbm>>) dst(%arg4 : memref<128xi32, #tpu.memory_space<vmem>>)
        tpu.yield
      }) : () -> ()
      "tpu.region"() ({
        %run_scoped3A = tpu.sem_alloc : memref<!tpu.dma_semaphore, #tpu.memory_space<semaphore_mem>>
        %dma_start3A = arith.constant 0 : i32
        %dma_start3A_87 = arith.constant 0 : i32
        %dma_start3A_88 = tpu.memref_slice %arg8[%dma_start3A, %dma_start3A_87] : memref<10240x128xf32, #tpu.memory_space<vmem_shared>> -> memref<10240x128xf32, #tpu.memory_space<vmem_shared>>
        tpu.enqueue_indirect_dma source(%arg5 : memref<128x128xf32, #tpu.memory_space<vmem>>) target(%dma_start3A_88 : memref<10240x128xf32, #tpu.memory_space<vmem_shared>>) offsets(%arg4 : memref<128xi32, #tpu.memory_space<vmem>>) semaphore(%run_scoped3A : memref<!tpu.dma_semaphore, #tpu.memory_space<semaphore_mem>>) {add = true}
        %dma_wait3A = arith.constant 0 : i32
        %dma_wait3A_89 = arith.constant 0 : i32
        %dma_wait3A_90 = tpu.memref_slice %arg8[%dma_wait3A, %dma_wait3A_89] : memref<10240x128xf32, #tpu.memory_space<vmem_shared>> -> memref<10240x128xf32, #tpu.memory_space<vmem_shared>>
        tpu.wait_indirect_dma semaphore(%run_scoped3A : memref<!tpu.dma_semaphore, #tpu.memory_space<semaphore_mem>>) src(%arg5 : memref<128x128xf32, #tpu.memory_space<vmem>>) dst(%dma_wait3A_90 : memref<10240x128xf32, #tpu.memory_space<vmem_shared>>)
        tpu.yield
      }) : () -> ()
      %scan3A_86 = arith.constant 0 : i32
      scf.yield %scan3A_86 : i32
    }
    %scan3A_74 = arith.constant 39 : i32
    %add3A_75 = arith.constant 4992 : i32
    %add3A_76 = arith.addi %add3A_67, %add3A_75 : i32
    "tpu.region"() ({
      %run_scoped3A = tpu.sem_alloc : memref<!tpu.dma_semaphore, #tpu.memory_space<semaphore_mem>>
      %dma_start3A = tpu.memref_slice %arg2[%add3A_76] : memref<320000xi32, #tpu.memory_space<hbm>> -> memref<8xi32, #tpu.memory_space<hbm>>
      %dma_start3A_81 = tpu.memref_slice %arg2[%add3A_76] : memref<320000xi32, #tpu.memory_space<hbm>> -> memref<8xi32, #tpu.memory_space<hbm>>
      tpu.enqueue_dma source(%dma_start3A_81 : memref<8xi32, #tpu.memory_space<hbm>>) target(%arg7 : memref<8xi32, #tpu.memory_space<vmem>>) target_semaphore(%run_scoped3A : memref<!tpu.dma_semaphore, #tpu.memory_space<semaphore_mem>>)
      %dma_wait3A = tpu.memref_slice %arg2[%add3A_76] : memref<320000xi32, #tpu.memory_space<hbm>> -> memref<8xi32, #tpu.memory_space<hbm>>
      %dma_wait3A_82 = tpu.memref_slice %arg2[%add3A_76] : memref<320000xi32, #tpu.memory_space<hbm>> -> memref<8xi32, #tpu.memory_space<hbm>>
      tpu.wait_dma2 semaphore(%run_scoped3A : memref<!tpu.dma_semaphore, #tpu.memory_space<semaphore_mem>>) src(%dma_wait3A_82 : memref<8xi32, #tpu.memory_space<hbm>>) dst(%arg7 : memref<8xi32, #tpu.memory_space<vmem>>)
      tpu.yield
    }) : () -> ()
    "tpu.region"() ({
      %run_scoped3A = tpu.sem_alloc : memref<!tpu.dma_semaphore, #tpu.memory_space<semaphore_mem>>
      %dma_start3A = arith.constant 0 : i32
      %dma_start3A_81 = arith.constant 0 : i32
      %dma_start3A_82 = tpu.memref_slice %arg5[%dma_start3A, %dma_start3A_81] : memref<128x128xf32, #tpu.memory_space<vmem>> -> memref<8x128xf32, #tpu.memory_space<vmem>>
      %dma_start3A_83 = arith.constant 0 : i32
      %dma_start3A_84 = arith.constant 0 : i32
      %dma_start3A_85 = tpu.memref_slice %arg8[%dma_start3A_83, %dma_start3A_84] : memref<10240x128xf32, #tpu.memory_space<vmem_shared>> -> memref<10240x128xf32, #tpu.memory_space<vmem_shared>>
      tpu.enqueue_indirect_dma source(%dma_start3A_82 : memref<8x128xf32, #tpu.memory_space<vmem>>) target(%dma_start3A_85 : memref<10240x128xf32, #tpu.memory_space<vmem_shared>>) offsets(%arg7 : memref<8xi32, #tpu.memory_space<vmem>>) semaphore(%run_scoped3A : memref<!tpu.dma_semaphore, #tpu.memory_space<semaphore_mem>>) {add = true}
      %dma_wait3A = arith.constant 0 : i32
      %dma_wait3A_86 = arith.constant 0 : i32
      %dma_wait3A_87 = tpu.memref_slice %arg5[%dma_wait3A, %dma_wait3A_86] : memref<128x128xf32, #tpu.memory_space<vmem>> -> memref<8x128xf32, #tpu.memory_space<vmem>>
      %dma_wait3A_88 = arith.constant 0 : i32
      %dma_wait3A_89 = arith.constant 0 : i32
      %dma_wait3A_90 = tpu.memref_slice %arg8[%dma_wait3A_88, %dma_wait3A_89] : memref<10240x128xf32, #tpu.memory_space<vmem_shared>> -> memref<10240x128xf32, #tpu.memory_space<vmem_shared>>
      tpu.wait_indirect_dma semaphore(%run_scoped3A : memref<!tpu.dma_semaphore, #tpu.memory_space<semaphore_mem>>) src(%dma_wait3A_87 : memref<8x128xf32, #tpu.memory_space<vmem>>) dst(%dma_wait3A_90 : memref<10240x128xf32, #tpu.memory_space<vmem_shared>>)
      tpu.yield
    }) : () -> ()
    %barrier3A_77 = arith.constant 0 : index
    tpu.barrier barrier_id(%barrier3A_77)
    %mul3A_78 = arith.constant 10240 : i32
    %mul3A_79 = arith.muli %add3A_51, %mul3A_78 : i32
    %add3A_80 = arith.addi %mul3A_79, %mul3A_16 : i32
    "tpu.region"() ({
      %run_scoped3A = tpu.sem_alloc : memref<!tpu.dma_semaphore, #tpu.memory_space<semaphore_mem>>
      %dma_start3A = arith.constant 0 : i32
      %dma_start3A_81 = tpu.memref_slice %arg3[%add3A_80, %dma_start3A] : memref<40960x128xf32, #tpu.memory_space<hbm>> -> memref<640x128xf32, #tpu.memory_space<hbm>>
      %dma_start3A_82 = arith.constant 0 : i32
      %dma_start3A_83 = tpu.memref_slice %arg8[%mul3A_16, %dma_start3A_82] : memref<10240x128xf32, #tpu.memory_space<vmem_shared>> -> memref<640x128xf32, #tpu.memory_space<vmem_shared>>
      tpu.enqueue_dma source(%dma_start3A_83 : memref<640x128xf32, #tpu.memory_space<vmem_shared>>) target(%dma_start3A_81 : memref<640x128xf32, #tpu.memory_space<hbm>>) target_semaphore(%run_scoped3A : memref<!tpu.dma_semaphore, #tpu.memory_space<semaphore_mem>>)
      %dma_wait3A = arith.constant 0 : i32
      %dma_wait3A_84 = tpu.memref_slice %arg3[%add3A_80, %dma_wait3A] : memref<40960x128xf32, #tpu.memory_space<hbm>> -> memref<640x128xf32, #tpu.memory_space<hbm>>
      %dma_wait3A_85 = arith.constant 0 : i32
      %dma_wait3A_86 = tpu.memref_slice %arg8[%mul3A_16, %dma_wait3A_85] : memref<10240x128xf32, #tpu.memory_space<vmem_shared>> -> memref<640x128xf32, #tpu.memory_space<vmem_shared>>
      tpu.wait_dma2 semaphore(%run_scoped3A : memref<!tpu.dma_semaphore, #tpu.memory_space<semaphore_mem>>) src(%dma_wait3A_86 : memref<640x128xf32, #tpu.memory_space<vmem_shared>>) dst(%dma_wait3A_84 : memref<640x128xf32, #tpu.memory_space<hbm>>)
      tpu.yield
    }) : () -> ()
    return
  }
}

#map = affine_map<(d0, d1) -> (0, 0)>
#map1 = affine_map<(d0, d1) -> (0)>
module attributes {stable_mosaic.version = 14 : i64} {
  func.func @sc_rel_agg(%arg0: i32, %arg1: i32, %arg2: memref<10000x128xf32, #tpu.memory_space<hbm>>, %arg3: memref<320000xi32, #tpu.memory_space<hbm>>, %arg4: memref<320000xi32, #tpu.memory_space<hbm>>, %arg5: memref<40960x128xf32, #tpu.memory_space<hbm>>, %arg6: memref<128xi32, #tpu.memory_space<vmem>>, %arg7: memref<128xi32, #tpu.memory_space<vmem>>, %arg8: memref<128x128xf32, #tpu.memory_space<vmem>>, %arg9: memref<128x128xf32, #tpu.memory_space<vmem>>, %arg10: memref<8xi32, #tpu.memory_space<vmem>>, %arg11: memref<8xi32, #tpu.memory_space<vmem>>, %arg12: memref<8x128xf32, #tpu.memory_space<vmem>>, %arg13: memref<!tpu.dma_semaphore, #tpu.memory_space<semaphore_mem>>, %arg14: memref<10240x128xf32, #tpu.memory_space<vmem_shared>>) attributes {dimension_semantics = [#tpu.dimension_semantics<core_parallel>, #tpu.dimension_semantics<subcore_parallel>], iteration_bounds = array<i64: 2, 16>, scalar_prefetch = 0 : i64, scratch_operands = 9 : i64, tpu.core_type = #tpu.core_type<sc_vector_subcore>, window_params = [{transform_indices = #map}, {transform_indices = #map1}, {transform_indices = #map1}, {transform_indices = #map}]} {
    %broadcast_in_dim3A = arith.constant 0.000000e+00 : f32
    %broadcast_in_dim3A_0 = vector.broadcast %broadcast_in_dim3A : f32 to vector<16xf32>
    %scan3A = arith.constant 0 : i32
    %scan3A_1 = arith.constant 0 : i32
    %scan3A_2 = arith.constant 128 : i32
    %scan3A_3 = arith.addi %scan3A_1, %scan3A_2 : i32
    %scan3A_4 = arith.constant 1 : i32
    %scan3A_5 = scf.for %scan3A_82 = %scan3A_1 to %scan3A_3 step %scan3A_4 iter_args(%scan3A_83 = %scan3A) -> (i32)  : i32 {
      %scan3A_84 = arith.constant 0 : i32
      %scan3A_85 = arith.constant 0 : i32
      %scan3A_86 = arith.constant 8 : i32
      %scan3A_87 = arith.addi %scan3A_85, %scan3A_86 : i32
      %scan3A_88 = arith.constant 1 : i32
      %scan3A_89 = scf.for %scan3A_91 = %scan3A_85 to %scan3A_87 step %scan3A_88 iter_args(%scan3A_92 = %scan3A_84) -> (i32)  : i32 {
        %mul3A_93 = arith.constant 16 : i32
        %mul3A_94 = arith.muli %scan3A_91, %mul3A_93 : i32
        %swap3A = arith.index_cast %scan3A_82 : i32 to index
        %swap3A_95 = arith.index_cast %mul3A_94 : i32 to index
        %swap3A_96 = tpu.vector_load %arg9[%swap3A, %swap3A_95] {strides = array<i32>} : memref<128x128xf32, #tpu.memory_space<vmem>>, vector<1x16xf32>,
        %swap3A_97 = vector.shape_cast %swap3A_96 : vector<1x16xf32> to vector<16xf32>
        %swap3A_98 = vector.shape_cast %broadcast_in_dim3A_0 : vector<16xf32> to vector<1x16xf32>
        tpu.vector_store %arg9[%swap3A, %swap3A_95], %swap3A_98 {strides = array<i32>} : memref<128x128xf32, #tpu.memory_space<vmem>>, vector<1x16xf32>,
        %scan3A_99 = arith.constant 0 : i32
        scf.yield %scan3A_99 : i32
      }
      %scan3A_90 = arith.constant 8 : i32
      scf.yield %scan3A_89 : i32
    }
    %scan3A_6 = arith.constant 128 : i32
    %mul3A = arith.constant 640 : i32
    %mul3A_7 = arith.muli %arg1, %mul3A : i32
    %mul3A_8 = arith.constant 2 : i32
    %mul3A_9 = arith.muli %arg0, %mul3A_8 : i32
    %add3A = arith.constant 0 : i32
    %add3A_10 = arith.addi %mul3A_9, %add3A : i32
    %add3A_11 = arith.constant 0 : i32
    %add3A_12 = arith.addi %mul3A_7, %add3A_11 : i32
    "tpu.region"() ({
      %run_scoped3A = tpu.sem_alloc : memref<!tpu.dma_semaphore, #tpu.memory_space<semaphore_mem>>
      %dma_start3A_82 = arith.constant 0 : i32
      %dma_start3A_83 = tpu.memref_slice %arg14[%add3A_12, %dma_start3A_82] : memref<10240x128xf32, #tpu.memory_space<vmem_shared>> -> memref<128x128xf32, #tpu.memory_space<vmem_shared>>
      %dma_start3A_84 = arith.constant 0 : i32
      %dma_start3A_85 = tpu.memref_slice %arg14[%add3A_12, %dma_start3A_84] : memref<10240x128xf32, #tpu.memory_space<vmem_shared>> -> memref<128x128xf32, #tpu.memory_space<vmem_shared>>
      tpu.enqueue_dma source(%arg9 : memref<128x128xf32, #tpu.memory_space<vmem>>) target(%dma_start3A_85 : memref<128x128xf32, #tpu.memory_space<vmem_shared>>) target_semaphore(%run_scoped3A : memref<!tpu.dma_semaphore, #tpu.memory_space<semaphore_mem>>)
      %dma_wait3A_86 = arith.constant 0 : i32
      %dma_wait3A_87 = tpu.memref_slice %arg14[%add3A_12, %dma_wait3A_86] : memref<10240x128xf32, #tpu.memory_space<vmem_shared>> -> memref<128x128xf32, #tpu.memory_space<vmem_shared>>
      %dma_wait3A_88 = arith.constant 0 : i32
      %dma_wait3A_89 = tpu.memref_slice %arg14[%add3A_12, %dma_wait3A_88] : memref<10240x128xf32, #tpu.memory_space<vmem_shared>> -> memref<128x128xf32, #tpu.memory_space<vmem_shared>>
      tpu.wait_dma2 semaphore(%run_scoped3A : memref<!tpu.dma_semaphore, #tpu.memory_space<semaphore_mem>>) src(%arg9 : memref<128x128xf32, #tpu.memory_space<vmem>>) dst(%dma_wait3A_89 : memref<128x128xf32, #tpu.memory_space<vmem_shared>>)
      tpu.yield
    }) : () -> ()
    %add3A_13 = arith.constant 128 : i32
    %add3A_14 = arith.addi %mul3A_7, %add3A_13 : i32
    "tpu.region"() ({
      %run_scoped3A = tpu.sem_alloc : memref<!tpu.dma_semaphore, #tpu.memory_space<semaphore_mem>>
      %dma_start3A_82 = arith.constant 0 : i32
      %dma_start3A_83 = tpu.memref_slice %arg14[%add3A_14, %dma_start3A_82] : memref<10240x128xf32, #tpu.memory_space<vmem_shared>> -> memref<128x128xf32, #tpu.memory_space<vmem_shared>>
      %dma_start3A_84 = arith.constant 0 : i32
      %dma_start3A_85 = tpu.memref_slice %arg14[%add3A_14, %dma_start3A_84] : memref<10240x128xf32, #tpu.memory_space<vmem_shared>> -> memref<128x128xf32, #tpu.memory_space<vmem_shared>>
      tpu.enqueue_dma source(%arg9 : memref<128x128xf32, #tpu.memory_space<vmem>>) target(%dma_start3A_85 : memref<128x128xf32, #tpu.memory_space<vmem_shared>>) target_semaphore(%run_scoped3A : memref<!tpu.dma_semaphore, #tpu.memory_space<semaphore_mem>>)
      %dma_wait3A_86 = arith.constant 0 : i32
      %dma_wait3A_87 = tpu.memref_slice %arg14[%add3A_14, %dma_wait3A_86] : memref<10240x128xf32, #tpu.memory_space<vmem_shared>> -> memref<128x128xf32, #tpu.memory_space<vmem_shared>>
      %dma_wait3A_88 = arith.constant 0 : i32
      %dma_wait3A_89 = tpu.memref_slice %arg14[%add3A_14, %dma_wait3A_88] : memref<10240x128xf32, #tpu.memory_space<vmem_shared>> -> memref<128x128xf32, #tpu.memory_space<vmem_shared>>
      tpu.wait_dma2 semaphore(%run_scoped3A : memref<!tpu.dma_semaphore, #tpu.memory_space<semaphore_mem>>) src(%arg9 : memref<128x128xf32, #tpu.memory_space<vmem>>) dst(%dma_wait3A_89 : memref<128x128xf32, #tpu.memory_space<vmem_shared>>)
      tpu.yield
    }) : () -> ()
    %add3A_15 = arith.constant 256 : i32
    %add3A_16 = arith.addi %mul3A_7, %add3A_15 : i32
    "tpu.region"() ({
      %run_scoped3A = tpu.sem_alloc : memref<!tpu.dma_semaphore, #tpu.memory_space<semaphore_mem>>
      %dma_start3A_82 = arith.constant 0 : i32
      %dma_start3A_83 = tpu.memref_slice %arg14[%add3A_16, %dma_start3A_82] : memref<10240x128xf32, #tpu.memory_space<vmem_shared>> -> memref<128x128xf32, #tpu.memory_space<vmem_shared>>
      %dma_start3A_84 = arith.constant 0 : i32
      %dma_start3A_85 = tpu.memref_slice %arg14[%add3A_16, %dma_start3A_84] : memref<10240x128xf32, #tpu.memory_space<vmem_shared>> -> memref<128x128xf32, #tpu.memory_space<vmem_shared>>
      tpu.enqueue_dma source(%arg9 : memref<128x128xf32, #tpu.memory_space<vmem>>) target(%dma_start3A_85 : memref<128x128xf32, #tpu.memory_space<vmem_shared>>) target_semaphore(%run_scoped3A : memref<!tpu.dma_semaphore, #tpu.memory_space<semaphore_mem>>)
      %dma_wait3A_86 = arith.constant 0 : i32
      %dma_wait3A_87 = tpu.memref_slice %arg14[%add3A_16, %dma_wait3A_86] : memref<10240x128xf32, #tpu.memory_space<vmem_shared>> -> memref<128x128xf32, #tpu.memory_space<vmem_shared>>
      %dma_wait3A_88 = arith.constant 0 : i32
      %dma_wait3A_89 = tpu.memref_slice %arg14[%add3A_16, %dma_wait3A_88] : memref<10240x128xf32, #tpu.memory_space<vmem_shared>> -> memref<128x128xf32, #tpu.memory_space<vmem_shared>>
      tpu.wait_dma2 semaphore(%run_scoped3A : memref<!tpu.dma_semaphore, #tpu.memory_space<semaphore_mem>>) src(%arg9 : memref<128x128xf32, #tpu.memory_space<vmem>>) dst(%dma_wait3A_89 : memref<128x128xf32, #tpu.memory_space<vmem_shared>>)
      tpu.yield
    }) : () -> ()
    %add3A_17 = arith.constant 384 : i32
    %add3A_18 = arith.addi %mul3A_7, %add3A_17 : i32
    "tpu.region"() ({
      %run_scoped3A = tpu.sem_alloc : memref<!tpu.dma_semaphore, #tpu.memory_space<semaphore_mem>>
      %dma_start3A_82 = arith.constant 0 : i32
      %dma_start3A_83 = tpu.memref_slice %arg14[%add3A_18, %dma_start3A_82] : memref<10240x128xf32, #tpu.memory_space<vmem_shared>> -> memref<128x128xf32, #tpu.memory_space<vmem_shared>>
      %dma_start3A_84 = arith.constant 0 : i32
      %dma_start3A_85 = tpu.memref_slice %arg14[%add3A_18, %dma_start3A_84] : memref<10240x128xf32, #tpu.memory_space<vmem_shared>> -> memref<128x128xf32, #tpu.memory_space<vmem_shared>>
      tpu.enqueue_dma source(%arg9 : memref<128x128xf32, #tpu.memory_space<vmem>>) target(%dma_start3A_85 : memref<128x128xf32, #tpu.memory_space<vmem_shared>>) target_semaphore(%run_scoped3A : memref<!tpu.dma_semaphore, #tpu.memory_space<semaphore_mem>>)
      %dma_wait3A_86 = arith.constant 0 : i32
      %dma_wait3A_87 = tpu.memref_slice %arg14[%add3A_18, %dma_wait3A_86] : memref<10240x128xf32, #tpu.memory_space<vmem_shared>> -> memref<128x128xf32, #tpu.memory_space<vmem_shared>>
      %dma_wait3A_88 = arith.constant 0 : i32
      %dma_wait3A_89 = tpu.memref_slice %arg14[%add3A_18, %dma_wait3A_88] : memref<10240x128xf32, #tpu.memory_space<vmem_shared>> -> memref<128x128xf32, #tpu.memory_space<vmem_shared>>
      tpu.wait_dma2 semaphore(%run_scoped3A : memref<!tpu.dma_semaphore, #tpu.memory_space<semaphore_mem>>) src(%arg9 : memref<128x128xf32, #tpu.memory_space<vmem>>) dst(%dma_wait3A_89 : memref<128x128xf32, #tpu.memory_space<vmem_shared>>)
      tpu.yield
    }) : () -> ()
    %add3A_19 = arith.constant 512 : i32
    %add3A_20 = arith.addi %mul3A_7, %add3A_19 : i32
    "tpu.region"() ({
      %run_scoped3A = tpu.sem_alloc : memref<!tpu.dma_semaphore, #tpu.memory_space<semaphore_mem>>
      %dma_start3A_82 = arith.constant 0 : i32
      %dma_start3A_83 = tpu.memref_slice %arg14[%add3A_20, %dma_start3A_82] : memref<10240x128xf32, #tpu.memory_space<vmem_shared>> -> memref<128x128xf32, #tpu.memory_space<vmem_shared>>
      %dma_start3A_84 = arith.constant 0 : i32
      %dma_start3A_85 = tpu.memref_slice %arg14[%add3A_20, %dma_start3A_84] : memref<10240x128xf32, #tpu.memory_space<vmem_shared>> -> memref<128x128xf32, #tpu.memory_space<vmem_shared>>
      tpu.enqueue_dma source(%arg9 : memref<128x128xf32, #tpu.memory_space<vmem>>) target(%dma_start3A_85 : memref<128x128xf32, #tpu.memory_space<vmem_shared>>) target_semaphore(%run_scoped3A : memref<!tpu.dma_semaphore, #tpu.memory_space<semaphore_mem>>)
      %dma_wait3A_86 = arith.constant 0 : i32
      %dma_wait3A_87 = tpu.memref_slice %arg14[%add3A_20, %dma_wait3A_86] : memref<10240x128xf32, #tpu.memory_space<vmem_shared>> -> memref<128x128xf32, #tpu.memory_space<vmem_shared>>
      %dma_wait3A_88 = arith.constant 0 : i32
      %dma_wait3A_89 = tpu.memref_slice %arg14[%add3A_20, %dma_wait3A_88] : memref<10240x128xf32, #tpu.memory_space<vmem_shared>> -> memref<128x128xf32, #tpu.memory_space<vmem_shared>>
      tpu.wait_dma2 semaphore(%run_scoped3A : memref<!tpu.dma_semaphore, #tpu.memory_space<semaphore_mem>>) src(%arg9 : memref<128x128xf32, #tpu.memory_space<vmem>>) dst(%dma_wait3A_89 : memref<128x128xf32, #tpu.memory_space<vmem_shared>>)
      tpu.yield
    }) : () -> ()
    %barrier3A = arith.constant 0 : index
    tpu.barrier barrier_id(%barrier3A)
    %mul3A_21 = arith.constant 80000 : i32
    %mul3A_22 = arith.muli %add3A_10, %mul3A_21 : i32
    %mul3A_23 = arith.constant 5000 : i32
    %mul3A_24 = arith.muli %arg1, %mul3A_23 : i32
    %add3A_25 = arith.addi %mul3A_22, %mul3A_24 : i32
    %scan3A_26 = arith.constant 0 : i32
    %scan3A_27 = arith.constant 0 : i32
    %scan3A_28 = arith.constant 39 : i32
    %scan3A_29 = arith.addi %scan3A_27, %scan3A_28 : i32
    %scan3A_30 = arith.constant 1 : i32
    %scan3A_31 = scf.for %scan3A_82 = %scan3A_27 to %scan3A_29 step %scan3A_30 iter_args(%scan3A_83 = %scan3A_26) -> (i32)  : i32 {
      %mul3A_84 = arith.constant 128 : i32
      %mul3A_85 = arith.muli %scan3A_82, %mul3A_84 : i32
      %add3A_86 = arith.addi %add3A_25, %mul3A_85 : i32
      "tpu.region"() ({
        %run_scoped3A = tpu.sem_alloc : memref<!tpu.dma_semaphore, #tpu.memory_space<semaphore_mem>>
        %dma_start3A_94 = tpu.memref_slice %arg3[%add3A_86] : memref<320000xi32, #tpu.memory_space<hbm>> -> memref<128xi32, #tpu.memory_space<hbm>>
        %dma_start3A_95 = tpu.memref_slice %arg3[%add3A_86] : memref<320000xi32, #tpu.memory_space<hbm>> -> memref<128xi32, #tpu.memory_space<hbm>>
        tpu.enqueue_dma source(%dma_start3A_95 : memref<128xi32, #tpu.memory_space<hbm>>) target(%arg6 : memref<128xi32, #tpu.memory_space<vmem>>) target_semaphore(%run_scoped3A : memref<!tpu.dma_semaphore, #tpu.memory_space<semaphore_mem>>)
        %dma_wait3A_96 = tpu.memref_slice %arg3[%add3A_86] : memref<320000xi32, #tpu.memory_space<hbm>> -> memref<128xi32, #tpu.memory_space<hbm>>
        %dma_wait3A_97 = tpu.memref_slice %arg3[%add3A_86] : memref<320000xi32, #tpu.memory_space<hbm>> -> memref<128xi32, #tpu.memory_space<hbm>>
        tpu.wait_dma2 semaphore(%run_scoped3A : memref<!tpu.dma_semaphore, #tpu.memory_space<semaphore_mem>>) src(%dma_wait3A_97 : memref<128xi32, #tpu.memory_space<hbm>>) dst(%arg6 : memref<128xi32, #tpu.memory_space<vmem>>)
        tpu.yield
      }) : () -> ()
      "tpu.region"() ({
        %run_scoped3A = tpu.sem_alloc : memref<!tpu.dma_semaphore, #tpu.memory_space<semaphore_mem>>
        %dma_start3A_94 = tpu.memref_slice %arg4[%add3A_86] : memref<320000xi32, #tpu.memory_space<hbm>> -> memref<128xi32, #tpu.memory_space<hbm>>
        %dma_start3A_95 = tpu.memref_slice %arg4[%add3A_86] : memref<320000xi32, #tpu.memory_space<hbm>> -> memref<128xi32, #tpu.memory_space<hbm>>
        tpu.enqueue_dma source(%dma_start3A_95 : memref<128xi32, #tpu.memory_space<hbm>>) target(%arg7 : memref<128xi32, #tpu.memory_space<vmem>>) target_semaphore(%run_scoped3A : memref<!tpu.dma_semaphore, #tpu.memory_space<semaphore_mem>>)
        %dma_wait3A_96 = tpu.memref_slice %arg4[%add3A_86] : memref<320000xi32, #tpu.memory_space<hbm>> -> memref<128xi32, #tpu.memory_space<hbm>>
        %dma_wait3A_97 = tpu.memref_slice %arg4[%add3A_86] : memref<320000xi32, #tpu.memory_space<hbm>> -> memref<128xi32, #tpu.memory_space<hbm>>
        tpu.wait_dma2 semaphore(%run_scoped3A : memref<!tpu.dma_semaphore, #tpu.memory_space<semaphore_mem>>) src(%dma_wait3A_97 : memref<128xi32, #tpu.memory_space<hbm>>) dst(%arg7 : memref<128xi32, #tpu.memory_space<vmem>>)
        tpu.yield
      }) : () -> ()
      %dma_start3A_87 = arith.constant 0 : i32
      %dma_start3A_88 = arith.constant 0 : i32
      %dma_start3A_89 = tpu.memref_slice %arg2[%dma_start3A_87, %dma_start3A_88] : memref<10000x128xf32, #tpu.memory_space<hbm>> -> memref<10000x128xf32, #tpu.memory_space<hbm>>
      tpu.enqueue_indirect_dma source(%dma_start3A_89 : memref<10000x128xf32, #tpu.memory_space<hbm>>) target(%arg8 : memref<128x128xf32, #tpu.memory_space<vmem>>) offsets(%arg6 : memref<128xi32, #tpu.memory_space<vmem>>) semaphore(%arg13 : memref<!tpu.dma_semaphore, #tpu.memory_space<semaphore_mem>>)
      %dma_wait3A_90 = arith.constant 0 : i32
      %dma_wait3A_91 = arith.constant 0 : i32
      %dma_wait3A_92 = tpu.memref_slice %arg2[%dma_wait3A_90, %dma_wait3A_91] : memref<10000x128xf32, #tpu.memory_space<hbm>> -> memref<10000x128xf32, #tpu.memory_space<hbm>>
      tpu.wait_indirect_dma semaphore(%arg13 : memref<!tpu.dma_semaphore, #tpu.memory_space<semaphore_mem>>) src(%dma_wait3A_92 : memref<10000x128xf32, #tpu.memory_space<hbm>>) dst(%arg8 : memref<128x128xf32, #tpu.memory_space<vmem>>)
      "tpu.region"() ({
        %run_scoped3A = tpu.sem_alloc : memref<!tpu.dma_semaphore, #tpu.memory_space<semaphore_mem>>
        %dma_start3A_94 = arith.constant 0 : i32
        %dma_start3A_95 = arith.constant 0 : i32
        %dma_start3A_96 = tpu.memref_slice %arg14[%dma_start3A_94, %dma_start3A_95] : memref<10240x128xf32, #tpu.memory_space<vmem_shared>> -> memref<10240x128xf32, #tpu.memory_space<vmem_shared>>
        tpu.enqueue_indirect_dma source(%arg8 : memref<128x128xf32, #tpu.memory_space<vmem>>) target(%dma_start3A_96 : memref<10240x128xf32, #tpu.memory_space<vmem_shared>>) offsets(%arg7 : memref<128xi32, #tpu.memory_space<vmem>>) semaphore(%run_scoped3A : memref<!tpu.dma_semaphore, #tpu.memory_space<semaphore_mem>>) {add = true}
        %dma_wait3A_97 = arith.constant 0 : i32
        %dma_wait3A_98 = arith.constant 0 : i32
        %dma_wait3A_99 = tpu.memref_slice %arg14[%dma_wait3A_97, %dma_wait3A_98] : memref<10240x128xf32, #tpu.memory_space<vmem_shared>> -> memref<10240x128xf32, #tpu.memory_space<vmem_shared>>
        tpu.wait_indirect_dma semaphore(%run_scoped3A : memref<!tpu.dma_semaphore, #tpu.memory_space<semaphore_mem>>) src(%arg8 : memref<128x128xf32, #tpu.memory_space<vmem>>) dst(%dma_wait3A_99 : memref<10240x128xf32, #tpu.memory_space<vmem_shared>>)
        tpu.yield
      }) : () -> ()
      %scan3A_93 = arith.constant 0 : i32
      scf.yield %scan3A_93 : i32
    }
    %scan3A_32 = arith.constant 39 : i32
    %add3A_33 = arith.constant 4992 : i32
    %add3A_34 = arith.addi %add3A_25, %add3A_33 : i32
    "tpu.region"() ({
      %run_scoped3A = tpu.sem_alloc : memref<!tpu.dma_semaphore, #tpu.memory_space<semaphore_mem>>
      %dma_start3A_82 = tpu.memref_slice %arg3[%add3A_34] : memref<320000xi32, #tpu.memory_space<hbm>> -> memref<8xi32, #tpu.memory_space<hbm>>
      %dma_start3A_83 = tpu.memref_slice %arg3[%add3A_34] : memref<320000xi32, #tpu.memory_space<hbm>> -> memref<8xi32, #tpu.memory_space<hbm>>
      tpu.enqueue_dma source(%dma_start3A_83 : memref<8xi32, #tpu.memory_space<hbm>>) target(%arg10 : memref<8xi32, #tpu.memory_space<vmem>>) target_semaphore(%run_scoped3A : memref<!tpu.dma_semaphore, #tpu.memory_space<semaphore_mem>>)
      %dma_wait3A_84 = tpu.memref_slice %arg3[%add3A_34] : memref<320000xi32, #tpu.memory_space<hbm>> -> memref<8xi32, #tpu.memory_space<hbm>>
      %dma_wait3A_85 = tpu.memref_slice %arg3[%add3A_34] : memref<320000xi32, #tpu.memory_space<hbm>> -> memref<8xi32, #tpu.memory_space<hbm>>
      tpu.wait_dma2 semaphore(%run_scoped3A : memref<!tpu.dma_semaphore, #tpu.memory_space<semaphore_mem>>) src(%dma_wait3A_85 : memref<8xi32, #tpu.memory_space<hbm>>) dst(%arg10 : memref<8xi32, #tpu.memory_space<vmem>>)
      tpu.yield
    }) : () -> ()
    "tpu.region"() ({
      %run_scoped3A = tpu.sem_alloc : memref<!tpu.dma_semaphore, #tpu.memory_space<semaphore_mem>>
      %dma_start3A_82 = tpu.memref_slice %arg4[%add3A_34] : memref<320000xi32, #tpu.memory_space<hbm>> -> memref<8xi32, #tpu.memory_space<hbm>>
      %dma_start3A_83 = tpu.memref_slice %arg4[%add3A_34] : memref<320000xi32, #tpu.memory_space<hbm>> -> memref<8xi32, #tpu.memory_space<hbm>>
      tpu.enqueue_dma source(%dma_start3A_83 : memref<8xi32, #tpu.memory_space<hbm>>) target(%arg11 : memref<8xi32, #tpu.memory_space<vmem>>) target_semaphore(%run_scoped3A : memref<!tpu.dma_semaphore, #tpu.memory_space<semaphore_mem>>)
      %dma_wait3A_84 = tpu.memref_slice %arg4[%add3A_34] : memref<320000xi32, #tpu.memory_space<hbm>> -> memref<8xi32, #tpu.memory_space<hbm>>
      %dma_wait3A_85 = tpu.memref_slice %arg4[%add3A_34] : memref<320000xi32, #tpu.memory_space<hbm>> -> memref<8xi32, #tpu.memory_space<hbm>>
      tpu.wait_dma2 semaphore(%run_scoped3A : memref<!tpu.dma_semaphore, #tpu.memory_space<semaphore_mem>>) src(%dma_wait3A_85 : memref<8xi32, #tpu.memory_space<hbm>>) dst(%arg11 : memref<8xi32, #tpu.memory_space<vmem>>)
      tpu.yield
    }) : () -> ()
    %dma_start3A = arith.constant 0 : i32
    %dma_start3A_35 = arith.constant 0 : i32
    %dma_start3A_36 = tpu.memref_slice %arg2[%dma_start3A, %dma_start3A_35] : memref<10000x128xf32, #tpu.memory_space<hbm>> -> memref<10000x128xf32, #tpu.memory_space<hbm>>
    tpu.enqueue_indirect_dma source(%dma_start3A_36 : memref<10000x128xf32, #tpu.memory_space<hbm>>) target(%arg12 : memref<8x128xf32, #tpu.memory_space<vmem>>) offsets(%arg10 : memref<8xi32, #tpu.memory_space<vmem>>) semaphore(%arg13 : memref<!tpu.dma_semaphore, #tpu.memory_space<semaphore_mem>>)
    %dma_wait3A = arith.constant 0 : i32
    %dma_wait3A_37 = arith.constant 0 : i32
    %dma_wait3A_38 = tpu.memref_slice %arg2[%dma_wait3A, %dma_wait3A_37] : memref<10000x128xf32, #tpu.memory_space<hbm>> -> memref<10000x128xf32, #tpu.memory_space<hbm>>
    tpu.wait_indirect_dma semaphore(%arg13 : memref<!tpu.dma_semaphore, #tpu.memory_space<semaphore_mem>>) src(%dma_wait3A_38 : memref<10000x128xf32, #tpu.memory_space<hbm>>) dst(%arg12 : memref<8x128xf32, #tpu.memory_space<vmem>>)
    "tpu.region"() ({
      %run_scoped3A = tpu.sem_alloc : memref<!tpu.dma_semaphore, #tpu.memory_space<semaphore_mem>>
      %dma_start3A_82 = arith.constant 0 : i32
      %dma_start3A_83 = arith.constant 0 : i32
      %dma_start3A_84 = tpu.memref_slice %arg14[%dma_start3A_82, %dma_start3A_83] : memref<10240x128xf32, #tpu.memory_space<vmem_shared>> -> memref<10240x128xf32, #tpu.memory_space<vmem_shared>>
      tpu.enqueue_indirect_dma source(%arg12 : memref<8x128xf32, #tpu.memory_space<vmem>>) target(%dma_start3A_84 : memref<10240x128xf32, #tpu.memory_space<vmem_shared>>) offsets(%arg11 : memref<8xi32, #tpu.memory_space<vmem>>) semaphore(%run_scoped3A : memref<!tpu.dma_semaphore, #tpu.memory_space<semaphore_mem>>) {add = true}
      %dma_wait3A_85 = arith.constant 0 : i32
      %dma_wait3A_86 = arith.constant 0 : i32
      %dma_wait3A_87 = tpu.memref_slice %arg14[%dma_wait3A_85, %dma_wait3A_86] : memref<10240x128xf32, #tpu.memory_space<vmem_shared>> -> memref<10240x128xf32, #tpu.memory_space<vmem_shared>>
      tpu.wait_indirect_dma semaphore(%run_scoped3A : memref<!tpu.dma_semaphore, #tpu.memory_space<semaphore_mem>>) src(%arg12 : memref<8x128xf32, #tpu.memory_space<vmem>>) dst(%dma_wait3A_87 : memref<10240x128xf32, #tpu.memory_space<vmem_shared>>)
      tpu.yield
    }) : () -> ()
    %barrier3A_39 = arith.constant 0 : index
    tpu.barrier barrier_id(%barrier3A_39)
    %mul3A_40 = arith.constant 10240 : i32
    %mul3A_41 = arith.muli %add3A_10, %mul3A_40 : i32
    %add3A_42 = arith.addi %mul3A_41, %mul3A_7 : i32
    "tpu.region"() ({
      %run_scoped3A = tpu.sem_alloc : memref<!tpu.dma_semaphore, #tpu.memory_space<semaphore_mem>>
      %dma_start3A_82 = arith.constant 0 : i32
      %dma_start3A_83 = tpu.memref_slice %arg5[%add3A_42, %dma_start3A_82] : memref<40960x128xf32, #tpu.memory_space<hbm>> -> memref<640x128xf32, #tpu.memory_space<hbm>>
      %dma_start3A_84 = arith.constant 0 : i32
      %dma_start3A_85 = tpu.memref_slice %arg14[%mul3A_7, %dma_start3A_84] : memref<10240x128xf32, #tpu.memory_space<vmem_shared>> -> memref<640x128xf32, #tpu.memory_space<vmem_shared>>
      tpu.enqueue_dma source(%dma_start3A_85 : memref<640x128xf32, #tpu.memory_space<vmem_shared>>) target(%dma_start3A_83 : memref<640x128xf32, #tpu.memory_space<hbm>>) target_semaphore(%run_scoped3A : memref<!tpu.dma_semaphore, #tpu.memory_space<semaphore_mem>>)
      %dma_wait3A_86 = arith.constant 0 : i32
      %dma_wait3A_87 = tpu.memref_slice %arg5[%add3A_42, %dma_wait3A_86] : memref<40960x128xf32, #tpu.memory_space<hbm>> -> memref<640x128xf32, #tpu.memory_space<hbm>>
      %dma_wait3A_88 = arith.constant 0 : i32
      %dma_wait3A_89 = tpu.memref_slice %arg14[%mul3A_7, %dma_wait3A_88] : memref<10240x128xf32, #tpu.memory_space<vmem_shared>> -> memref<640x128xf32, #tpu.memory_space<vmem_shared>>
      tpu.wait_dma2 semaphore(%run_scoped3A : memref<!tpu.dma_semaphore, #tpu.memory_space<semaphore_mem>>) src(%dma_wait3A_89 : memref<640x128xf32, #tpu.memory_space<vmem_shared>>) dst(%dma_wait3A_87 : memref<640x128xf32, #tpu.memory_space<hbm>>)
      tpu.yield
    }) : () -> ()
    %mul3A_43 = arith.constant 2 : i32
    %mul3A_44 = arith.muli %arg0, %mul3A_43 : i32
    %add3A_45 = arith.constant 1 : i32
    %add3A_46 = arith.addi %mul3A_44, %add3A_45 : i32
    %add3A_47 = arith.constant 0 : i32
    %add3A_48 = arith.addi %mul3A_7, %add3A_47 : i32
    "tpu.region"() ({
      %run_scoped3A = tpu.sem_alloc : memref<!tpu.dma_semaphore, #tpu.memory_space<semaphore_mem>>
      %dma_start3A_82 = arith.constant 0 : i32
      %dma_start3A_83 = tpu.memref_slice %arg14[%add3A_48, %dma_start3A_82] : memref<10240x128xf32, #tpu.memory_space<vmem_shared>> -> memref<128x128xf32, #tpu.memory_space<vmem_shared>>
      %dma_start3A_84 = arith.constant 0 : i32
      %dma_start3A_85 = tpu.memref_slice %arg14[%add3A_48, %dma_start3A_84] : memref<10240x128xf32, #tpu.memory_space<vmem_shared>> -> memref<128x128xf32, #tpu.memory_space<vmem_shared>>
      tpu.enqueue_dma source(%arg9 : memref<128x128xf32, #tpu.memory_space<vmem>>) target(%dma_start3A_85 : memref<128x128xf32, #tpu.memory_space<vmem_shared>>) target_semaphore(%run_scoped3A : memref<!tpu.dma_semaphore, #tpu.memory_space<semaphore_mem>>)
      %dma_wait3A_86 = arith.constant 0 : i32
      %dma_wait3A_87 = tpu.memref_slice %arg14[%add3A_48, %dma_wait3A_86] : memref<10240x128xf32, #tpu.memory_space<vmem_shared>> -> memref<128x128xf32, #tpu.memory_space<vmem_shared>>
      %dma_wait3A_88 = arith.constant 0 : i32
      %dma_wait3A_89 = tpu.memref_slice %arg14[%add3A_48, %dma_wait3A_88] : memref<10240x128xf32, #tpu.memory_space<vmem_shared>> -> memref<128x128xf32, #tpu.memory_space<vmem_shared>>
      tpu.wait_dma2 semaphore(%run_scoped3A : memref<!tpu.dma_semaphore, #tpu.memory_space<semaphore_mem>>) src(%arg9 : memref<128x128xf32, #tpu.memory_space<vmem>>) dst(%dma_wait3A_89 : memref<128x128xf32, #tpu.memory_space<vmem_shared>>)
      tpu.yield
    }) : () -> ()
    %add3A_49 = arith.constant 128 : i32
    %add3A_50 = arith.addi %mul3A_7, %add3A_49 : i32
    "tpu.region"() ({
      %run_scoped3A = tpu.sem_alloc : memref<!tpu.dma_semaphore, #tpu.memory_space<semaphore_mem>>
      %dma_start3A_82 = arith.constant 0 : i32
      %dma_start3A_83 = tpu.memref_slice %arg14[%add3A_50, %dma_start3A_82] : memref<10240x128xf32, #tpu.memory_space<vmem_shared>> -> memref<128x128xf32, #tpu.memory_space<vmem_shared>>
      %dma_start3A_84 = arith.constant 0 : i32
      %dma_start3A_85 = tpu.memref_slice %arg14[%add3A_50, %dma_start3A_84] : memref<10240x128xf32, #tpu.memory_space<vmem_shared>> -> memref<128x128xf32, #tpu.memory_space<vmem_shared>>
      tpu.enqueue_dma source(%arg9 : memref<128x128xf32, #tpu.memory_space<vmem>>) target(%dma_start3A_85 : memref<128x128xf32, #tpu.memory_space<vmem_shared>>) target_semaphore(%run_scoped3A : memref<!tpu.dma_semaphore, #tpu.memory_space<semaphore_mem>>)
      %dma_wait3A_86 = arith.constant 0 : i32
      %dma_wait3A_87 = tpu.memref_slice %arg14[%add3A_50, %dma_wait3A_86] : memref<10240x128xf32, #tpu.memory_space<vmem_shared>> -> memref<128x128xf32, #tpu.memory_space<vmem_shared>>
      %dma_wait3A_88 = arith.constant 0 : i32
      %dma_wait3A_89 = tpu.memref_slice %arg14[%add3A_50, %dma_wait3A_88] : memref<10240x128xf32, #tpu.memory_space<vmem_shared>> -> memref<128x128xf32, #tpu.memory_space<vmem_shared>>
      tpu.wait_dma2 semaphore(%run_scoped3A : memref<!tpu.dma_semaphore, #tpu.memory_space<semaphore_mem>>) src(%arg9 : memref<128x128xf32, #tpu.memory_space<vmem>>) dst(%dma_wait3A_89 : memref<128x128xf32, #tpu.memory_space<vmem_shared>>)
      tpu.yield
    }) : () -> ()
    %add3A_51 = arith.constant 256 : i32
    %add3A_52 = arith.addi %mul3A_7, %add3A_51 : i32
    "tpu.region"() ({
      %run_scoped3A = tpu.sem_alloc : memref<!tpu.dma_semaphore, #tpu.memory_space<semaphore_mem>>
      %dma_start3A_82 = arith.constant 0 : i32
      %dma_start3A_83 = tpu.memref_slice %arg14[%add3A_52, %dma_start3A_82] : memref<10240x128xf32, #tpu.memory_space<vmem_shared>> -> memref<128x128xf32, #tpu.memory_space<vmem_shared>>
      %dma_start3A_84 = arith.constant 0 : i32
      %dma_start3A_85 = tpu.memref_slice %arg14[%add3A_52, %dma_start3A_84] : memref<10240x128xf32, #tpu.memory_space<vmem_shared>> -> memref<128x128xf32, #tpu.memory_space<vmem_shared>>
      tpu.enqueue_dma source(%arg9 : memref<128x128xf32, #tpu.memory_space<vmem>>) target(%dma_start3A_85 : memref<128x128xf32, #tpu.memory_space<vmem_shared>>) target_semaphore(%run_scoped3A : memref<!tpu.dma_semaphore, #tpu.memory_space<semaphore_mem>>)
      %dma_wait3A_86 = arith.constant 0 : i32
      %dma_wait3A_87 = tpu.memref_slice %arg14[%add3A_52, %dma_wait3A_86] : memref<10240x128xf32, #tpu.memory_space<vmem_shared>> -> memref<128x128xf32, #tpu.memory_space<vmem_shared>>
      %dma_wait3A_88 = arith.constant 0 : i32
      %dma_wait3A_89 = tpu.memref_slice %arg14[%add3A_52, %dma_wait3A_88] : memref<10240x128xf32, #tpu.memory_space<vmem_shared>> -> memref<128x128xf32, #tpu.memory_space<vmem_shared>>
      tpu.wait_dma2 semaphore(%run_scoped3A : memref<!tpu.dma_semaphore, #tpu.memory_space<semaphore_mem>>) src(%arg9 : memref<128x128xf32, #tpu.memory_space<vmem>>) dst(%dma_wait3A_89 : memref<128x128xf32, #tpu.memory_space<vmem_shared>>)
      tpu.yield
    }) : () -> ()
    %add3A_53 = arith.constant 384 : i32
    %add3A_54 = arith.addi %mul3A_7, %add3A_53 : i32
    "tpu.region"() ({
      %run_scoped3A = tpu.sem_alloc : memref<!tpu.dma_semaphore, #tpu.memory_space<semaphore_mem>>
      %dma_start3A_82 = arith.constant 0 : i32
      %dma_start3A_83 = tpu.memref_slice %arg14[%add3A_54, %dma_start3A_82] : memref<10240x128xf32, #tpu.memory_space<vmem_shared>> -> memref<128x128xf32, #tpu.memory_space<vmem_shared>>
      %dma_start3A_84 = arith.constant 0 : i32
      %dma_start3A_85 = tpu.memref_slice %arg14[%add3A_54, %dma_start3A_84] : memref<10240x128xf32, #tpu.memory_space<vmem_shared>> -> memref<128x128xf32, #tpu.memory_space<vmem_shared>>
      tpu.enqueue_dma source(%arg9 : memref<128x128xf32, #tpu.memory_space<vmem>>) target(%dma_start3A_85 : memref<128x128xf32, #tpu.memory_space<vmem_shared>>) target_semaphore(%run_scoped3A : memref<!tpu.dma_semaphore, #tpu.memory_space<semaphore_mem>>)
      %dma_wait3A_86 = arith.constant 0 : i32
      %dma_wait3A_87 = tpu.memref_slice %arg14[%add3A_54, %dma_wait3A_86] : memref<10240x128xf32, #tpu.memory_space<vmem_shared>> -> memref<128x128xf32, #tpu.memory_space<vmem_shared>>
      %dma_wait3A_88 = arith.constant 0 : i32
      %dma_wait3A_89 = tpu.memref_slice %arg14[%add3A_54, %dma_wait3A_88] : memref<10240x128xf32, #tpu.memory_space<vmem_shared>> -> memref<128x128xf32, #tpu.memory_space<vmem_shared>>
      tpu.wait_dma2 semaphore(%run_scoped3A : memref<!tpu.dma_semaphore, #tpu.memory_space<semaphore_mem>>) src(%arg9 : memref<128x128xf32, #tpu.memory_space<vmem>>) dst(%dma_wait3A_89 : memref<128x128xf32, #tpu.memory_space<vmem_shared>>)
      tpu.yield
    }) : () -> ()
    %add3A_55 = arith.constant 512 : i32
    %add3A_56 = arith.addi %mul3A_7, %add3A_55 : i32
    "tpu.region"() ({
      %run_scoped3A = tpu.sem_alloc : memref<!tpu.dma_semaphore, #tpu.memory_space<semaphore_mem>>
      %dma_start3A_82 = arith.constant 0 : i32
      %dma_start3A_83 = tpu.memref_slice %arg14[%add3A_56, %dma_start3A_82] : memref<10240x128xf32, #tpu.memory_space<vmem_shared>> -> memref<128x128xf32, #tpu.memory_space<vmem_shared>>
      %dma_start3A_84 = arith.constant 0 : i32
      %dma_start3A_85 = tpu.memref_slice %arg14[%add3A_56, %dma_start3A_84] : memref<10240x128xf32, #tpu.memory_space<vmem_shared>> -> memref<128x128xf32, #tpu.memory_space<vmem_shared>>
      tpu.enqueue_dma source(%arg9 : memref<128x128xf32, #tpu.memory_space<vmem>>) target(%dma_start3A_85 : memref<128x128xf32, #tpu.memory_space<vmem_shared>>) target_semaphore(%run_scoped3A : memref<!tpu.dma_semaphore, #tpu.memory_space<semaphore_mem>>)
      %dma_wait3A_86 = arith.constant 0 : i32
      %dma_wait3A_87 = tpu.memref_slice %arg14[%add3A_56, %dma_wait3A_86] : memref<10240x128xf32, #tpu.memory_space<vmem_shared>> -> memref<128x128xf32, #tpu.memory_space<vmem_shared>>
      %dma_wait3A_88 = arith.constant 0 : i32
      %dma_wait3A_89 = tpu.memref_slice %arg14[%add3A_56, %dma_wait3A_88] : memref<10240x128xf32, #tpu.memory_space<vmem_shared>> -> memref<128x128xf32, #tpu.memory_space<vmem_shared>>
      tpu.wait_dma2 semaphore(%run_scoped3A : memref<!tpu.dma_semaphore, #tpu.memory_space<semaphore_mem>>) src(%arg9 : memref<128x128xf32, #tpu.memory_space<vmem>>) dst(%dma_wait3A_89 : memref<128x128xf32, #tpu.memory_space<vmem_shared>>)
      tpu.yield
    }) : () -> ()
    %barrier3A_57 = arith.constant 0 : index
    tpu.barrier barrier_id(%barrier3A_57)
    %mul3A_58 = arith.constant 80000 : i32
    %mul3A_59 = arith.muli %add3A_46, %mul3A_58 : i32
    %mul3A_60 = arith.constant 5000 : i32
    %mul3A_61 = arith.muli %arg1, %mul3A_60 : i32
    %add3A_62 = arith.addi %mul3A_59, %mul3A_61 : i32
    %scan3A_63 = arith.constant 0 : i32
    %scan3A_64 = arith.constant 0 : i32
    %scan3A_65 = arith.constant 39 : i32
    %scan3A_66 = arith.addi %scan3A_64, %scan3A_65 : i32
    %scan3A_67 = arith.constant 1 : i32
    %scan3A_68 = scf.for %scan3A_82 = %scan3A_64 to %scan3A_66 step %scan3A_67 iter_args(%scan3A_83 = %scan3A_63) -> (i32)  : i32 {
      %mul3A_84 = arith.constant 128 : i32
      %mul3A_85 = arith.muli %scan3A_82, %mul3A_84 : i32
      %add3A_86 = arith.addi %add3A_62, %mul3A_85 : i32
      "tpu.region"() ({
        %run_scoped3A = tpu.sem_alloc : memref<!tpu.dma_semaphore, #tpu.memory_space<semaphore_mem>>
        %dma_start3A_94 = tpu.memref_slice %arg3[%add3A_86] : memref<320000xi32, #tpu.memory_space<hbm>> -> memref<128xi32, #tpu.memory_space<hbm>>
        %dma_start3A_95 = tpu.memref_slice %arg3[%add3A_86] : memref<320000xi32, #tpu.memory_space<hbm>> -> memref<128xi32, #tpu.memory_space<hbm>>
        tpu.enqueue_dma source(%dma_start3A_95 : memref<128xi32, #tpu.memory_space<hbm>>) target(%arg6 : memref<128xi32, #tpu.memory_space<vmem>>) target_semaphore(%run_scoped3A : memref<!tpu.dma_semaphore, #tpu.memory_space<semaphore_mem>>)
        %dma_wait3A_96 = tpu.memref_slice %arg3[%add3A_86] : memref<320000xi32, #tpu.memory_space<hbm>> -> memref<128xi32, #tpu.memory_space<hbm>>
        %dma_wait3A_97 = tpu.memref_slice %arg3[%add3A_86] : memref<320000xi32, #tpu.memory_space<hbm>> -> memref<128xi32, #tpu.memory_space<hbm>>
        tpu.wait_dma2 semaphore(%run_scoped3A : memref<!tpu.dma_semaphore, #tpu.memory_space<semaphore_mem>>) src(%dma_wait3A_97 : memref<128xi32, #tpu.memory_space<hbm>>) dst(%arg6 : memref<128xi32, #tpu.memory_space<vmem>>)
        tpu.yield
      }) : () -> ()
      "tpu.region"() ({
        %run_scoped3A = tpu.sem_alloc : memref<!tpu.dma_semaphore, #tpu.memory_space<semaphore_mem>>
        %dma_start3A_94 = tpu.memref_slice %arg4[%add3A_86] : memref<320000xi32, #tpu.memory_space<hbm>> -> memref<128xi32, #tpu.memory_space<hbm>>
        %dma_start3A_95 = tpu.memref_slice %arg4[%add3A_86] : memref<320000xi32, #tpu.memory_space<hbm>> -> memref<128xi32, #tpu.memory_space<hbm>>
        tpu.enqueue_dma source(%dma_start3A_95 : memref<128xi32, #tpu.memory_space<hbm>>) target(%arg7 : memref<128xi32, #tpu.memory_space<vmem>>) target_semaphore(%run_scoped3A : memref<!tpu.dma_semaphore, #tpu.memory_space<semaphore_mem>>)
        %dma_wait3A_96 = tpu.memref_slice %arg4[%add3A_86] : memref<320000xi32, #tpu.memory_space<hbm>> -> memref<128xi32, #tpu.memory_space<hbm>>
        %dma_wait3A_97 = tpu.memref_slice %arg4[%add3A_86] : memref<320000xi32, #tpu.memory_space<hbm>> -> memref<128xi32, #tpu.memory_space<hbm>>
        tpu.wait_dma2 semaphore(%run_scoped3A : memref<!tpu.dma_semaphore, #tpu.memory_space<semaphore_mem>>) src(%dma_wait3A_97 : memref<128xi32, #tpu.memory_space<hbm>>) dst(%arg7 : memref<128xi32, #tpu.memory_space<vmem>>)
        tpu.yield
      }) : () -> ()
      %dma_start3A_87 = arith.constant 0 : i32
      %dma_start3A_88 = arith.constant 0 : i32
      %dma_start3A_89 = tpu.memref_slice %arg2[%dma_start3A_87, %dma_start3A_88] : memref<10000x128xf32, #tpu.memory_space<hbm>> -> memref<10000x128xf32, #tpu.memory_space<hbm>>
      tpu.enqueue_indirect_dma source(%dma_start3A_89 : memref<10000x128xf32, #tpu.memory_space<hbm>>) target(%arg8 : memref<128x128xf32, #tpu.memory_space<vmem>>) offsets(%arg6 : memref<128xi32, #tpu.memory_space<vmem>>) semaphore(%arg13 : memref<!tpu.dma_semaphore, #tpu.memory_space<semaphore_mem>>)
      %dma_wait3A_90 = arith.constant 0 : i32
      %dma_wait3A_91 = arith.constant 0 : i32
      %dma_wait3A_92 = tpu.memref_slice %arg2[%dma_wait3A_90, %dma_wait3A_91] : memref<10000x128xf32, #tpu.memory_space<hbm>> -> memref<10000x128xf32, #tpu.memory_space<hbm>>
      tpu.wait_indirect_dma semaphore(%arg13 : memref<!tpu.dma_semaphore, #tpu.memory_space<semaphore_mem>>) src(%dma_wait3A_92 : memref<10000x128xf32, #tpu.memory_space<hbm>>) dst(%arg8 : memref<128x128xf32, #tpu.memory_space<vmem>>)
      "tpu.region"() ({
        %run_scoped3A = tpu.sem_alloc : memref<!tpu.dma_semaphore, #tpu.memory_space<semaphore_mem>>
        %dma_start3A_94 = arith.constant 0 : i32
        %dma_start3A_95 = arith.constant 0 : i32
        %dma_start3A_96 = tpu.memref_slice %arg14[%dma_start3A_94, %dma_start3A_95] : memref<10240x128xf32, #tpu.memory_space<vmem_shared>> -> memref<10240x128xf32, #tpu.memory_space<vmem_shared>>
        tpu.enqueue_indirect_dma source(%arg8 : memref<128x128xf32, #tpu.memory_space<vmem>>) target(%dma_start3A_96 : memref<10240x128xf32, #tpu.memory_space<vmem_shared>>) offsets(%arg7 : memref<128xi32, #tpu.memory_space<vmem>>) semaphore(%run_scoped3A : memref<!tpu.dma_semaphore, #tpu.memory_space<semaphore_mem>>) {add = true}
        %dma_wait3A_97 = arith.constant 0 : i32
        %dma_wait3A_98 = arith.constant 0 : i32
        %dma_wait3A_99 = tpu.memref_slice %arg14[%dma_wait3A_97, %dma_wait3A_98] : memref<10240x128xf32, #tpu.memory_space<vmem_shared>> -> memref<10240x128xf32, #tpu.memory_space<vmem_shared>>
        tpu.wait_indirect_dma semaphore(%run_scoped3A : memref<!tpu.dma_semaphore, #tpu.memory_space<semaphore_mem>>) src(%arg8 : memref<128x128xf32, #tpu.memory_space<vmem>>) dst(%dma_wait3A_99 : memref<10240x128xf32, #tpu.memory_space<vmem_shared>>)
        tpu.yield
      }) : () -> ()
      %scan3A_93 = arith.constant 0 : i32
      scf.yield %scan3A_93 : i32
    }
    %scan3A_69 = arith.constant 39 : i32
    %add3A_70 = arith.constant 4992 : i32
    %add3A_71 = arith.addi %add3A_62, %add3A_70 : i32
    "tpu.region"() ({
      %run_scoped3A = tpu.sem_alloc : memref<!tpu.dma_semaphore, #tpu.memory_space<semaphore_mem>>
      %dma_start3A_82 = tpu.memref_slice %arg3[%add3A_71] : memref<320000xi32, #tpu.memory_space<hbm>> -> memref<8xi32, #tpu.memory_space<hbm>>
      %dma_start3A_83 = tpu.memref_slice %arg3[%add3A_71] : memref<320000xi32, #tpu.memory_space<hbm>> -> memref<8xi32, #tpu.memory_space<hbm>>
      tpu.enqueue_dma source(%dma_start3A_83 : memref<8xi32, #tpu.memory_space<hbm>>) target(%arg10 : memref<8xi32, #tpu.memory_space<vmem>>) target_semaphore(%run_scoped3A : memref<!tpu.dma_semaphore, #tpu.memory_space<semaphore_mem>>)
      %dma_wait3A_84 = tpu.memref_slice %arg3[%add3A_71] : memref<320000xi32, #tpu.memory_space<hbm>> -> memref<8xi32, #tpu.memory_space<hbm>>
      %dma_wait3A_85 = tpu.memref_slice %arg3[%add3A_71] : memref<320000xi32, #tpu.memory_space<hbm>> -> memref<8xi32, #tpu.memory_space<hbm>>
      tpu.wait_dma2 semaphore(%run_scoped3A : memref<!tpu.dma_semaphore, #tpu.memory_space<semaphore_mem>>) src(%dma_wait3A_85 : memref<8xi32, #tpu.memory_space<hbm>>) dst(%arg10 : memref<8xi32, #tpu.memory_space<vmem>>)
      tpu.yield
    }) : () -> ()
    "tpu.region"() ({
      %run_scoped3A = tpu.sem_alloc : memref<!tpu.dma_semaphore, #tpu.memory_space<semaphore_mem>>
      %dma_start3A_82 = tpu.memref_slice %arg4[%add3A_71] : memref<320000xi32, #tpu.memory_space<hbm>> -> memref<8xi32, #tpu.memory_space<hbm>>
      %dma_start3A_83 = tpu.memref_slice %arg4[%add3A_71] : memref<320000xi32, #tpu.memory_space<hbm>> -> memref<8xi32, #tpu.memory_space<hbm>>
      tpu.enqueue_dma source(%dma_start3A_83 : memref<8xi32, #tpu.memory_space<hbm>>) target(%arg11 : memref<8xi32, #tpu.memory_space<vmem>>) target_semaphore(%run_scoped3A : memref<!tpu.dma_semaphore, #tpu.memory_space<semaphore_mem>>)
      %dma_wait3A_84 = tpu.memref_slice %arg4[%add3A_71] : memref<320000xi32, #tpu.memory_space<hbm>> -> memref<8xi32, #tpu.memory_space<hbm>>
      %dma_wait3A_85 = tpu.memref_slice %arg4[%add3A_71] : memref<320000xi32, #tpu.memory_space<hbm>> -> memref<8xi32, #tpu.memory_space<hbm>>
      tpu.wait_dma2 semaphore(%run_scoped3A : memref<!tpu.dma_semaphore, #tpu.memory_space<semaphore_mem>>) src(%dma_wait3A_85 : memref<8xi32, #tpu.memory_space<hbm>>) dst(%arg11 : memref<8xi32, #tpu.memory_space<vmem>>)
      tpu.yield
    }) : () -> ()
    %dma_start3A_72 = arith.constant 0 : i32
    %dma_start3A_73 = arith.constant 0 : i32
    %dma_start3A_74 = tpu.memref_slice %arg2[%dma_start3A_72, %dma_start3A_73] : memref<10000x128xf32, #tpu.memory_space<hbm>> -> memref<10000x128xf32, #tpu.memory_space<hbm>>
    tpu.enqueue_indirect_dma source(%dma_start3A_74 : memref<10000x128xf32, #tpu.memory_space<hbm>>) target(%arg12 : memref<8x128xf32, #tpu.memory_space<vmem>>) offsets(%arg10 : memref<8xi32, #tpu.memory_space<vmem>>) semaphore(%arg13 : memref<!tpu.dma_semaphore, #tpu.memory_space<semaphore_mem>>)
    %dma_wait3A_75 = arith.constant 0 : i32
    %dma_wait3A_76 = arith.constant 0 : i32
    %dma_wait3A_77 = tpu.memref_slice %arg2[%dma_wait3A_75, %dma_wait3A_76] : memref<10000x128xf32, #tpu.memory_space<hbm>> -> memref<10000x128xf32, #tpu.memory_space<hbm>>
    tpu.wait_indirect_dma semaphore(%arg13 : memref<!tpu.dma_semaphore, #tpu.memory_space<semaphore_mem>>) src(%dma_wait3A_77 : memref<10000x128xf32, #tpu.memory_space<hbm>>) dst(%arg12 : memref<8x128xf32, #tpu.memory_space<vmem>>)
    "tpu.region"() ({
      %run_scoped3A = tpu.sem_alloc : memref<!tpu.dma_semaphore, #tpu.memory_space<semaphore_mem>>
      %dma_start3A_82 = arith.constant 0 : i32
      %dma_start3A_83 = arith.constant 0 : i32
      %dma_start3A_84 = tpu.memref_slice %arg14[%dma_start3A_82, %dma_start3A_83] : memref<10240x128xf32, #tpu.memory_space<vmem_shared>> -> memref<10240x128xf32, #tpu.memory_space<vmem_shared>>
      tpu.enqueue_indirect_dma source(%arg12 : memref<8x128xf32, #tpu.memory_space<vmem>>) target(%dma_start3A_84 : memref<10240x128xf32, #tpu.memory_space<vmem_shared>>) offsets(%arg11 : memref<8xi32, #tpu.memory_space<vmem>>) semaphore(%run_scoped3A : memref<!tpu.dma_semaphore, #tpu.memory_space<semaphore_mem>>) {add = true}
      %dma_wait3A_85 = arith.constant 0 : i32
      %dma_wait3A_86 = arith.constant 0 : i32
      %dma_wait3A_87 = tpu.memref_slice %arg14[%dma_wait3A_85, %dma_wait3A_86] : memref<10240x128xf32, #tpu.memory_space<vmem_shared>> -> memref<10240x128xf32, #tpu.memory_space<vmem_shared>>
      tpu.wait_indirect_dma semaphore(%run_scoped3A : memref<!tpu.dma_semaphore, #tpu.memory_space<semaphore_mem>>) src(%arg12 : memref<8x128xf32, #tpu.memory_space<vmem>>) dst(%dma_wait3A_87 : memref<10240x128xf32, #tpu.memory_space<vmem_shared>>)
      tpu.yield
    }) : () -> ()
    %barrier3A_78 = arith.constant 0 : index
    tpu.barrier barrier_id(%barrier3A_78)
    %mul3A_79 = arith.constant 10240 : i32
    %mul3A_80 = arith.muli %add3A_46, %mul3A_79 : i32
    %add3A_81 = arith.addi %mul3A_80, %mul3A_7 : i32
    "tpu.region"() ({
      %run_scoped3A = tpu.sem_alloc : memref<!tpu.dma_semaphore, #tpu.memory_space<semaphore_mem>>
      %dma_start3A_82 = arith.constant 0 : i32
      %dma_start3A_83 = tpu.memref_slice %arg5[%add3A_81, %dma_start3A_82] : memref<40960x128xf32, #tpu.memory_space<hbm>> -> memref<640x128xf32, #tpu.memory_space<hbm>>
      %dma_start3A_84 = arith.constant 0 : i32
      %dma_start3A_85 = tpu.memref_slice %arg14[%mul3A_7, %dma_start3A_84] : memref<10240x128xf32, #tpu.memory_space<vmem_shared>> -> memref<640x128xf32, #tpu.memory_space<vmem_shared>>
      tpu.enqueue_dma source(%dma_start3A_85 : memref<640x128xf32, #tpu.memory_space<vmem_shared>>) target(%dma_start3A_83 : memref<640x128xf32, #tpu.memory_space<hbm>>) target_semaphore(%run_scoped3A : memref<!tpu.dma_semaphore, #tpu.memory_space<semaphore_mem>>)
      %dma_wait3A_86 = arith.constant 0 : i32
      %dma_wait3A_87 = tpu.memref_slice %arg5[%add3A_81, %dma_wait3A_86] : memref<40960x128xf32, #tpu.memory_space<hbm>> -> memref<640x128xf32, #tpu.memory_space<hbm>>
      %dma_wait3A_88 = arith.constant 0 : i32
      %dma_wait3A_89 = tpu.memref_slice %arg14[%mul3A_7, %dma_wait3A_88] : memref<10240x128xf32, #tpu.memory_space<vmem_shared>> -> memref<640x128xf32, #tpu.memory_space<vmem_shared>>
      tpu.wait_dma2 semaphore(%run_scoped3A : memref<!tpu.dma_semaphore, #tpu.memory_space<semaphore_mem>>) src(%dma_wait3A_89 : memref<640x128xf32, #tpu.memory_space<vmem_shared>>) dst(%dma_wait3A_87 : memref<640x128xf32, #tpu.memory_space<hbm>>)
      tpu.yield
    }) : () -> ()
    return
  }
}

#map = affine_map<(d0, d1) -> (0, 0)>
#map1 = affine_map<(d0, d1) -> (0)>
module attributes {stable_mosaic.version = 14 : i64} {
  func.func @sc_rel_agg(%arg0: i32, %arg1: i32, %arg2: memref<10000x128xf32, #tpu.memory_space<hbm>>, %arg3: memref<320000xi32, #tpu.memory_space<hbm>>, %arg4: memref<320000xi32, #tpu.memory_space<hbm>>, %arg5: memref<40960x128xf32, #tpu.memory_space<hbm>>, %arg6: memref<128xi32, #tpu.memory_space<vmem>>, %arg7: memref<128xi32, #tpu.memory_space<vmem>>, %arg8: memref<128x128xf32, #tpu.memory_space<vmem>>, %arg9: memref<128x128xf32, #tpu.memory_space<vmem>>, %arg10: memref<8xi32, #tpu.memory_space<vmem>>, %arg11: memref<8xi32, #tpu.memory_space<vmem>>, %arg12: memref<8x128xf32, #tpu.memory_space<vmem>>, %arg13: memref<!tpu.dma_semaphore, #tpu.memory_space<semaphore_mem>>, %arg14: memref<10240x128xf32, #tpu.memory_space<vmem_shared>>) attributes {dimension_semantics = [#tpu.dimension_semantics<core_parallel>, #tpu.dimension_semantics<subcore_parallel>], iteration_bounds = array<i64: 2, 16>, scalar_prefetch = 0 : i64, scratch_operands = 9 : i64, tpu.core_type = #tpu.core_type<sc_vector_subcore>, window_params = [{transform_indices = #map}, {transform_indices = #map1}, {transform_indices = #map1}, {transform_indices = #map}]} {
    %broadcast_in_dim3A = arith.constant 0.000000e+00 : f32
    %broadcast_in_dim3A_0 = vector.broadcast %broadcast_in_dim3A : f32 to vector<16xf32>
    %scan3A = arith.constant 0 : i32
    %scan3A_1 = arith.constant 0 : i32
    %scan3A_2 = arith.constant 128 : i32
    %scan3A_3 = arith.addi %scan3A_1, %scan3A_2 : i32
    %scan3A_4 = arith.constant 1 : i32
    %scan3A_5 = scf.for %scan3A_82 = %scan3A_1 to %scan3A_3 step %scan3A_4 iter_args(%scan3A_83 = %scan3A) -> (i32)  : i32 {
      %scan3A_84 = arith.constant 0 : i32
      %scan3A_85 = arith.constant 0 : i32
      %scan3A_86 = arith.constant 8 : i32
      %scan3A_87 = arith.addi %scan3A_85, %scan3A_86 : i32
      %scan3A_88 = arith.constant 1 : i32
      %scan3A_89 = scf.for %scan3A_91 = %scan3A_85 to %scan3A_87 step %scan3A_88 iter_args(%scan3A_92 = %scan3A_84) -> (i32)  : i32 {
        %mul3A_93 = arith.constant 16 : i32
        %mul3A_94 = arith.muli %scan3A_91, %mul3A_93 : i32
        %swap3A = arith.index_cast %scan3A_82 : i32 to index
        %swap3A_95 = arith.index_cast %mul3A_94 : i32 to index
        %swap3A_96 = tpu.vector_load %arg9[%swap3A, %swap3A_95] {strides = array<i32>} : memref<128x128xf32, #tpu.memory_space<vmem>>, vector<1x16xf32>,
        %swap3A_97 = vector.shape_cast %swap3A_96 : vector<1x16xf32> to vector<16xf32>
        %swap3A_98 = vector.shape_cast %broadcast_in_dim3A_0 : vector<16xf32> to vector<1x16xf32>
        tpu.vector_store %arg9[%swap3A, %swap3A_95], %swap3A_98 {strides = array<i32>} : memref<128x128xf32, #tpu.memory_space<vmem>>, vector<1x16xf32>,
        %scan3A_99 = arith.constant 0 : i32
        scf.yield %scan3A_99 : i32
      }
      %scan3A_90 = arith.constant 8 : i32
      scf.yield %scan3A_89 : i32
    }
    %scan3A_6 = arith.constant 128 : i32
    %mul3A = arith.constant 640 : i32
    %mul3A_7 = arith.muli %arg1, %mul3A : i32
    %mul3A_8 = arith.constant 2 : i32
    %mul3A_9 = arith.muli %arg0, %mul3A_8 : i32
    %add3A = arith.constant 0 : i32
    %add3A_10 = arith.addi %mul3A_9, %add3A : i32
    %add3A_11 = arith.constant 0 : i32
    %add3A_12 = arith.addi %mul3A_7, %add3A_11 : i32
    "tpu.region"() ({
      %run_scoped3A = tpu.sem_alloc : memref<!tpu.dma_semaphore, #tpu.memory_space<semaphore_mem>>
      %dma_start3A_82 = arith.constant 0 : i32
      %dma_start3A_83 = tpu.memref_slice %arg14[%add3A_12, %dma_start3A_82] : memref<10240x128xf32, #tpu.memory_space<vmem_shared>> -> memref<128x128xf32, #tpu.memory_space<vmem_shared>>
      %dma_start3A_84 = arith.constant 0 : i32
      %dma_start3A_85 = tpu.memref_slice %arg14[%add3A_12, %dma_start3A_84] : memref<10240x128xf32, #tpu.memory_space<vmem_shared>> -> memref<128x128xf32, #tpu.memory_space<vmem_shared>>
      tpu.enqueue_dma source(%arg9 : memref<128x128xf32, #tpu.memory_space<vmem>>) target(%dma_start3A_85 : memref<128x128xf32, #tpu.memory_space<vmem_shared>>) target_semaphore(%run_scoped3A : memref<!tpu.dma_semaphore, #tpu.memory_space<semaphore_mem>>)
      %dma_wait3A_86 = arith.constant 0 : i32
      %dma_wait3A_87 = tpu.memref_slice %arg14[%add3A_12, %dma_wait3A_86] : memref<10240x128xf32, #tpu.memory_space<vmem_shared>> -> memref<128x128xf32, #tpu.memory_space<vmem_shared>>
      %dma_wait3A_88 = arith.constant 0 : i32
      %dma_wait3A_89 = tpu.memref_slice %arg14[%add3A_12, %dma_wait3A_88] : memref<10240x128xf32, #tpu.memory_space<vmem_shared>> -> memref<128x128xf32, #tpu.memory_space<vmem_shared>>
      tpu.wait_dma2 semaphore(%run_scoped3A : memref<!tpu.dma_semaphore, #tpu.memory_space<semaphore_mem>>) src(%arg9 : memref<128x128xf32, #tpu.memory_space<vmem>>) dst(%dma_wait3A_89 : memref<128x128xf32, #tpu.memory_space<vmem_shared>>)
      tpu.yield
    }) : () -> ()
    %add3A_13 = arith.constant 128 : i32
    %add3A_14 = arith.addi %mul3A_7, %add3A_13 : i32
    "tpu.region"() ({
      %run_scoped3A = tpu.sem_alloc : memref<!tpu.dma_semaphore, #tpu.memory_space<semaphore_mem>>
      %dma_start3A_82 = arith.constant 0 : i32
      %dma_start3A_83 = tpu.memref_slice %arg14[%add3A_14, %dma_start3A_82] : memref<10240x128xf32, #tpu.memory_space<vmem_shared>> -> memref<128x128xf32, #tpu.memory_space<vmem_shared>>
      %dma_start3A_84 = arith.constant 0 : i32
      %dma_start3A_85 = tpu.memref_slice %arg14[%add3A_14, %dma_start3A_84] : memref<10240x128xf32, #tpu.memory_space<vmem_shared>> -> memref<128x128xf32, #tpu.memory_space<vmem_shared>>
      tpu.enqueue_dma source(%arg9 : memref<128x128xf32, #tpu.memory_space<vmem>>) target(%dma_start3A_85 : memref<128x128xf32, #tpu.memory_space<vmem_shared>>) target_semaphore(%run_scoped3A : memref<!tpu.dma_semaphore, #tpu.memory_space<semaphore_mem>>)
      %dma_wait3A_86 = arith.constant 0 : i32
      %dma_wait3A_87 = tpu.memref_slice %arg14[%add3A_14, %dma_wait3A_86] : memref<10240x128xf32, #tpu.memory_space<vmem_shared>> -> memref<128x128xf32, #tpu.memory_space<vmem_shared>>
      %dma_wait3A_88 = arith.constant 0 : i32
      %dma_wait3A_89 = tpu.memref_slice %arg14[%add3A_14, %dma_wait3A_88] : memref<10240x128xf32, #tpu.memory_space<vmem_shared>> -> memref<128x128xf32, #tpu.memory_space<vmem_shared>>
      tpu.wait_dma2 semaphore(%run_scoped3A : memref<!tpu.dma_semaphore, #tpu.memory_space<semaphore_mem>>) src(%arg9 : memref<128x128xf32, #tpu.memory_space<vmem>>) dst(%dma_wait3A_89 : memref<128x128xf32, #tpu.memory_space<vmem_shared>>)
      tpu.yield
    }) : () -> ()
    %add3A_15 = arith.constant 256 : i32
    %add3A_16 = arith.addi %mul3A_7, %add3A_15 : i32
    "tpu.region"() ({
      %run_scoped3A = tpu.sem_alloc : memref<!tpu.dma_semaphore, #tpu.memory_space<semaphore_mem>>
      %dma_start3A_82 = arith.constant 0 : i32
      %dma_start3A_83 = tpu.memref_slice %arg14[%add3A_16, %dma_start3A_82] : memref<10240x128xf32, #tpu.memory_space<vmem_shared>> -> memref<128x128xf32, #tpu.memory_space<vmem_shared>>
      %dma_start3A_84 = arith.constant 0 : i32
      %dma_start3A_85 = tpu.memref_slice %arg14[%add3A_16, %dma_start3A_84] : memref<10240x128xf32, #tpu.memory_space<vmem_shared>> -> memref<128x128xf32, #tpu.memory_space<vmem_shared>>
      tpu.enqueue_dma source(%arg9 : memref<128x128xf32, #tpu.memory_space<vmem>>) target(%dma_start3A_85 : memref<128x128xf32, #tpu.memory_space<vmem_shared>>) target_semaphore(%run_scoped3A : memref<!tpu.dma_semaphore, #tpu.memory_space<semaphore_mem>>)
      %dma_wait3A_86 = arith.constant 0 : i32
      %dma_wait3A_87 = tpu.memref_slice %arg14[%add3A_16, %dma_wait3A_86] : memref<10240x128xf32, #tpu.memory_space<vmem_shared>> -> memref<128x128xf32, #tpu.memory_space<vmem_shared>>
      %dma_wait3A_88 = arith.constant 0 : i32
      %dma_wait3A_89 = tpu.memref_slice %arg14[%add3A_16, %dma_wait3A_88] : memref<10240x128xf32, #tpu.memory_space<vmem_shared>> -> memref<128x128xf32, #tpu.memory_space<vmem_shared>>
      tpu.wait_dma2 semaphore(%run_scoped3A : memref<!tpu.dma_semaphore, #tpu.memory_space<semaphore_mem>>) src(%arg9 : memref<128x128xf32, #tpu.memory_space<vmem>>) dst(%dma_wait3A_89 : memref<128x128xf32, #tpu.memory_space<vmem_shared>>)
      tpu.yield
    }) : () -> ()
    %add3A_17 = arith.constant 384 : i32
    %add3A_18 = arith.addi %mul3A_7, %add3A_17 : i32
    "tpu.region"() ({
      %run_scoped3A = tpu.sem_alloc : memref<!tpu.dma_semaphore, #tpu.memory_space<semaphore_mem>>
      %dma_start3A_82 = arith.constant 0 : i32
      %dma_start3A_83 = tpu.memref_slice %arg14[%add3A_18, %dma_start3A_82] : memref<10240x128xf32, #tpu.memory_space<vmem_shared>> -> memref<128x128xf32, #tpu.memory_space<vmem_shared>>
      %dma_start3A_84 = arith.constant 0 : i32
      %dma_start3A_85 = tpu.memref_slice %arg14[%add3A_18, %dma_start3A_84] : memref<10240x128xf32, #tpu.memory_space<vmem_shared>> -> memref<128x128xf32, #tpu.memory_space<vmem_shared>>
      tpu.enqueue_dma source(%arg9 : memref<128x128xf32, #tpu.memory_space<vmem>>) target(%dma_start3A_85 : memref<128x128xf32, #tpu.memory_space<vmem_shared>>) target_semaphore(%run_scoped3A : memref<!tpu.dma_semaphore, #tpu.memory_space<semaphore_mem>>)
      %dma_wait3A_86 = arith.constant 0 : i32
      %dma_wait3A_87 = tpu.memref_slice %arg14[%add3A_18, %dma_wait3A_86] : memref<10240x128xf32, #tpu.memory_space<vmem_shared>> -> memref<128x128xf32, #tpu.memory_space<vmem_shared>>
      %dma_wait3A_88 = arith.constant 0 : i32
      %dma_wait3A_89 = tpu.memref_slice %arg14[%add3A_18, %dma_wait3A_88] : memref<10240x128xf32, #tpu.memory_space<vmem_shared>> -> memref<128x128xf32, #tpu.memory_space<vmem_shared>>
      tpu.wait_dma2 semaphore(%run_scoped3A : memref<!tpu.dma_semaphore, #tpu.memory_space<semaphore_mem>>) src(%arg9 : memref<128x128xf32, #tpu.memory_space<vmem>>) dst(%dma_wait3A_89 : memref<128x128xf32, #tpu.memory_space<vmem_shared>>)
      tpu.yield
    }) : () -> ()
    %add3A_19 = arith.constant 512 : i32
    %add3A_20 = arith.addi %mul3A_7, %add3A_19 : i32
    "tpu.region"() ({
      %run_scoped3A = tpu.sem_alloc : memref<!tpu.dma_semaphore, #tpu.memory_space<semaphore_mem>>
      %dma_start3A_82 = arith.constant 0 : i32
      %dma_start3A_83 = tpu.memref_slice %arg14[%add3A_20, %dma_start3A_82] : memref<10240x128xf32, #tpu.memory_space<vmem_shared>> -> memref<128x128xf32, #tpu.memory_space<vmem_shared>>
      %dma_start3A_84 = arith.constant 0 : i32
      %dma_start3A_85 = tpu.memref_slice %arg14[%add3A_20, %dma_start3A_84] : memref<10240x128xf32, #tpu.memory_space<vmem_shared>> -> memref<128x128xf32, #tpu.memory_space<vmem_shared>>
      tpu.enqueue_dma source(%arg9 : memref<128x128xf32, #tpu.memory_space<vmem>>) target(%dma_start3A_85 : memref<128x128xf32, #tpu.memory_space<vmem_shared>>) target_semaphore(%run_scoped3A : memref<!tpu.dma_semaphore, #tpu.memory_space<semaphore_mem>>)
      %dma_wait3A_86 = arith.constant 0 : i32
      %dma_wait3A_87 = tpu.memref_slice %arg14[%add3A_20, %dma_wait3A_86] : memref<10240x128xf32, #tpu.memory_space<vmem_shared>> -> memref<128x128xf32, #tpu.memory_space<vmem_shared>>
      %dma_wait3A_88 = arith.constant 0 : i32
      %dma_wait3A_89 = tpu.memref_slice %arg14[%add3A_20, %dma_wait3A_88] : memref<10240x128xf32, #tpu.memory_space<vmem_shared>> -> memref<128x128xf32, #tpu.memory_space<vmem_shared>>
      tpu.wait_dma2 semaphore(%run_scoped3A : memref<!tpu.dma_semaphore, #tpu.memory_space<semaphore_mem>>) src(%arg9 : memref<128x128xf32, #tpu.memory_space<vmem>>) dst(%dma_wait3A_89 : memref<128x128xf32, #tpu.memory_space<vmem_shared>>)
      tpu.yield
    }) : () -> ()
    %barrier3A = arith.constant 0 : index
    tpu.barrier barrier_id(%barrier3A)
    %mul3A_21 = arith.constant 80000 : i32
    %mul3A_22 = arith.muli %add3A_10, %mul3A_21 : i32
    %mul3A_23 = arith.constant 5000 : i32
    %mul3A_24 = arith.muli %arg1, %mul3A_23 : i32
    %add3A_25 = arith.addi %mul3A_22, %mul3A_24 : i32
    %scan3A_26 = arith.constant 0 : i32
    %scan3A_27 = arith.constant 0 : i32
    %scan3A_28 = arith.constant 39 : i32
    %scan3A_29 = arith.addi %scan3A_27, %scan3A_28 : i32
    %scan3A_30 = arith.constant 1 : i32
    %scan3A_31 = scf.for %scan3A_82 = %scan3A_27 to %scan3A_29 step %scan3A_30 iter_args(%scan3A_83 = %scan3A_26) -> (i32)  : i32 {
      %mul3A_84 = arith.constant 128 : i32
      %mul3A_85 = arith.muli %scan3A_82, %mul3A_84 : i32
      %add3A_86 = arith.addi %add3A_25, %mul3A_85 : i32
      "tpu.region"() ({
        %run_scoped3A = tpu.sem_alloc : memref<!tpu.dma_semaphore, #tpu.memory_space<semaphore_mem>>
        %dma_start3A_94 = tpu.memref_slice %arg3[%add3A_86] : memref<320000xi32, #tpu.memory_space<hbm>> -> memref<128xi32, #tpu.memory_space<hbm>>
        %dma_start3A_95 = tpu.memref_slice %arg3[%add3A_86] : memref<320000xi32, #tpu.memory_space<hbm>> -> memref<128xi32, #tpu.memory_space<hbm>>
        tpu.enqueue_dma source(%dma_start3A_95 : memref<128xi32, #tpu.memory_space<hbm>>) target(%arg6 : memref<128xi32, #tpu.memory_space<vmem>>) target_semaphore(%run_scoped3A : memref<!tpu.dma_semaphore, #tpu.memory_space<semaphore_mem>>)
        %dma_wait3A_96 = tpu.memref_slice %arg3[%add3A_86] : memref<320000xi32, #tpu.memory_space<hbm>> -> memref<128xi32, #tpu.memory_space<hbm>>
        %dma_wait3A_97 = tpu.memref_slice %arg3[%add3A_86] : memref<320000xi32, #tpu.memory_space<hbm>> -> memref<128xi32, #tpu.memory_space<hbm>>
        tpu.wait_dma2 semaphore(%run_scoped3A : memref<!tpu.dma_semaphore, #tpu.memory_space<semaphore_mem>>) src(%dma_wait3A_97 : memref<128xi32, #tpu.memory_space<hbm>>) dst(%arg6 : memref<128xi32, #tpu.memory_space<vmem>>)
        tpu.yield
      }) : () -> ()
      "tpu.region"() ({
        %run_scoped3A = tpu.sem_alloc : memref<!tpu.dma_semaphore, #tpu.memory_space<semaphore_mem>>
        %dma_start3A_94 = tpu.memref_slice %arg4[%add3A_86] : memref<320000xi32, #tpu.memory_space<hbm>> -> memref<128xi32, #tpu.memory_space<hbm>>
        %dma_start3A_95 = tpu.memref_slice %arg4[%add3A_86] : memref<320000xi32, #tpu.memory_space<hbm>> -> memref<128xi32, #tpu.memory_space<hbm>>
        tpu.enqueue_dma source(%dma_start3A_95 : memref<128xi32, #tpu.memory_space<hbm>>) target(%arg7 : memref<128xi32, #tpu.memory_space<vmem>>) target_semaphore(%run_scoped3A : memref<!tpu.dma_semaphore, #tpu.memory_space<semaphore_mem>>)
        %dma_wait3A_96 = tpu.memref_slice %arg4[%add3A_86] : memref<320000xi32, #tpu.memory_space<hbm>> -> memref<128xi32, #tpu.memory_space<hbm>>
        %dma_wait3A_97 = tpu.memref_slice %arg4[%add3A_86] : memref<320000xi32, #tpu.memory_space<hbm>> -> memref<128xi32, #tpu.memory_space<hbm>>
        tpu.wait_dma2 semaphore(%run_scoped3A : memref<!tpu.dma_semaphore, #tpu.memory_space<semaphore_mem>>) src(%dma_wait3A_97 : memref<128xi32, #tpu.memory_space<hbm>>) dst(%arg7 : memref<128xi32, #tpu.memory_space<vmem>>)
        tpu.yield
      }) : () -> ()
      %dma_start3A_87 = arith.constant 0 : i32
      %dma_start3A_88 = arith.constant 0 : i32
      %dma_start3A_89 = tpu.memref_slice %arg2[%dma_start3A_87, %dma_start3A_88] : memref<10000x128xf32, #tpu.memory_space<hbm>> -> memref<10000x128xf32, #tpu.memory_space<hbm>>
      tpu.enqueue_indirect_dma source(%dma_start3A_89 : memref<10000x128xf32, #tpu.memory_space<hbm>>) target(%arg8 : memref<128x128xf32, #tpu.memory_space<vmem>>) offsets(%arg6 : memref<128xi32, #tpu.memory_space<vmem>>) semaphore(%arg13 : memref<!tpu.dma_semaphore, #tpu.memory_space<semaphore_mem>>)
      %dma_wait3A_90 = arith.constant 0 : i32
      %dma_wait3A_91 = arith.constant 0 : i32
      %dma_wait3A_92 = tpu.memref_slice %arg2[%dma_wait3A_90, %dma_wait3A_91] : memref<10000x128xf32, #tpu.memory_space<hbm>> -> memref<10000x128xf32, #tpu.memory_space<hbm>>
      tpu.wait_indirect_dma semaphore(%arg13 : memref<!tpu.dma_semaphore, #tpu.memory_space<semaphore_mem>>) src(%dma_wait3A_92 : memref<10000x128xf32, #tpu.memory_space<hbm>>) dst(%arg8 : memref<128x128xf32, #tpu.memory_space<vmem>>)
      "tpu.region"() ({
        %run_scoped3A = tpu.sem_alloc : memref<!tpu.dma_semaphore, #tpu.memory_space<semaphore_mem>>
        %dma_start3A_94 = arith.constant 0 : i32
        %dma_start3A_95 = arith.constant 0 : i32
        %dma_start3A_96 = tpu.memref_slice %arg14[%dma_start3A_94, %dma_start3A_95] : memref<10240x128xf32, #tpu.memory_space<vmem_shared>> -> memref<10240x128xf32, #tpu.memory_space<vmem_shared>>
        tpu.enqueue_indirect_dma source(%arg8 : memref<128x128xf32, #tpu.memory_space<vmem>>) target(%dma_start3A_96 : memref<10240x128xf32, #tpu.memory_space<vmem_shared>>) offsets(%arg7 : memref<128xi32, #tpu.memory_space<vmem>>) semaphore(%run_scoped3A : memref<!tpu.dma_semaphore, #tpu.memory_space<semaphore_mem>>) {add = true}
        %dma_wait3A_97 = arith.constant 0 : i32
        %dma_wait3A_98 = arith.constant 0 : i32
        %dma_wait3A_99 = tpu.memref_slice %arg14[%dma_wait3A_97, %dma_wait3A_98] : memref<10240x128xf32, #tpu.memory_space<vmem_shared>> -> memref<10240x128xf32, #tpu.memory_space<vmem_shared>>
        tpu.wait_indirect_dma semaphore(%run_scoped3A : memref<!tpu.dma_semaphore, #tpu.memory_space<semaphore_mem>>) src(%arg8 : memref<128x128xf32, #tpu.memory_space<vmem>>) dst(%dma_wait3A_99 : memref<10240x128xf32, #tpu.memory_space<vmem_shared>>)
        tpu.yield
      }) : () -> ()
      %scan3A_93 = arith.constant 0 : i32
      scf.yield %scan3A_93 : i32
    }
    %scan3A_32 = arith.constant 39 : i32
    %add3A_33 = arith.constant 4992 : i32
    %add3A_34 = arith.addi %add3A_25, %add3A_33 : i32
    "tpu.region"() ({
      %run_scoped3A = tpu.sem_alloc : memref<!tpu.dma_semaphore, #tpu.memory_space<semaphore_mem>>
      %dma_start3A_82 = tpu.memref_slice %arg3[%add3A_34] : memref<320000xi32, #tpu.memory_space<hbm>> -> memref<8xi32, #tpu.memory_space<hbm>>
      %dma_start3A_83 = tpu.memref_slice %arg3[%add3A_34] : memref<320000xi32, #tpu.memory_space<hbm>> -> memref<8xi32, #tpu.memory_space<hbm>>
      tpu.enqueue_dma source(%dma_start3A_83 : memref<8xi32, #tpu.memory_space<hbm>>) target(%arg10 : memref<8xi32, #tpu.memory_space<vmem>>) target_semaphore(%run_scoped3A : memref<!tpu.dma_semaphore, #tpu.memory_space<semaphore_mem>>)
      %dma_wait3A_84 = tpu.memref_slice %arg3[%add3A_34] : memref<320000xi32, #tpu.memory_space<hbm>> -> memref<8xi32, #tpu.memory_space<hbm>>
      %dma_wait3A_85 = tpu.memref_slice %arg3[%add3A_34] : memref<320000xi32, #tpu.memory_space<hbm>> -> memref<8xi32, #tpu.memory_space<hbm>>
      tpu.wait_dma2 semaphore(%run_scoped3A : memref<!tpu.dma_semaphore, #tpu.memory_space<semaphore_mem>>) src(%dma_wait3A_85 : memref<8xi32, #tpu.memory_space<hbm>>) dst(%arg10 : memref<8xi32, #tpu.memory_space<vmem>>)
      tpu.yield
    }) : () -> ()
    "tpu.region"() ({
      %run_scoped3A = tpu.sem_alloc : memref<!tpu.dma_semaphore, #tpu.memory_space<semaphore_mem>>
      %dma_start3A_82 = tpu.memref_slice %arg4[%add3A_34] : memref<320000xi32, #tpu.memory_space<hbm>> -> memref<8xi32, #tpu.memory_space<hbm>>
      %dma_start3A_83 = tpu.memref_slice %arg4[%add3A_34] : memref<320000xi32, #tpu.memory_space<hbm>> -> memref<8xi32, #tpu.memory_space<hbm>>
      tpu.enqueue_dma source(%dma_start3A_83 : memref<8xi32, #tpu.memory_space<hbm>>) target(%arg11 : memref<8xi32, #tpu.memory_space<vmem>>) target_semaphore(%run_scoped3A : memref<!tpu.dma_semaphore, #tpu.memory_space<semaphore_mem>>)
      %dma_wait3A_84 = tpu.memref_slice %arg4[%add3A_34] : memref<320000xi32, #tpu.memory_space<hbm>> -> memref<8xi32, #tpu.memory_space<hbm>>
      %dma_wait3A_85 = tpu.memref_slice %arg4[%add3A_34] : memref<320000xi32, #tpu.memory_space<hbm>> -> memref<8xi32, #tpu.memory_space<hbm>>
      tpu.wait_dma2 semaphore(%run_scoped3A : memref<!tpu.dma_semaphore, #tpu.memory_space<semaphore_mem>>) src(%dma_wait3A_85 : memref<8xi32, #tpu.memory_space<hbm>>) dst(%arg11 : memref<8xi32, #tpu.memory_space<vmem>>)
      tpu.yield
    }) : () -> ()
    %dma_start3A = arith.constant 0 : i32
    %dma_start3A_35 = arith.constant 0 : i32
    %dma_start3A_36 = tpu.memref_slice %arg2[%dma_start3A, %dma_start3A_35] : memref<10000x128xf32, #tpu.memory_space<hbm>> -> memref<10000x128xf32, #tpu.memory_space<hbm>>
    tpu.enqueue_indirect_dma source(%dma_start3A_36 : memref<10000x128xf32, #tpu.memory_space<hbm>>) target(%arg12 : memref<8x128xf32, #tpu.memory_space<vmem>>) offsets(%arg10 : memref<8xi32, #tpu.memory_space<vmem>>) semaphore(%arg13 : memref<!tpu.dma_semaphore, #tpu.memory_space<semaphore_mem>>)
    %dma_wait3A = arith.constant 0 : i32
    %dma_wait3A_37 = arith.constant 0 : i32
    %dma_wait3A_38 = tpu.memref_slice %arg2[%dma_wait3A, %dma_wait3A_37] : memref<10000x128xf32, #tpu.memory_space<hbm>> -> memref<10000x128xf32, #tpu.memory_space<hbm>>
    tpu.wait_indirect_dma semaphore(%arg13 : memref<!tpu.dma_semaphore, #tpu.memory_space<semaphore_mem>>) src(%dma_wait3A_38 : memref<10000x128xf32, #tpu.memory_space<hbm>>) dst(%arg12 : memref<8x128xf32, #tpu.memory_space<vmem>>)
    "tpu.region"() ({
      %run_scoped3A = tpu.sem_alloc : memref<!tpu.dma_semaphore, #tpu.memory_space<semaphore_mem>>
      %dma_start3A_82 = arith.constant 0 : i32
      %dma_start3A_83 = arith.constant 0 : i32
      %dma_start3A_84 = tpu.memref_slice %arg14[%dma_start3A_82, %dma_start3A_83] : memref<10240x128xf32, #tpu.memory_space<vmem_shared>> -> memref<10240x128xf32, #tpu.memory_space<vmem_shared>>
      tpu.enqueue_indirect_dma source(%arg12 : memref<8x128xf32, #tpu.memory_space<vmem>>) target(%dma_start3A_84 : memref<10240x128xf32, #tpu.memory_space<vmem_shared>>) offsets(%arg11 : memref<8xi32, #tpu.memory_space<vmem>>) semaphore(%run_scoped3A : memref<!tpu.dma_semaphore, #tpu.memory_space<semaphore_mem>>) {add = true}
      %dma_wait3A_85 = arith.constant 0 : i32
      %dma_wait3A_86 = arith.constant 0 : i32
      %dma_wait3A_87 = tpu.memref_slice %arg14[%dma_wait3A_85, %dma_wait3A_86] : memref<10240x128xf32, #tpu.memory_space<vmem_shared>> -> memref<10240x128xf32, #tpu.memory_space<vmem_shared>>
      tpu.wait_indirect_dma semaphore(%run_scoped3A : memref<!tpu.dma_semaphore, #tpu.memory_space<semaphore_mem>>) src(%arg12 : memref<8x128xf32, #tpu.memory_space<vmem>>) dst(%dma_wait3A_87 : memref<10240x128xf32, #tpu.memory_space<vmem_shared>>)
      tpu.yield
    }) : () -> ()
    %barrier3A_39 = arith.constant 0 : index
    tpu.barrier barrier_id(%barrier3A_39)
    %mul3A_40 = arith.constant 10240 : i32
    %mul3A_41 = arith.muli %add3A_10, %mul3A_40 : i32
    %add3A_42 = arith.addi %mul3A_41, %mul3A_7 : i32
    "tpu.region"() ({
      %run_scoped3A = tpu.sem_alloc : memref<!tpu.dma_semaphore, #tpu.memory_space<semaphore_mem>>
      %dma_start3A_82 = arith.constant 0 : i32
      %dma_start3A_83 = tpu.memref_slice %arg5[%add3A_42, %dma_start3A_82] : memref<40960x128xf32, #tpu.memory_space<hbm>> -> memref<640x128xf32, #tpu.memory_space<hbm>>
      %dma_start3A_84 = arith.constant 0 : i32
      %dma_start3A_85 = tpu.memref_slice %arg14[%mul3A_7, %dma_start3A_84] : memref<10240x128xf32, #tpu.memory_space<vmem_shared>> -> memref<640x128xf32, #tpu.memory_space<vmem_shared>>
      tpu.enqueue_dma source(%dma_start3A_85 : memref<640x128xf32, #tpu.memory_space<vmem_shared>>) target(%dma_start3A_83 : memref<640x128xf32, #tpu.memory_space<hbm>>) target_semaphore(%run_scoped3A : memref<!tpu.dma_semaphore, #tpu.memory_space<semaphore_mem>>)
      %dma_wait3A_86 = arith.constant 0 : i32
      %dma_wait3A_87 = tpu.memref_slice %arg5[%add3A_42, %dma_wait3A_86] : memref<40960x128xf32, #tpu.memory_space<hbm>> -> memref<640x128xf32, #tpu.memory_space<hbm>>
      %dma_wait3A_88 = arith.constant 0 : i32
      %dma_wait3A_89 = tpu.memref_slice %arg14[%mul3A_7, %dma_wait3A_88] : memref<10240x128xf32, #tpu.memory_space<vmem_shared>> -> memref<640x128xf32, #tpu.memory_space<vmem_shared>>
      tpu.wait_dma2 semaphore(%run_scoped3A : memref<!tpu.dma_semaphore, #tpu.memory_space<semaphore_mem>>) src(%dma_wait3A_89 : memref<640x128xf32, #tpu.memory_space<vmem_shared>>) dst(%dma_wait3A_87 : memref<640x128xf32, #tpu.memory_space<hbm>>)
      tpu.yield
    }) : () -> ()
    %mul3A_43 = arith.constant 2 : i32
    %mul3A_44 = arith.muli %arg0, %mul3A_43 : i32
    %add3A_45 = arith.constant 1 : i32
    %add3A_46 = arith.addi %mul3A_44, %add3A_45 : i32
    %add3A_47 = arith.constant 0 : i32
    %add3A_48 = arith.addi %mul3A_7, %add3A_47 : i32
    "tpu.region"() ({
      %run_scoped3A = tpu.sem_alloc : memref<!tpu.dma_semaphore, #tpu.memory_space<semaphore_mem>>
      %dma_start3A_82 = arith.constant 0 : i32
      %dma_start3A_83 = tpu.memref_slice %arg14[%add3A_48, %dma_start3A_82] : memref<10240x128xf32, #tpu.memory_space<vmem_shared>> -> memref<128x128xf32, #tpu.memory_space<vmem_shared>>
      %dma_start3A_84 = arith.constant 0 : i32
      %dma_start3A_85 = tpu.memref_slice %arg14[%add3A_48, %dma_start3A_84] : memref<10240x128xf32, #tpu.memory_space<vmem_shared>> -> memref<128x128xf32, #tpu.memory_space<vmem_shared>>
      tpu.enqueue_dma source(%arg9 : memref<128x128xf32, #tpu.memory_space<vmem>>) target(%dma_start3A_85 : memref<128x128xf32, #tpu.memory_space<vmem_shared>>) target_semaphore(%run_scoped3A : memref<!tpu.dma_semaphore, #tpu.memory_space<semaphore_mem>>)
      %dma_wait3A_86 = arith.constant 0 : i32
      %dma_wait3A_87 = tpu.memref_slice %arg14[%add3A_48, %dma_wait3A_86] : memref<10240x128xf32, #tpu.memory_space<vmem_shared>> -> memref<128x128xf32, #tpu.memory_space<vmem_shared>>
      %dma_wait3A_88 = arith.constant 0 : i32
      %dma_wait3A_89 = tpu.memref_slice %arg14[%add3A_48, %dma_wait3A_88] : memref<10240x128xf32, #tpu.memory_space<vmem_shared>> -> memref<128x128xf32, #tpu.memory_space<vmem_shared>>
      tpu.wait_dma2 semaphore(%run_scoped3A : memref<!tpu.dma_semaphore, #tpu.memory_space<semaphore_mem>>) src(%arg9 : memref<128x128xf32, #tpu.memory_space<vmem>>) dst(%dma_wait3A_89 : memref<128x128xf32, #tpu.memory_space<vmem_shared>>)
      tpu.yield
    }) : () -> ()
    %add3A_49 = arith.constant 128 : i32
    %add3A_50 = arith.addi %mul3A_7, %add3A_49 : i32
    "tpu.region"() ({
      %run_scoped3A = tpu.sem_alloc : memref<!tpu.dma_semaphore, #tpu.memory_space<semaphore_mem>>
      %dma_start3A_82 = arith.constant 0 : i32
      %dma_start3A_83 = tpu.memref_slice %arg14[%add3A_50, %dma_start3A_82] : memref<10240x128xf32, #tpu.memory_space<vmem_shared>> -> memref<128x128xf32, #tpu.memory_space<vmem_shared>>
      %dma_start3A_84 = arith.constant 0 : i32
      %dma_start3A_85 = tpu.memref_slice %arg14[%add3A_50, %dma_start3A_84] : memref<10240x128xf32, #tpu.memory_space<vmem_shared>> -> memref<128x128xf32, #tpu.memory_space<vmem_shared>>
      tpu.enqueue_dma source(%arg9 : memref<128x128xf32, #tpu.memory_space<vmem>>) target(%dma_start3A_85 : memref<128x128xf32, #tpu.memory_space<vmem_shared>>) target_semaphore(%run_scoped3A : memref<!tpu.dma_semaphore, #tpu.memory_space<semaphore_mem>>)
      %dma_wait3A_86 = arith.constant 0 : i32
      %dma_wait3A_87 = tpu.memref_slice %arg14[%add3A_50, %dma_wait3A_86] : memref<10240x128xf32, #tpu.memory_space<vmem_shared>> -> memref<128x128xf32, #tpu.memory_space<vmem_shared>>
      %dma_wait3A_88 = arith.constant 0 : i32
      %dma_wait3A_89 = tpu.memref_slice %arg14[%add3A_50, %dma_wait3A_88] : memref<10240x128xf32, #tpu.memory_space<vmem_shared>> -> memref<128x128xf32, #tpu.memory_space<vmem_shared>>
      tpu.wait_dma2 semaphore(%run_scoped3A : memref<!tpu.dma_semaphore, #tpu.memory_space<semaphore_mem>>) src(%arg9 : memref<128x128xf32, #tpu.memory_space<vmem>>) dst(%dma_wait3A_89 : memref<128x128xf32, #tpu.memory_space<vmem_shared>>)
      tpu.yield
    }) : () -> ()
    %add3A_51 = arith.constant 256 : i32
    %add3A_52 = arith.addi %mul3A_7, %add3A_51 : i32
    "tpu.region"() ({
      %run_scoped3A = tpu.sem_alloc : memref<!tpu.dma_semaphore, #tpu.memory_space<semaphore_mem>>
      %dma_start3A_82 = arith.constant 0 : i32
      %dma_start3A_83 = tpu.memref_slice %arg14[%add3A_52, %dma_start3A_82] : memref<10240x128xf32, #tpu.memory_space<vmem_shared>> -> memref<128x128xf32, #tpu.memory_space<vmem_shared>>
      %dma_start3A_84 = arith.constant 0 : i32
      %dma_start3A_85 = tpu.memref_slice %arg14[%add3A_52, %dma_start3A_84] : memref<10240x128xf32, #tpu.memory_space<vmem_shared>> -> memref<128x128xf32, #tpu.memory_space<vmem_shared>>
      tpu.enqueue_dma source(%arg9 : memref<128x128xf32, #tpu.memory_space<vmem>>) target(%dma_start3A_85 : memref<128x128xf32, #tpu.memory_space<vmem_shared>>) target_semaphore(%run_scoped3A : memref<!tpu.dma_semaphore, #tpu.memory_space<semaphore_mem>>)
      %dma_wait3A_86 = arith.constant 0 : i32
      %dma_wait3A_87 = tpu.memref_slice %arg14[%add3A_52, %dma_wait3A_86] : memref<10240x128xf32, #tpu.memory_space<vmem_shared>> -> memref<128x128xf32, #tpu.memory_space<vmem_shared>>
      %dma_wait3A_88 = arith.constant 0 : i32
      %dma_wait3A_89 = tpu.memref_slice %arg14[%add3A_52, %dma_wait3A_88] : memref<10240x128xf32, #tpu.memory_space<vmem_shared>> -> memref<128x128xf32, #tpu.memory_space<vmem_shared>>
      tpu.wait_dma2 semaphore(%run_scoped3A : memref<!tpu.dma_semaphore, #tpu.memory_space<semaphore_mem>>) src(%arg9 : memref<128x128xf32, #tpu.memory_space<vmem>>) dst(%dma_wait3A_89 : memref<128x128xf32, #tpu.memory_space<vmem_shared>>)
      tpu.yield
    }) : () -> ()
    %add3A_53 = arith.constant 384 : i32
    %add3A_54 = arith.addi %mul3A_7, %add3A_53 : i32
    "tpu.region"() ({
      %run_scoped3A = tpu.sem_alloc : memref<!tpu.dma_semaphore, #tpu.memory_space<semaphore_mem>>
      %dma_start3A_82 = arith.constant 0 : i32
      %dma_start3A_83 = tpu.memref_slice %arg14[%add3A_54, %dma_start3A_82] : memref<10240x128xf32, #tpu.memory_space<vmem_shared>> -> memref<128x128xf32, #tpu.memory_space<vmem_shared>>
      %dma_start3A_84 = arith.constant 0 : i32
      %dma_start3A_85 = tpu.memref_slice %arg14[%add3A_54, %dma_start3A_84] : memref<10240x128xf32, #tpu.memory_space<vmem_shared>> -> memref<128x128xf32, #tpu.memory_space<vmem_shared>>
      tpu.enqueue_dma source(%arg9 : memref<128x128xf32, #tpu.memory_space<vmem>>) target(%dma_start3A_85 : memref<128x128xf32, #tpu.memory_space<vmem_shared>>) target_semaphore(%run_scoped3A : memref<!tpu.dma_semaphore, #tpu.memory_space<semaphore_mem>>)
      %dma_wait3A_86 = arith.constant 0 : i32
      %dma_wait3A_87 = tpu.memref_slice %arg14[%add3A_54, %dma_wait3A_86] : memref<10240x128xf32, #tpu.memory_space<vmem_shared>> -> memref<128x128xf32, #tpu.memory_space<vmem_shared>>
      %dma_wait3A_88 = arith.constant 0 : i32
      %dma_wait3A_89 = tpu.memref_slice %arg14[%add3A_54, %dma_wait3A_88] : memref<10240x128xf32, #tpu.memory_space<vmem_shared>> -> memref<128x128xf32, #tpu.memory_space<vmem_shared>>
      tpu.wait_dma2 semaphore(%run_scoped3A : memref<!tpu.dma_semaphore, #tpu.memory_space<semaphore_mem>>) src(%arg9 : memref<128x128xf32, #tpu.memory_space<vmem>>) dst(%dma_wait3A_89 : memref<128x128xf32, #tpu.memory_space<vmem_shared>>)
      tpu.yield
    }) : () -> ()
    %add3A_55 = arith.constant 512 : i32
    %add3A_56 = arith.addi %mul3A_7, %add3A_55 : i32
    "tpu.region"() ({
      %run_scoped3A = tpu.sem_alloc : memref<!tpu.dma_semaphore, #tpu.memory_space<semaphore_mem>>
      %dma_start3A_82 = arith.constant 0 : i32
      %dma_start3A_83 = tpu.memref_slice %arg14[%add3A_56, %dma_start3A_82] : memref<10240x128xf32, #tpu.memory_space<vmem_shared>> -> memref<128x128xf32, #tpu.memory_space<vmem_shared>>
      %dma_start3A_84 = arith.constant 0 : i32
      %dma_start3A_85 = tpu.memref_slice %arg14[%add3A_56, %dma_start3A_84] : memref<10240x128xf32, #tpu.memory_space<vmem_shared>> -> memref<128x128xf32, #tpu.memory_space<vmem_shared>>
      tpu.enqueue_dma source(%arg9 : memref<128x128xf32, #tpu.memory_space<vmem>>) target(%dma_start3A_85 : memref<128x128xf32, #tpu.memory_space<vmem_shared>>) target_semaphore(%run_scoped3A : memref<!tpu.dma_semaphore, #tpu.memory_space<semaphore_mem>>)
      %dma_wait3A_86 = arith.constant 0 : i32
      %dma_wait3A_87 = tpu.memref_slice %arg14[%add3A_56, %dma_wait3A_86] : memref<10240x128xf32, #tpu.memory_space<vmem_shared>> -> memref<128x128xf32, #tpu.memory_space<vmem_shared>>
      %dma_wait3A_88 = arith.constant 0 : i32
      %dma_wait3A_89 = tpu.memref_slice %arg14[%add3A_56, %dma_wait3A_88] : memref<10240x128xf32, #tpu.memory_space<vmem_shared>> -> memref<128x128xf32, #tpu.memory_space<vmem_shared>>
      tpu.wait_dma2 semaphore(%run_scoped3A : memref<!tpu.dma_semaphore, #tpu.memory_space<semaphore_mem>>) src(%arg9 : memref<128x128xf32, #tpu.memory_space<vmem>>) dst(%dma_wait3A_89 : memref<128x128xf32, #tpu.memory_space<vmem_shared>>)
      tpu.yield
    }) : () -> ()
    %barrier3A_57 = arith.constant 0 : index
    tpu.barrier barrier_id(%barrier3A_57)
    %mul3A_58 = arith.constant 80000 : i32
    %mul3A_59 = arith.muli %add3A_46, %mul3A_58 : i32
    %mul3A_60 = arith.constant 5000 : i32
    %mul3A_61 = arith.muli %arg1, %mul3A_60 : i32
    %add3A_62 = arith.addi %mul3A_59, %mul3A_61 : i32
    %scan3A_63 = arith.constant 0 : i32
    %scan3A_64 = arith.constant 0 : i32
    %scan3A_65 = arith.constant 39 : i32
    %scan3A_66 = arith.addi %scan3A_64, %scan3A_65 : i32
    %scan3A_67 = arith.constant 1 : i32
    %scan3A_68 = scf.for %scan3A_82 = %scan3A_64 to %scan3A_66 step %scan3A_67 iter_args(%scan3A_83 = %scan3A_63) -> (i32)  : i32 {
      %mul3A_84 = arith.constant 128 : i32
      %mul3A_85 = arith.muli %scan3A_82, %mul3A_84 : i32
      %add3A_86 = arith.addi %add3A_62, %mul3A_85 : i32
      "tpu.region"() ({
        %run_scoped3A = tpu.sem_alloc : memref<!tpu.dma_semaphore, #tpu.memory_space<semaphore_mem>>
        %dma_start3A_94 = tpu.memref_slice %arg3[%add3A_86] : memref<320000xi32, #tpu.memory_space<hbm>> -> memref<128xi32, #tpu.memory_space<hbm>>
        %dma_start3A_95 = tpu.memref_slice %arg3[%add3A_86] : memref<320000xi32, #tpu.memory_space<hbm>> -> memref<128xi32, #tpu.memory_space<hbm>>
        tpu.enqueue_dma source(%dma_start3A_95 : memref<128xi32, #tpu.memory_space<hbm>>) target(%arg6 : memref<128xi32, #tpu.memory_space<vmem>>) target_semaphore(%run_scoped3A : memref<!tpu.dma_semaphore, #tpu.memory_space<semaphore_mem>>)
        %dma_wait3A_96 = tpu.memref_slice %arg3[%add3A_86] : memref<320000xi32, #tpu.memory_space<hbm>> -> memref<128xi32, #tpu.memory_space<hbm>>
        %dma_wait3A_97 = tpu.memref_slice %arg3[%add3A_86] : memref<320000xi32, #tpu.memory_space<hbm>> -> memref<128xi32, #tpu.memory_space<hbm>>
        tpu.wait_dma2 semaphore(%run_scoped3A : memref<!tpu.dma_semaphore, #tpu.memory_space<semaphore_mem>>) src(%dma_wait3A_97 : memref<128xi32, #tpu.memory_space<hbm>>) dst(%arg6 : memref<128xi32, #tpu.memory_space<vmem>>)
        tpu.yield
      }) : () -> ()
      "tpu.region"() ({
        %run_scoped3A = tpu.sem_alloc : memref<!tpu.dma_semaphore, #tpu.memory_space<semaphore_mem>>
        %dma_start3A_94 = tpu.memref_slice %arg4[%add3A_86] : memref<320000xi32, #tpu.memory_space<hbm>> -> memref<128xi32, #tpu.memory_space<hbm>>
        %dma_start3A_95 = tpu.memref_slice %arg4[%add3A_86] : memref<320000xi32, #tpu.memory_space<hbm>> -> memref<128xi32, #tpu.memory_space<hbm>>
        tpu.enqueue_dma source(%dma_start3A_95 : memref<128xi32, #tpu.memory_space<hbm>>) target(%arg7 : memref<128xi32, #tpu.memory_space<vmem>>) target_semaphore(%run_scoped3A : memref<!tpu.dma_semaphore, #tpu.memory_space<semaphore_mem>>)
        %dma_wait3A_96 = tpu.memref_slice %arg4[%add3A_86] : memref<320000xi32, #tpu.memory_space<hbm>> -> memref<128xi32, #tpu.memory_space<hbm>>
        %dma_wait3A_97 = tpu.memref_slice %arg4[%add3A_86] : memref<320000xi32, #tpu.memory_space<hbm>> -> memref<128xi32, #tpu.memory_space<hbm>>
        tpu.wait_dma2 semaphore(%run_scoped3A : memref<!tpu.dma_semaphore, #tpu.memory_space<semaphore_mem>>) src(%dma_wait3A_97 : memref<128xi32, #tpu.memory_space<hbm>>) dst(%arg7 : memref<128xi32, #tpu.memory_space<vmem>>)
        tpu.yield
      }) : () -> ()
      %dma_start3A_87 = arith.constant 0 : i32
      %dma_start3A_88 = arith.constant 0 : i32
      %dma_start3A_89 = tpu.memref_slice %arg2[%dma_start3A_87, %dma_start3A_88] : memref<10000x128xf32, #tpu.memory_space<hbm>> -> memref<10000x128xf32, #tpu.memory_space<hbm>>
      tpu.enqueue_indirect_dma source(%dma_start3A_89 : memref<10000x128xf32, #tpu.memory_space<hbm>>) target(%arg8 : memref<128x128xf32, #tpu.memory_space<vmem>>) offsets(%arg6 : memref<128xi32, #tpu.memory_space<vmem>>) semaphore(%arg13 : memref<!tpu.dma_semaphore, #tpu.memory_space<semaphore_mem>>)
      %dma_wait3A_90 = arith.constant 0 : i32
      %dma_wait3A_91 = arith.constant 0 : i32
      %dma_wait3A_92 = tpu.memref_slice %arg2[%dma_wait3A_90, %dma_wait3A_91] : memref<10000x128xf32, #tpu.memory_space<hbm>> -> memref<10000x128xf32, #tpu.memory_space<hbm>>
      tpu.wait_indirect_dma semaphore(%arg13 : memref<!tpu.dma_semaphore, #tpu.memory_space<semaphore_mem>>) src(%dma_wait3A_92 : memref<10000x128xf32, #tpu.memory_space<hbm>>) dst(%arg8 : memref<128x128xf32, #tpu.memory_space<vmem>>)
      "tpu.region"() ({
        %run_scoped3A = tpu.sem_alloc : memref<!tpu.dma_semaphore, #tpu.memory_space<semaphore_mem>>
        %dma_start3A_94 = arith.constant 0 : i32
        %dma_start3A_95 = arith.constant 0 : i32
        %dma_start3A_96 = tpu.memref_slice %arg14[%dma_start3A_94, %dma_start3A_95] : memref<10240x128xf32, #tpu.memory_space<vmem_shared>> -> memref<10240x128xf32, #tpu.memory_space<vmem_shared>>
        tpu.enqueue_indirect_dma source(%arg8 : memref<128x128xf32, #tpu.memory_space<vmem>>) target(%dma_start3A_96 : memref<10240x128xf32, #tpu.memory_space<vmem_shared>>) offsets(%arg7 : memref<128xi32, #tpu.memory_space<vmem>>) semaphore(%run_scoped3A : memref<!tpu.dma_semaphore, #tpu.memory_space<semaphore_mem>>) {add = true}
        %dma_wait3A_97 = arith.constant 0 : i32
        %dma_wait3A_98 = arith.constant 0 : i32
        %dma_wait3A_99 = tpu.memref_slice %arg14[%dma_wait3A_97, %dma_wait3A_98] : memref<10240x128xf32, #tpu.memory_space<vmem_shared>> -> memref<10240x128xf32, #tpu.memory_space<vmem_shared>>
        tpu.wait_indirect_dma semaphore(%run_scoped3A : memref<!tpu.dma_semaphore, #tpu.memory_space<semaphore_mem>>) src(%arg8 : memref<128x128xf32, #tpu.memory_space<vmem>>) dst(%dma_wait3A_99 : memref<10240x128xf32, #tpu.memory_space<vmem_shared>>)
        tpu.yield
      }) : () -> ()
      %scan3A_93 = arith.constant 0 : i32
      scf.yield %scan3A_93 : i32
    }
    %scan3A_69 = arith.constant 39 : i32
    %add3A_70 = arith.constant 4992 : i32
    %add3A_71 = arith.addi %add3A_62, %add3A_70 : i32
    "tpu.region"() ({
      %run_scoped3A = tpu.sem_alloc : memref<!tpu.dma_semaphore, #tpu.memory_space<semaphore_mem>>
      %dma_start3A_82 = tpu.memref_slice %arg3[%add3A_71] : memref<320000xi32, #tpu.memory_space<hbm>> -> memref<8xi32, #tpu.memory_space<hbm>>
      %dma_start3A_83 = tpu.memref_slice %arg3[%add3A_71] : memref<320000xi32, #tpu.memory_space<hbm>> -> memref<8xi32, #tpu.memory_space<hbm>>
      tpu.enqueue_dma source(%dma_start3A_83 : memref<8xi32, #tpu.memory_space<hbm>>) target(%arg10 : memref<8xi32, #tpu.memory_space<vmem>>) target_semaphore(%run_scoped3A : memref<!tpu.dma_semaphore, #tpu.memory_space<semaphore_mem>>)
      %dma_wait3A_84 = tpu.memref_slice %arg3[%add3A_71] : memref<320000xi32, #tpu.memory_space<hbm>> -> memref<8xi32, #tpu.memory_space<hbm>>
      %dma_wait3A_85 = tpu.memref_slice %arg3[%add3A_71] : memref<320000xi32, #tpu.memory_space<hbm>> -> memref<8xi32, #tpu.memory_space<hbm>>
      tpu.wait_dma2 semaphore(%run_scoped3A : memref<!tpu.dma_semaphore, #tpu.memory_space<semaphore_mem>>) src(%dma_wait3A_85 : memref<8xi32, #tpu.memory_space<hbm>>) dst(%arg10 : memref<8xi32, #tpu.memory_space<vmem>>)
      tpu.yield
    }) : () -> ()
    "tpu.region"() ({
      %run_scoped3A = tpu.sem_alloc : memref<!tpu.dma_semaphore, #tpu.memory_space<semaphore_mem>>
      %dma_start3A_82 = tpu.memref_slice %arg4[%add3A_71] : memref<320000xi32, #tpu.memory_space<hbm>> -> memref<8xi32, #tpu.memory_space<hbm>>
      %dma_start3A_83 = tpu.memref_slice %arg4[%add3A_71] : memref<320000xi32, #tpu.memory_space<hbm>> -> memref<8xi32, #tpu.memory_space<hbm>>
      tpu.enqueue_dma source(%dma_start3A_83 : memref<8xi32, #tpu.memory_space<hbm>>) target(%arg11 : memref<8xi32, #tpu.memory_space<vmem>>) target_semaphore(%run_scoped3A : memref<!tpu.dma_semaphore, #tpu.memory_space<semaphore_mem>>)
      %dma_wait3A_84 = tpu.memref_slice %arg4[%add3A_71] : memref<320000xi32, #tpu.memory_space<hbm>> -> memref<8xi32, #tpu.memory_space<hbm>>
      %dma_wait3A_85 = tpu.memref_slice %arg4[%add3A_71] : memref<320000xi32, #tpu.memory_space<hbm>> -> memref<8xi32, #tpu.memory_space<hbm>>
      tpu.wait_dma2 semaphore(%run_scoped3A : memref<!tpu.dma_semaphore, #tpu.memory_space<semaphore_mem>>) src(%dma_wait3A_85 : memref<8xi32, #tpu.memory_space<hbm>>) dst(%arg11 : memref<8xi32, #tpu.memory_space<vmem>>)
      tpu.yield
    }) : () -> ()
    %dma_start3A_72 = arith.constant 0 : i32
    %dma_start3A_73 = arith.constant 0 : i32
    %dma_start3A_74 = tpu.memref_slice %arg2[%dma_start3A_72, %dma_start3A_73] : memref<10000x128xf32, #tpu.memory_space<hbm>> -> memref<10000x128xf32, #tpu.memory_space<hbm>>
    tpu.enqueue_indirect_dma source(%dma_start3A_74 : memref<10000x128xf32, #tpu.memory_space<hbm>>) target(%arg12 : memref<8x128xf32, #tpu.memory_space<vmem>>) offsets(%arg10 : memref<8xi32, #tpu.memory_space<vmem>>) semaphore(%arg13 : memref<!tpu.dma_semaphore, #tpu.memory_space<semaphore_mem>>)
    %dma_wait3A_75 = arith.constant 0 : i32
    %dma_wait3A_76 = arith.constant 0 : i32
    %dma_wait3A_77 = tpu.memref_slice %arg2[%dma_wait3A_75, %dma_wait3A_76] : memref<10000x128xf32, #tpu.memory_space<hbm>> -> memref<10000x128xf32, #tpu.memory_space<hbm>>
    tpu.wait_indirect_dma semaphore(%arg13 : memref<!tpu.dma_semaphore, #tpu.memory_space<semaphore_mem>>) src(%dma_wait3A_77 : memref<10000x128xf32, #tpu.memory_space<hbm>>) dst(%arg12 : memref<8x128xf32, #tpu.memory_space<vmem>>)
    "tpu.region"() ({
      %run_scoped3A = tpu.sem_alloc : memref<!tpu.dma_semaphore, #tpu.memory_space<semaphore_mem>>
      %dma_start3A_82 = arith.constant 0 : i32
      %dma_start3A_83 = arith.constant 0 : i32
      %dma_start3A_84 = tpu.memref_slice %arg14[%dma_start3A_82, %dma_start3A_83] : memref<10240x128xf32, #tpu.memory_space<vmem_shared>> -> memref<10240x128xf32, #tpu.memory_space<vmem_shared>>
      tpu.enqueue_indirect_dma source(%arg12 : memref<8x128xf32, #tpu.memory_space<vmem>>) target(%dma_start3A_84 : memref<10240x128xf32, #tpu.memory_space<vmem_shared>>) offsets(%arg11 : memref<8xi32, #tpu.memory_space<vmem>>) semaphore(%run_scoped3A : memref<!tpu.dma_semaphore, #tpu.memory_space<semaphore_mem>>) {add = true}
      %dma_wait3A_85 = arith.constant 0 : i32
      %dma_wait3A_86 = arith.constant 0 : i32
      %dma_wait3A_87 = tpu.memref_slice %arg14[%dma_wait3A_85, %dma_wait3A_86] : memref<10240x128xf32, #tpu.memory_space<vmem_shared>> -> memref<10240x128xf32, #tpu.memory_space<vmem_shared>>
      tpu.wait_indirect_dma semaphore(%run_scoped3A : memref<!tpu.dma_semaphore, #tpu.memory_space<semaphore_mem>>) src(%arg12 : memref<8x128xf32, #tpu.memory_space<vmem>>) dst(%dma_wait3A_87 : memref<10240x128xf32, #tpu.memory_space<vmem_shared>>)
      tpu.yield
    }) : () -> ()
    %barrier3A_78 = arith.constant 0 : index
    tpu.barrier barrier_id(%barrier3A_78)
    %mul3A_79 = arith.constant 10240 : i32
    %mul3A_80 = arith.muli %add3A_46, %mul3A_79 : i32
    %add3A_81 = arith.addi %mul3A_80, %mul3A_7 : i32
    "tpu.region"() ({
      %run_scoped3A = tpu.sem_alloc : memref<!tpu.dma_semaphore, #tpu.memory_space<semaphore_mem>>
      %dma_start3A_82 = arith.constant 0 : i32
      %dma_start3A_83 = tpu.memref_slice %arg5[%add3A_81, %dma_start3A_82] : memref<40960x128xf32, #tpu.memory_space<hbm>> -> memref<640x128xf32, #tpu.memory_space<hbm>>
      %dma_start3A_84 = arith.constant 0 : i32
      %dma_start3A_85 = tpu.memref_slice %arg14[%mul3A_7, %dma_start3A_84] : memref<10240x128xf32, #tpu.memory_space<vmem_shared>> -> memref<640x128xf32, #tpu.memory_space<vmem_shared>>
      tpu.enqueue_dma source(%dma_start3A_85 : memref<640x128xf32, #tpu.memory_space<vmem_shared>>) target(%dma_start3A_83 : memref<640x128xf32, #tpu.memory_space<hbm>>) target_semaphore(%run_scoped3A : memref<!tpu.dma_semaphore, #tpu.memory_space<semaphore_mem>>)
      %dma_wait3A_86 = arith.constant 0 : i32
      %dma_wait3A_87 = tpu.memref_slice %arg5[%add3A_81, %dma_wait3A_86] : memref<40960x128xf32, #tpu.memory_space<hbm>> -> memref<640x128xf32, #tpu.memory_space<hbm>>
      %dma_wait3A_88 = arith.constant 0 : i32
      %dma_wait3A_89 = tpu.memref_slice %arg14[%mul3A_7, %dma_wait3A_88] : memref<10240x128xf32, #tpu.memory_space<vmem_shared>> -> memref<640x128xf32, #tpu.memory_space<vmem_shared>>
      tpu.wait_dma2 semaphore(%run_scoped3A : memref<!tpu.dma_semaphore, #tpu.memory_space<semaphore_mem>>) src(%dma_wait3A_89 : memref<640x128xf32, #tpu.memory_space<vmem_shared>>) dst(%dma_wait3A_87 : memref<640x128xf32, #tpu.memory_space<hbm>>)
      tpu.yield
    }) : () -> ()
    return
  }
}

module attributes {stable_mosaic.version = 14 : i64} {
  func.func @tc_mix0(%arg0: i32, %arg1: memref<4x400x128xf32, #tpu.memory_space<vmem>>, %arg2: memref<4x400x128xf32, #tpu.memory_space<vmem>>, %arg3: memref<4x128x128xf32, #tpu.memory_space<vmem>>, %arg4: memref<1x128xf32, #tpu.memory_space<vmem>>, %arg5: memref<400x128xf32, #tpu.memory_space<vmem>>) attributes {dimension_semantics = [#tpu.dimension_semantics<arbitrary>], iteration_bounds = array<i64: 25>, scalar_prefetch = 0 : i64, scratch_operands = 0 : i64, tpu.core_type = #tpu.core_type<tc>, window_params = [{transform_indices = @transform_0, window_bounds = array<i64: 4, 400, 128>}, {transform_indices = @transform_1, window_bounds = array<i64: 4, 400, 128>}, {pipeline_mode = #tpu.pipeline_mode<synchronous>, transform_indices = @transform_2, window_bounds = array<i64: 4, 128, 128>}, {pipeline_mode = #tpu.pipeline_mode<synchronous>, transform_indices = @transform_3, window_bounds = array<i64: 1, 128>}, {transform_indices = @transform_4, window_bounds = array<i64: 400, 128>}]} {
    %get3A = arith.constant 0 : index
    %get3A_0 = arith.constant 0 : index
    %get3A_1 = arith.constant 0 : index
    %get3A_2 = vector.load %arg2[%get3A, %get3A_0, %get3A_1] : memref<4x400x128xf32, #tpu.memory_space<vmem>>, vector<1x400x1xf32>
    %get3A_3 = vector.shape_cast %get3A_2 : vector<1x400x1xf32> to vector<400x1xf32>
    %max3A = arith.constant 1.000000e+00 : f32
    %max3A_4 = vector.broadcast %max3A : f32 to vector<400x1xf32>
    %max3A_5 = arith.maximumf %get3A_3, %max3A_4 : vector<400x1xf32>
    %get3A_6 = arith.constant 0 : index
    %get3A_7 = arith.constant 0 : index
    %get3A_8 = arith.constant 0 : index
    %get3A_9 = vector.load %arg1[%get3A_6, %get3A_7, %get3A_8] : memref<4x400x128xf32, #tpu.memory_space<vmem>>, vector<1x400x128xf32>
    %get3A_10 = vector.shape_cast %get3A_9 : vector<1x400x128xf32> to vector<400x128xf32>
    %div3A = vector.broadcast %max3A_5 : vector<400x1xf32> to vector<400x128xf32>
    %div3A_11 = arith.divf %get3A_10, %div3A : vector<400x128xf32>
    %get3A_12 = arith.constant 0 : index
    %get3A_13 = arith.constant 0 : index
    %get3A_14 = arith.constant 0 : index
    %get3A_15 = vector.load %arg3[%get3A_12, %get3A_13, %get3A_14] : memref<4x128x128xf32, #tpu.memory_space<vmem>>, vector<1x128x128xf32>
    %get3A_16 = vector.shape_cast %get3A_15 : vector<1x128x128xf32> to vector<128x128xf32>
    %dot_general3A = arith.constant dense<0.000000e+00> : vector<400x128xf32>
    %dot_general3A_17 = tpu.matmul %div3A_11, %get3A_16, %dot_general3A {dimension_numbers = #tpu.dot_dimension_numbers<[1], [0], [0], [1], [0, 0, 1, 1], [], []>, transpose_lhs_hint = false} : vector<400x128xf32>, vector<128x128xf32>, vector<400x128xf32> -> vector<400x128xf32>
    %get3A_18 = arith.constant 1 : index
    %get3A_19 = arith.constant 0 : index
    %get3A_20 = arith.constant 0 : index
    %get3A_21 = vector.load %arg2[%get3A_18, %get3A_19, %get3A_20] : memref<4x400x128xf32, #tpu.memory_space<vmem>>, vector<1x400x1xf32>
    %get3A_22 = vector.shape_cast %get3A_21 : vector<1x400x1xf32> to vector<400x1xf32>
    %max3A_23 = arith.constant 1.000000e+00 : f32
    %max3A_24 = vector.broadcast %max3A_23 : f32 to vector<400x1xf32>
    %max3A_25 = arith.maximumf %get3A_22, %max3A_24 : vector<400x1xf32>
    %get3A_26 = arith.constant 1 : index
    %get3A_27 = arith.constant 0 : index
    %get3A_28 = arith.constant 0 : index
    %get3A_29 = vector.load %arg1[%get3A_26, %get3A_27, %get3A_28] : memref<4x400x128xf32, #tpu.memory_space<vmem>>, vector<1x400x128xf32>
    %get3A_30 = vector.shape_cast %get3A_29 : vector<1x400x128xf32> to vector<400x128xf32>
    %div3A_31 = vector.broadcast %max3A_25 : vector<400x1xf32> to vector<400x128xf32>
    %div3A_32 = arith.divf %get3A_30, %div3A_31 : vector<400x128xf32>
    %get3A_33 = arith.constant 1 : index
    %get3A_34 = arith.constant 0 : index
    %get3A_35 = arith.constant 0 : index
    %get3A_36 = vector.load %arg3[%get3A_33, %get3A_34, %get3A_35] : memref<4x128x128xf32, #tpu.memory_space<vmem>>, vector<1x128x128xf32>
    %get3A_37 = vector.shape_cast %get3A_36 : vector<1x128x128xf32> to vector<128x128xf32>
    %dot_general3A_38 = arith.constant dense<0.000000e+00> : vector<400x128xf32>
    %dot_general3A_39 = tpu.matmul %div3A_32, %get3A_37, %dot_general3A_38 {dimension_numbers = #tpu.dot_dimension_numbers<[1], [0], [0], [1], [0, 0, 1, 1], [], []>, transpose_lhs_hint = false} : vector<400x128xf32>, vector<128x128xf32>, vector<400x128xf32> -> vector<400x128xf32>
    %add3A = arith.addf %dot_general3A_17, %dot_general3A_39 : vector<400x128xf32>
    %get3A_40 = arith.constant 2 : index
    %get3A_41 = arith.constant 0 : index
    %get3A_42 = arith.constant 0 : index
    %get3A_43 = vector.load %arg2[%get3A_40, %get3A_41, %get3A_42] : memref<4x400x128xf32, #tpu.memory_space<vmem>>, vector<1x400x1xf32>
    %get3A_44 = vector.shape_cast %get3A_43 : vector<1x400x1xf32> to vector<400x1xf32>
    %max3A_45 = arith.constant 1.000000e+00 : f32
    %max3A_46 = vector.broadcast %max3A_45 : f32 to vector<400x1xf32>
    %max3A_47 = arith.maximumf %get3A_44, %max3A_46 : vector<400x1xf32>
    %get3A_48 = arith.constant 2 : index
    %get3A_49 = arith.constant 0 : index
    %get3A_50 = arith.constant 0 : index
    %get3A_51 = vector.load %arg1[%get3A_48, %get3A_49, %get3A_50] : memref<4x400x128xf32, #tpu.memory_space<vmem>>, vector<1x400x128xf32>
    %get3A_52 = vector.shape_cast %get3A_51 : vector<1x400x128xf32> to vector<400x128xf32>
    %div3A_53 = vector.broadcast %max3A_47 : vector<400x1xf32> to vector<400x128xf32>
    %div3A_54 = arith.divf %get3A_52, %div3A_53 : vector<400x128xf32>
    %get3A_55 = arith.constant 2 : index
    %get3A_56 = arith.constant 0 : index
    %get3A_57 = arith.constant 0 : index
    %get3A_58 = vector.load %arg3[%get3A_55, %get3A_56, %get3A_57] : memref<4x128x128xf32, #tpu.memory_space<vmem>>, vector<1x128x128xf32>
    %get3A_59 = vector.shape_cast %get3A_58 : vector<1x128x128xf32> to vector<128x128xf32>
    %dot_general3A_60 = arith.constant dense<0.000000e+00> : vector<400x128xf32>
    %dot_general3A_61 = tpu.matmul %div3A_54, %get3A_59, %dot_general3A_60 {dimension_numbers = #tpu.dot_dimension_numbers<[1], [0], [0], [1], [0, 0, 1, 1], [], []>, transpose_lhs_hint = false} : vector<400x128xf32>, vector<128x128xf32>, vector<400x128xf32> -> vector<400x128xf32>
    %add3A_62 = arith.addf %add3A, %dot_general3A_61 : vector<400x128xf32>
    %get3A_63 = arith.constant 3 : index
    %get3A_64 = arith.constant 0 : index
    %get3A_65 = arith.constant 0 : index
    %get3A_66 = vector.load %arg2[%get3A_63, %get3A_64, %get3A_65] : memref<4x400x128xf32, #tpu.memory_space<vmem>>, vector<1x400x1xf32>
    %get3A_67 = vector.shape_cast %get3A_66 : vector<1x400x1xf32> to vector<400x1xf32>
    %max3A_68 = arith.constant 1.000000e+00 : f32
    %max3A_69 = vector.broadcast %max3A_68 : f32 to vector<400x1xf32>
    %max3A_70 = arith.maximumf %get3A_67, %max3A_69 : vector<400x1xf32>
    %get3A_71 = arith.constant 3 : index
    %get3A_72 = arith.constant 0 : index
    %get3A_73 = arith.constant 0 : index
    %get3A_74 = vector.load %arg1[%get3A_71, %get3A_72, %get3A_73] : memref<4x400x128xf32, #tpu.memory_space<vmem>>, vector<1x400x128xf32>
    %get3A_75 = vector.shape_cast %get3A_74 : vector<1x400x128xf32> to vector<400x128xf32>
    %div3A_76 = vector.broadcast %max3A_70 : vector<400x1xf32> to vector<400x128xf32>
    %div3A_77 = arith.divf %get3A_75, %div3A_76 : vector<400x128xf32>
    %get3A_78 = arith.constant 3 : index
    %get3A_79 = arith.constant 0 : index
    %get3A_80 = arith.constant 0 : index
    %get3A_81 = vector.load %arg3[%get3A_78, %get3A_79, %get3A_80] : memref<4x128x128xf32, #tpu.memory_space<vmem>>, vector<1x128x128xf32>
    %get3A_82 = vector.shape_cast %get3A_81 : vector<1x128x128xf32> to vector<128x128xf32>
    %dot_general3A_83 = arith.constant dense<0.000000e+00> : vector<400x128xf32>
    %dot_general3A_84 = tpu.matmul %div3A_77, %get3A_82, %dot_general3A_83 {dimension_numbers = #tpu.dot_dimension_numbers<[1], [0], [0], [1], [0, 0, 1, 1], [], []>, transpose_lhs_hint = false} : vector<400x128xf32>, vector<128x128xf32>, vector<400x128xf32> -> vector<400x128xf32>
    %add3A_85 = arith.addf %add3A_62, %dot_general3A_84 : vector<400x128xf32>
    %max3A_86 = arith.constant 0.000000e+00 : f32
    %max3A_87 = vector.broadcast %max3A_86 : f32 to vector<400x128xf32>
    %max3A_88 = arith.maximumf %add3A_85, %max3A_87 : vector<400x128xf32>
    %swap3A = arith.constant 0 : index
    %swap3A_89 = arith.constant 0 : index
    %swap3A_90 = vector.load %arg5[%swap3A, %swap3A_89] : memref<400x128xf32, #tpu.memory_space<vmem>>, vector<400x128xf32>
    tpu.vector_store %arg5[%swap3A, %swap3A_89], %max3A_88 {strides = array<i32>} : memref<400x128xf32, #tpu.memory_space<vmem>>, vector<400x128xf32>,
    return
  }
  func.func @transform_0(%arg0: i32) -> (i32, i32, i32) {
    %c0_i32 = arith.constant 0 : i32
    %c0_i32_0 = arith.constant 0 : i32
    %c0_i32_1 = arith.constant 0 : i32
    return %c0_i32, %arg0, %c0_i32_0 : i32, i32, i32
  }
  func.func @transform_1(%arg0: i32) -> (i32, i32, i32) {
    %c0_i32 = arith.constant 0 : i32
    %c0_i32_0 = arith.constant 0 : i32
    %c0_i32_1 = arith.constant 0 : i32
    return %c0_i32, %arg0, %c0_i32_0 : i32, i32, i32
  }
  func.func @transform_2(%arg0: i32) -> (i32, i32, i32) {
    %c0_i32 = arith.constant 0 : i32
    %c0_i32_0 = arith.constant 0 : i32
    %c0_i32_1 = arith.constant 0 : i32
    %c0_i32_2 = arith.constant 0 : i32
    return %c0_i32, %c0_i32_0, %c0_i32_1 : i32, i32, i32
  }
  func.func @transform_3(%arg0: i32) -> (i32, i32) {
    %c0_i32 = arith.constant 0 : i32
    %c0_i32_0 = arith.constant 0 : i32
    %c0_i32_1 = arith.constant 0 : i32
    return %c0_i32, %c0_i32_0 : i32, i32
  }
  func.func @transform_4(%arg0: i32) -> (i32, i32) {
    %c0_i32 = arith.constant 0 : i32
    %c0_i32_0 = arith.constant 0 : i32
    return %arg0, %c0_i32 : i32, i32
  }
}

module attributes {stable_mosaic.version = 14 : i64} {
  func.func @tc_mix1(%arg0: i32, %arg1: memref<4x400x128xf32, #tpu.memory_space<vmem>>, %arg2: memref<4x400x128xf32, #tpu.memory_space<vmem>>, %arg3: memref<4x128x128xf32, #tpu.memory_space<vmem>>, %arg4: memref<1x128xf32, #tpu.memory_space<vmem>>, %arg5: memref<400x128xf32, #tpu.memory_space<vmem>>) attributes {dimension_semantics = [#tpu.dimension_semantics<arbitrary>], iteration_bounds = array<i64: 25>, scalar_prefetch = 0 : i64, scratch_operands = 0 : i64, tpu.core_type = #tpu.core_type<tc>, window_params = [{transform_indices = @transform_0, window_bounds = array<i64: 4, 400, 128>}, {transform_indices = @transform_1, window_bounds = array<i64: 4, 400, 128>}, {pipeline_mode = #tpu.pipeline_mode<synchronous>, transform_indices = @transform_2, window_bounds = array<i64: 4, 128, 128>}, {pipeline_mode = #tpu.pipeline_mode<synchronous>, transform_indices = @transform_3, window_bounds = array<i64: 1, 128>}, {transform_indices = @transform_4, window_bounds = array<i64: 400, 128>}]} {
    %get3A = arith.constant 0 : index
    %get3A_0 = arith.constant 0 : index
    %get3A_1 = arith.constant 0 : index
    %get3A_2 = vector.load %arg2[%get3A, %get3A_0, %get3A_1] : memref<4x400x128xf32, #tpu.memory_space<vmem>>, vector<1x400x1xf32>
    %get3A_3 = vector.shape_cast %get3A_2 : vector<1x400x1xf32> to vector<400x1xf32>
    %max3A = arith.constant 1.000000e+00 : f32
    %max3A_4 = vector.broadcast %max3A : f32 to vector<400x1xf32>
    %max3A_5 = arith.maximumf %get3A_3, %max3A_4 : vector<400x1xf32>
    %get3A_6 = arith.constant 0 : index
    %get3A_7 = arith.constant 0 : index
    %get3A_8 = arith.constant 0 : index
    %get3A_9 = vector.load %arg1[%get3A_6, %get3A_7, %get3A_8] : memref<4x400x128xf32, #tpu.memory_space<vmem>>, vector<1x400x128xf32>
    %get3A_10 = vector.shape_cast %get3A_9 : vector<1x400x128xf32> to vector<400x128xf32>
    %div3A = vector.broadcast %max3A_5 : vector<400x1xf32> to vector<400x128xf32>
    %div3A_11 = arith.divf %get3A_10, %div3A : vector<400x128xf32>
    %get3A_12 = arith.constant 0 : index
    %get3A_13 = arith.constant 0 : index
    %get3A_14 = arith.constant 0 : index
    %get3A_15 = vector.load %arg3[%get3A_12, %get3A_13, %get3A_14] : memref<4x128x128xf32, #tpu.memory_space<vmem>>, vector<1x128x128xf32>
    %get3A_16 = vector.shape_cast %get3A_15 : vector<1x128x128xf32> to vector<128x128xf32>
    %dot_general3A = arith.constant dense<0.000000e+00> : vector<400x128xf32>
    %dot_general3A_17 = tpu.matmul %div3A_11, %get3A_16, %dot_general3A {dimension_numbers = #tpu.dot_dimension_numbers<[1], [0], [0], [1], [0, 0, 1, 1], [], []>, transpose_lhs_hint = false} : vector<400x128xf32>, vector<128x128xf32>, vector<400x128xf32> -> vector<400x128xf32>
    %get3A_18 = arith.constant 1 : index
    %get3A_19 = arith.constant 0 : index
    %get3A_20 = arith.constant 0 : index
    %get3A_21 = vector.load %arg2[%get3A_18, %get3A_19, %get3A_20] : memref<4x400x128xf32, #tpu.memory_space<vmem>>, vector<1x400x1xf32>
    %get3A_22 = vector.shape_cast %get3A_21 : vector<1x400x1xf32> to vector<400x1xf32>
    %max3A_23 = arith.constant 1.000000e+00 : f32
    %max3A_24 = vector.broadcast %max3A_23 : f32 to vector<400x1xf32>
    %max3A_25 = arith.maximumf %get3A_22, %max3A_24 : vector<400x1xf32>
    %get3A_26 = arith.constant 1 : index
    %get3A_27 = arith.constant 0 : index
    %get3A_28 = arith.constant 0 : index
    %get3A_29 = vector.load %arg1[%get3A_26, %get3A_27, %get3A_28] : memref<4x400x128xf32, #tpu.memory_space<vmem>>, vector<1x400x128xf32>
    %get3A_30 = vector.shape_cast %get3A_29 : vector<1x400x128xf32> to vector<400x128xf32>
    %div3A_31 = vector.broadcast %max3A_25 : vector<400x1xf32> to vector<400x128xf32>
    %div3A_32 = arith.divf %get3A_30, %div3A_31 : vector<400x128xf32>
    %get3A_33 = arith.constant 1 : index
    %get3A_34 = arith.constant 0 : index
    %get3A_35 = arith.constant 0 : index
    %get3A_36 = vector.load %arg3[%get3A_33, %get3A_34, %get3A_35] : memref<4x128x128xf32, #tpu.memory_space<vmem>>, vector<1x128x128xf32>
    %get3A_37 = vector.shape_cast %get3A_36 : vector<1x128x128xf32> to vector<128x128xf32>
    %dot_general3A_38 = arith.constant dense<0.000000e+00> : vector<400x128xf32>
    %dot_general3A_39 = tpu.matmul %div3A_32, %get3A_37, %dot_general3A_38 {dimension_numbers = #tpu.dot_dimension_numbers<[1], [0], [0], [1], [0, 0, 1, 1], [], []>, transpose_lhs_hint = false} : vector<400x128xf32>, vector<128x128xf32>, vector<400x128xf32> -> vector<400x128xf32>
    %add3A = arith.addf %dot_general3A_17, %dot_general3A_39 : vector<400x128xf32>
    %get3A_40 = arith.constant 2 : index
    %get3A_41 = arith.constant 0 : index
    %get3A_42 = arith.constant 0 : index
    %get3A_43 = vector.load %arg2[%get3A_40, %get3A_41, %get3A_42] : memref<4x400x128xf32, #tpu.memory_space<vmem>>, vector<1x400x1xf32>
    %get3A_44 = vector.shape_cast %get3A_43 : vector<1x400x1xf32> to vector<400x1xf32>
    %max3A_45 = arith.constant 1.000000e+00 : f32
    %max3A_46 = vector.broadcast %max3A_45 : f32 to vector<400x1xf32>
    %max3A_47 = arith.maximumf %get3A_44, %max3A_46 : vector<400x1xf32>
    %get3A_48 = arith.constant 2 : index
    %get3A_49 = arith.constant 0 : index
    %get3A_50 = arith.constant 0 : index
    %get3A_51 = vector.load %arg1[%get3A_48, %get3A_49, %get3A_50] : memref<4x400x128xf32, #tpu.memory_space<vmem>>, vector<1x400x128xf32>
    %get3A_52 = vector.shape_cast %get3A_51 : vector<1x400x128xf32> to vector<400x128xf32>
    %div3A_53 = vector.broadcast %max3A_47 : vector<400x1xf32> to vector<400x128xf32>
    %div3A_54 = arith.divf %get3A_52, %div3A_53 : vector<400x128xf32>
    %get3A_55 = arith.constant 2 : index
    %get3A_56 = arith.constant 0 : index
    %get3A_57 = arith.constant 0 : index
    %get3A_58 = vector.load %arg3[%get3A_55, %get3A_56, %get3A_57] : memref<4x128x128xf32, #tpu.memory_space<vmem>>, vector<1x128x128xf32>
    %get3A_59 = vector.shape_cast %get3A_58 : vector<1x128x128xf32> to vector<128x128xf32>
    %dot_general3A_60 = arith.constant dense<0.000000e+00> : vector<400x128xf32>
    %dot_general3A_61 = tpu.matmul %div3A_54, %get3A_59, %dot_general3A_60 {dimension_numbers = #tpu.dot_dimension_numbers<[1], [0], [0], [1], [0, 0, 1, 1], [], []>, transpose_lhs_hint = false} : vector<400x128xf32>, vector<128x128xf32>, vector<400x128xf32> -> vector<400x128xf32>
    %add3A_62 = arith.addf %add3A, %dot_general3A_61 : vector<400x128xf32>
    %get3A_63 = arith.constant 3 : index
    %get3A_64 = arith.constant 0 : index
    %get3A_65 = arith.constant 0 : index
    %get3A_66 = vector.load %arg2[%get3A_63, %get3A_64, %get3A_65] : memref<4x400x128xf32, #tpu.memory_space<vmem>>, vector<1x400x1xf32>
    %get3A_67 = vector.shape_cast %get3A_66 : vector<1x400x1xf32> to vector<400x1xf32>
    %max3A_68 = arith.constant 1.000000e+00 : f32
    %max3A_69 = vector.broadcast %max3A_68 : f32 to vector<400x1xf32>
    %max3A_70 = arith.maximumf %get3A_67, %max3A_69 : vector<400x1xf32>
    %get3A_71 = arith.constant 3 : index
    %get3A_72 = arith.constant 0 : index
    %get3A_73 = arith.constant 0 : index
    %get3A_74 = vector.load %arg1[%get3A_71, %get3A_72, %get3A_73] : memref<4x400x128xf32, #tpu.memory_space<vmem>>, vector<1x400x128xf32>
    %get3A_75 = vector.shape_cast %get3A_74 : vector<1x400x128xf32> to vector<400x128xf32>
    %div3A_76 = vector.broadcast %max3A_70 : vector<400x1xf32> to vector<400x128xf32>
    %div3A_77 = arith.divf %get3A_75, %div3A_76 : vector<400x128xf32>
    %get3A_78 = arith.constant 3 : index
    %get3A_79 = arith.constant 0 : index
    %get3A_80 = arith.constant 0 : index
    %get3A_81 = vector.load %arg3[%get3A_78, %get3A_79, %get3A_80] : memref<4x128x128xf32, #tpu.memory_space<vmem>>, vector<1x128x128xf32>
    %get3A_82 = vector.shape_cast %get3A_81 : vector<1x128x128xf32> to vector<128x128xf32>
    %dot_general3A_83 = arith.constant dense<0.000000e+00> : vector<400x128xf32>
    %dot_general3A_84 = tpu.matmul %div3A_77, %get3A_82, %dot_general3A_83 {dimension_numbers = #tpu.dot_dimension_numbers<[1], [0], [0], [1], [0, 0, 1, 1], [], []>, transpose_lhs_hint = false} : vector<400x128xf32>, vector<128x128xf32>, vector<400x128xf32> -> vector<400x128xf32>
    %add3A_85 = arith.addf %add3A_62, %dot_general3A_84 : vector<400x128xf32>
    %get3A_86 = arith.constant 0 : index
    %get3A_87 = arith.constant 0 : index
    %get3A_88 = vector.load %arg4[%get3A_86, %get3A_87] : memref<1x128xf32, #tpu.memory_space<vmem>>, vector<1x128xf32>
    %add3A_89 = vector.broadcast %get3A_88 : vector<1x128xf32> to vector<400x128xf32>
    %add3A_90 = arith.addf %add3A_85, %add3A_89 : vector<400x128xf32>
    %swap3A = arith.constant 0 : index
    %swap3A_91 = arith.constant 0 : index
    %swap3A_92 = vector.load %arg5[%swap3A, %swap3A_91] : memref<400x128xf32, #tpu.memory_space<vmem>>, vector<400x128xf32>
    tpu.vector_store %arg5[%swap3A, %swap3A_91], %add3A_90 {strides = array<i32>} : memref<400x128xf32, #tpu.memory_space<vmem>>, vector<400x128xf32>,
    return
  }
  func.func @transform_0(%arg0: i32) -> (i32, i32, i32) {
    %c0_i32 = arith.constant 0 : i32
    %c0_i32_0 = arith.constant 0 : i32
    %c0_i32_1 = arith.constant 0 : i32
    return %c0_i32, %arg0, %c0_i32_0 : i32, i32, i32
  }
  func.func @transform_1(%arg0: i32) -> (i32, i32, i32) {
    %c0_i32 = arith.constant 0 : i32
    %c0_i32_0 = arith.constant 0 : i32
    %c0_i32_1 = arith.constant 0 : i32
    return %c0_i32, %arg0, %c0_i32_0 : i32, i32, i32
  }
  func.func @transform_2(%arg0: i32) -> (i32, i32, i32) {
    %c0_i32 = arith.constant 0 : i32
    %c0_i32_0 = arith.constant 0 : i32
    %c0_i32_1 = arith.constant 0 : i32
    %c0_i32_2 = arith.constant 0 : i32
    return %c0_i32, %c0_i32_0, %c0_i32_1 : i32, i32, i32
  }
  func.func @transform_3(%arg0: i32) -> (i32, i32) {
    %c0_i32 = arith.constant 0 : i32
    %c0_i32_0 = arith.constant 0 : i32
    %c0_i32_1 = arith.constant 0 : i32
    return %c0_i32, %c0_i32_0 : i32, i32
  }
  func.func @transform_4(%arg0: i32) -> (i32, i32) {
    %c0_i32 = arith.constant 0 : i32
    %c0_i32_0 = arith.constant 0 : i32
    return %arg0, %c0_i32 : i32, i32
  }
}

</mosaic_0001>

<sc_bundles>
// kernel: sc_rel_agg.4.cloned.1.call-start
scs
__scs_entry_jumppad:
0x0: {  	(pc) =	sbr.rel $0x88, $3  }
0x1: {  	(tag) =	ssettag $0x0;
	lr =	simm.s32 $0x1  }
0x2: {  	[smem:$0x3F9D] =	sst lr;
	_ =	strace $0xD0000000  }
0x3: {  	_ = 	snop  }
0x4: {  	_ = 	snop  }
0x5: {  	_ = 	snop  }
0x6: {  	_ = 	snop  }
0x7: {  	_ = 	snop  }
__scs_overlays_trampoline_lowered:
0x8: {  	[smem:$0x3FAC] =	sst s0  }
0x9: {  	[smem:$0x3FAD] =	sst s1  }
0xa: {  	[smem:$0x3FAE] =	sst s2  }
0xb: {  	[smem:$0x3FAF] =	sst s3  }
0xc: {  	[smem:$0x3FB0] =	sst s4  }
0xd: {  	[smem:$0x3FB1] =	sst s5  }
0xe: {  	[smem:$0x3FB2] =	sst s6  }
0xf: {  	[smem:$0x3FB3] =	sst s7  }
0x10: {  	[smem:$0x3FB4] =	sst s8  }
0x11: {  	[smem:$0x3FB5] =	sst s9;
	s0 =	simm.s32 @!p0 $0x0  }
0x12: {  	s1 =	sld [smem:$0x3F9B];
	s0 =	simm.s32 @p0 $0x1  }
0x13: {  	[smem:$0x3FB6] =	sst s0;
	s0 =	simm.s32 @!p1 $0x0  }
0x14: {  	s2 =	sld [smem:$0x3F9A];
	s0 =	simm.s32 @p1 $0x1  }
0x15: {  	[smem:$0x3FB7] =	sst s0;
	s0 =	simm.s32 @!p2 $0x0  }
0x16: {  	s3 =	sld [smem:$0x3FDB];
	s0 =	simm.s32 @p2 $0x1  }
0x17: {  	s4 =	simm.s32 $0x1BF5;
	[smem:$0x3FB9] =	sst s0  }
0x18: {  	s0 =	sld [smem:$0x3F9C];
	_ =	swait.ge [sflag:s4], $0x0  }
0x19: {  	s7 =	sld [smem:$0x3F9D]  }
0x1a: {  	s8 =	sadd.s32 $0xFFFFE003, lr  }
0x1b: {  	s9 =	sadd.s32 $0xFFFFFEF7, lr;
	s5 =	simm.s32 $0xFFFFFFFF;
	p2 =	slt.u32 s8, $0xFFFFF086  }
0x1c: {  	p1 =	slt.u32 s9, $0xF7A;
	s5 =	simm.s32 @!p2 $0x0  }
0x1d: {  	s5 =	simm.s32 @p1 $0x1;
	p0 =	seq.s32 s7, s2  }
0x1e: {  	s7 =	smul.u32 @!p0 $0xF7A, s2;
	p2 =	seq.s32 @!p0 s5, $0x0  }
0x1f: {  	s9 =	smul.u32 $0xF7A, s1;
	s8 =	simm.s32 @!p0 $0x1BF5;
	p2 =	por !p2, p0  }
0x20: {  	[sflag:s8] =	ssyncset.s32 @!p0 $0xFFFFF086;
	s6 =	sadd.s32 @!p0 s3, s7;
	s7 =	simm.s32 @!p0 $0x108  }
0x21: {  	s3 =	sadd.s32 s3, s9;
	s6 =	sadd.s32 @!p0 $0x88, s6;
	s7 =	simm.s32 @p2 $0x1082  }
0x22: {  	[simem:s7], [sflag:s8] =	dma.local @!p0 [hbm:s6], $0xF7A  }
0x23: {  	s9 =	sor.u32 $0xD0000000, s2;
	s6 =	simm.s32 $0x108;
	_ =	swait.ge @!p0 [sflag:s8], $0x0  }
0x24: {  	s3 =	sadd.s32 $0x88, s3;
	s6 =	simm.s32 @!p1 $0x1082;
	[sflag:s4] =	ssyncset.s32 $0xFFFFF086  }
0x25: {  	[simem:s6], [sflag:s4] =	dma.local [hbm:s3], $0xF7A  }
0x26: {  	[smem:$0x3F9D] =	sst s1;
	(tag) =	ssettag s2;
	_ =	strace s9  }
0x27: {  	s1 =	sld [smem:$0x3FAD]  }
0x28: {  	s2 =	sld [smem:$0x3FAE]  }
0x29: {  	s4 =	sld [smem:$0x3FB0]  }
0x2a: {  	p0 =	seq.s32 s5, $0x0;
	s5 =	sld [smem:$0x3FB1]  }
0x2b: {  	s6 =	sld [smem:$0x3FB2]  }
0x2c: {  	s7 =	sld [smem:$0x3FB3]  }
0x2d: {  	s3 =	simm.s32 $0x108;
	s8 =	sld [smem:$0x3FB4]  }
0x2e: {  	s3 =	simm.s32 @!p0 $0x1082;
	s9 =	sld [smem:$0x3FB5]  }
0x2f: {  	lr =	sadd.s32 s0, s3;
	s0 =	sld [smem:$0x3FAC]  }
0x30: {  	s3 =	sld [smem:$0x3FAF]  }
0x31: {  	[smem:$0x3FB8] =	sst s10  }
0x32: {  	s10 =	sld [smem:$0x3FB6];
	_ =	sdelay $0x3  }
0x33: {  	p0 =	seq.s32 s10, $0x1;
	s10 =	sld [smem:$0x3FB8];
	_ =	sdelay $0x3  }
0x34: {  	[smem:$0x3FB8] =	sst s10  }
0x35: {  	s10 =	sld [smem:$0x3FB7];
	_ =	sdelay $0x3  }
0x36: {  	p1 =	seq.s32 s10, $0x1;
	s10 =	sld [smem:$0x3FB8];
	_ =	sdelay $0x3  }
0x37: {  	[smem:$0x3FB8] =	sst s10  }
0x38: {  	s10 =	sld [smem:$0x3FB9]  }
0x39: {  	_ = 	snop;
	(pc) =	sbr.ind lr, $3  }
0x3a: {  	_ = 	snop  }
0x3b: {  	_ = 	snop  }
0x3c: {  	p2 =	seq.s32 s10, $0x1;
	s10 =	sld [smem:$0x3FB8]  }
0x3d: {  	_ =	shalt  }
0x3e: {  	_ =	shalt  }
0x3f: {  	_ =	shalt  }
0x40: {  	_ =	shalt  }
0x41: {  	_ =	shalt  }
0x42: {  	_ =	shalt  }
0x43: {  	_ =	shalt  }
0x44: {  	_ =	shalt  }
0x45: {  	_ =	shalt  }
0x46: {  	_ =	shalt  }
0x47: {  	_ =	shalt  }
0x48: {  	_ =	shalt  }
0x49: {  	_ =	shalt  }
0x4a: {  	_ =	shalt  }
0x4b: {  	_ =	shalt  }
0x4c: {  	_ =	shalt  }
0x4d: {  	_ =	shalt  }
0x4e: {  	_ =	shalt  }
0x4f: {  	_ =	shalt  }
0x50: {  	_ =	shalt  }
0x51: {  	_ =	shalt  }
0x52: {  	_ =	shalt  }
0x53: {  	_ =	shalt  }
0x54: {  	_ =	shalt  }
0x55: {  	_ =	shalt  }
0x56: {  	_ =	shalt  }
0x57: {  	_ =	shalt  }
0x58: {  	_ =	shalt  }
0x59: {  	_ =	shalt  }
0x5a: {  	_ =	shalt  }
0x5b: {  	_ =	shalt  }
0x5c: {  	_ =	shalt  }
0x5d: {  	_ =	shalt  }
0x5e: {  	_ =	shalt  }
0x5f: {  	_ =	shalt  }
0x60: {  	_ =	shalt  }
0x61: {  	_ =	shalt  }
0x62: {  	_ =	shalt  }
0x63: {  	_ =	shalt  }
0x64: {  	_ =	shalt  }
0x65: {  	_ =	shalt  }
0x66: {  	_ =	shalt  }
0x67: {  	_ =	shalt  }
0x68: {  	_ =	shalt  }
0x69: {  	_ =	shalt  }
0x6a: {  	_ =	shalt  }
0x6b: {  	_ =	shalt  }
0x6c: {  	_ =	shalt  }
0x6d: {  	_ =	shalt  }
0x6e: {  	_ =	shalt  }
0x6f: {  	_ =	shalt  }
0x70: {  	_ =	shalt  }
0x71: {  	_ =	shalt  }
0x72: {  	_ =	shalt  }
0x73: {  	_ =	shalt  }
0x74: {  	_ =	shalt  }
0x75: {  	_ =	shalt  }
0x76: {  	_ =	shalt  }
0x77: {  	_ =	shalt  }
0x78: {  	_ =	shalt  }
0x79: {  	_ =	shalt  }
0x7a: {  	_ =	shalt  }
0x7b: {  	_ =	shalt  }
0x7c: {  	_ =	shalt  }
0x7d: {  	_ =	shalt  }
0x7e: {  	_ =	shalt  }
0x7f: {  	_ =	shalt  }
0x80: {  	_ =	shalt  }
0x81: {  	_ =	shalt  }
0x82: {  	_ =	shalt  }
0x83: {  	_ =	shalt  }
0x84: {  	_ =	shalt  }
0x85: {  	_ =	shalt  }
0x86: {  	_ =	shalt  }
0x87: {  	_ =	shalt  }
.Lfunc_end0:
.L_simem_size_0:
called_computation.1_lowered:
.L_overlay_start_0:
0x88: {  	s2 =	sld [smem:$0x3FD9]  }
0x89: {  	s3 =	sld [smem:$0x3FFE];
	_ =	sdelay $0x1  }
0x8a: {  	s1 =	srdreg.scid  }
0x8b: {  	s0 =	sand.u32 $0x1, s1  }
0x8c: {  	s17 =	sshll.u32 s0, $0xA;
	s2 =	sadd.s32 s3, s2  }
0x8d: {  	s2 =	sadd.s32 s2, s17  }
0x8e: {  	[smem:$0x3FC4] =	sst s2  }
0x8f: {  	_ = 	snop  }
0x90: {  	s2 =	sld [smem:$0x3FC9];
	(tm) =	ssettm $0x1  }
0x91: {  	s18 =	sld [smem:$0x3FFB];
	_ =	sdelay $0x3  }
0x92: {  	_ =	strace s18  }
0x93: {  	s3 =	sld [smem:$0x3FFC];
	_ =	sdelay $0x3  }
0x94: {  	_ =	strace s3  }
0x95: {  	s3 =	sld [smem:$0x3FFD];
	_ =	sdelay $0x3  }
0x96: {  	_ =	strace s3  }
0x97: {  	_ =	strace $0x8FFFFFFF  }
0x98: {  	s19 =	sld [smem:$0x3FDB];
	_ =	sdelay $0x1  }
0x99: {  	s4 =	simm.s32 $_scs_section_size  }
0x9a: {  	s5 =	simm.s32 $_size__tile_overlayer_lowered;
	s6 =	simm.s32 $_tile_overlayer_lowered  }
0x9b: {  	s22 =	simm.s32 $0x1BFF;
	s21 =	sshll.u32 s6, $0x1;
	s3 =	sadd.s32 s4, s19  }
0x9c: {  	s7 =	simm.s32 $0x0;
	s20 =	sshll.u32 s5, $0x1;
	s5 =	sadd.s32 s21, s3  }
0x9d: {  	[timem:s7], [sflag:s22] =	dma.local [hbm:s5], s20  }
0x9e: {  	_ =	swait.ge [sflag:s22], s20  }
0x9f: {  	s4 =	ssub.s32 $0x0, s20;
	[sflag:s22] =	ssyncset.done $0x0  }
0xa0: {  	[sflag:s22] =	ssyncadd.s32 s4;
	_ =	sdelay $0x1  }
0xa1: {  	s23 =	simm.s32 $0x1B8B  }
0xa2: {  	_ =	swait.ge [sflag:s23], $0x1  }
0xa3: {  	[sflag:s23] =	ssyncset.done $0x0  }
0xa4: {  	s25 =	simm.s32 $0x1B8E;
	s24 =	sld [smem:$0x3FFE];
	[sflag:s23] =	ssyncadd.s32 $0xFFFFFFFF  }
0xa5: {  	s26 =	simm.s32 $execute0_lowered;
	[smem:$0x3FD2] =	sst s25  }
0xa6: {  	s5 =	sshll.u32 s26, $0x1;
	_ =	strace $0x80000046;
	[dreg:$0x1] =	wrdreg $0xFFFFFFFF  }
0xa7: {  	s28 =	simm.s32 $_size_execute0_lowered;
	s3 =	sadd.s32 s3, s5;
	[dreg:$0x0] =	wrdreg $0x0  }
0xa8: {  	s5 =	sshll.u32 s28, $0x1;
	[dreg:$0x2] =	wrdreg s3  }
0xa9: {  	[dreg:$0x3] =	wrdreg s5  }
0xaa: {  	[dreg:$0x4] =	wrdreg $0xC0  }
0xab: {  	_ =	task [dreg:s7], $0x5FFFF  }
0xac: {  	[dreg:$0x1] =	wrdreg $0xFFFFFFFF  }
0xad: {  	[dreg:$0x0] =	wrdreg $0x60  }
0xae: {  	[dreg:$0x2] =	wrdreg s2  }
0xaf: {  	[dreg:$0x3] =	wrdreg s24  }
0xb0: {  	[dreg:$0x4] =	wrdreg $0x86000  }
0xb1: {  	[dreg:$0x5] =	wrdreg $0xA  }
0xb2: {  	_ =	task.clear_ibuf [dreg:s7], $0x6FFFF;
	_ =	strace $0x90000046  }
0xb3: {  	s29 =	simm.s32 $0xA;
	_ =	strace $0x80000048  }
0xb4: {  	_ =	swait.ge [sflag:s29], $0x1  }
0xb5: {  	[sflag:s29] =	ssyncadd.s32 $0xFFFFFFFF  }
0xb6: {  	_ =	strace $0x90000048  }
0xb7: {  	_ =	sfence  }
0xb8: {  	s30 =	sld [smem:$0x0];
	_ =	sdelay $0x2  }
0xb9: {  	s31 =	sshll.u32 s1, $0xD;
	s1 =	sshrl.u32 s1, $0x2  }
0xba: {  	s3 =	sand.u32 $0x4000, s31;
	s1 =	sadd.s32 s1, s30  }
0xbb: {  	s0 =	sor.u32 s3, s0;
	s1 =	sshll.u32 s1, $0x11  }
0xbc: {  	s0 =	sor.u32 s1, s0  }
0xbd: {  	s0 =	sadd.s32 $0x8F2B, s0  }
0xbe: {  	[sflag:s0] =	ssyncadd.remote.s32 $0x1  }
0xbf: {  	_ =	sfence.sel $0xFFFF  }
0xc0: {  	[dreg:$0x0] =	wrdreg $0xFFFFFFFF;
	(pc) =	sbr.abs _section_cstart, $3  }
0xc1: {  	[dreg:$0x1] =	wrdreg $0xFFFFFFFF  }
0xc2: {  	_ =	task.clear_ibuf [dreg:s7], $0x2FFFF;
	_ =	strace $0x9FFFFFFF  }
0xc3: {  	(tm) =	ssettm $0x7FFFFFFF  }
tec
execute0_lowered:
.L_overlay_start_1:
0x0: {  	(tag) =	ssettag $0x1  }
0x1: {  	s1 =	rddreg [dreg:$0x0]  }
0x2: {  	s0 =	rddreg [dreg:$0x1]  }
0x3: {  	s2 =	rddreg [dreg:$0x2];
	s4 =	simm.s32 $0x0  }
0x4: {  	s3 =	srdreg.scid;
	s9 =	stileid.u32;
	s28 =	simm.s32 $0x8180  }
0x5: {  	s29 =	simm.s32 $0x8;
	s30 =	simm.s32 $0x8200;
	s5 =	smul.u32 $0x50000, s9  }
0x6: {  	s31 =	simm.s32 $0x0;
	[smem:$0x7FF] =	sst s4;
	s12 =	smul.u32 $0x1388, s9  }
0x7: {  	s10 =	sadd.s32 $0xAA00, s0;
	s3 =	sand.u32 $0x1, s3;
	s13 =	smul.u32 $0x280, s9  }
0x8: {  	s11 =	sadd.s32 $0xC00, s0;
	s0 =	sadd.s32 $0x14800, s0;
	s7 =	smul.u32 $0x27100, s3  }
0x9: {  	s6 =	ssub.s32 $0x2, s3;
	s14 =	smul.u32 $0x5000, s3;
	s3 =	sshllo.u32 s3, $0x1  }
0xa: {  	_ =	strace $0x80000047;
	s8 =	sshrl.u32 s6, $0x1;
	s19 =	smul.u32 $0x13880, s3  }
0xb: {  	s5 =	sshrl.u32 s5, $0x2;
	s3 =	smul.u32 $0x2800, s3;
	s16 =	ssub.s32 s6, s8  }
0xc: {  	s5 =	sadd.s32 s5, s2;
	s17 =	sadd.s32 s12, s7;
	s14 =	sadd.s32 s13, s14  }
0xd: {  	s6 =	sadd.s32 $0x4000, s5;
	s18 =	sshrl.u32 s17, $0x3;
	s7 =	sadd.s32 $0x8000, s5  }
0xe: {  	s8 =	sadd.s32 $0xC000, s5;
	s9 =	sadd.s32 $0x10000, s5;
	s12 =	sadd.s32 s12, s19  }
0xf: {  	s14 =	sshll.u32 s14, $0x4;
	s3 =	sadd.s32 s13, s3;
	s16 =	smax.u32 s16, $0x1  }
0x10: {  	s26 =	sadd.s32 $0x13880, s17;
	s15 =	sadd.s32 $0x270, s18;
	s21 =	sshrl.u32 s12, $0x3  }
0x11: {  	s22 =	sadd.s32 s0, s14;
	s3 =	sshll.u32 s3, $0x4;
	s17 =	sadd.s32 s18, s11  }
0x12: {  	s18 =	sadd.s32 s18, s10;
	s20 =	sadd.s32 s10, s15;
	[dreg:$0x6] =	wrdreg s22  }
0x13: {  	s15 =	sadd.s32 s11, s15;
	s23 =	sadd.s32 $0x270, s21;
	[dreg:$0x4] =	wrdreg s20  }
0x14: {  	s21 =	simm.s32 $0x4100;
	s22 =	simm.s32 $0x2;
	[dreg:$0x5] =	wrdreg s15  }
0x15: {  	s24 =	sadd.s32 s10, s23;
	s25 =	sadd.s32 s11, s23;
	s15 =	sadd.s32 s0, s3  }
0x16: {  	s0 =	sshrl.u32 s26, $0x3;
	s23 =	simm.s32 $0x80;
	[dreg:$0x7] =	wrdreg s24  }
0x17: {  	s26 =	simm.s32 $0x8100;
	[dreg:$0x8] =	wrdreg s25;
	s19 =	sadd.s32 s0, s11  }
0x18: {  	v0 =	vimm.f32 $0.0e+00;
	s20 =	sadd.s32 s0, s10;
	s24 =	simm.s32 $0x100;
	s25 =	simm.s32 $0x1  }
.LBB2_1:
0x19: {  	s0 =	simm.s32 $0x0;
	s3 =	simm.s32 $0x200  }
.LBB2_2:
0x1a: {  	p0 =	sne.s32 s3, $0xFE00;
	[tilespmem:s0+$0x4170] =	vst v0  }
0x1b: {  	[tilespmem:s0+$0x4100] =	vst v0  }
0x1c: {  	[tilespmem:s0+$0x4110] =	vst v0  }
.Ltmp0:
0x1d: {  	[tilespmem:s0+$0x4120] =	vst v0;
	(pc) =	sbr.rel @p0 .LBB2_2-.Ltmp0, $4  }
0x1e: {  	[tilespmem:s0+$0x4130] =	vst v0  }
0x1f: {  	[tilespmem:s0+$0x4140] =	vst v0  }
0x20: {  	[tilespmem:s0+$0x4150] =	vst v0  }
0x21: {  	[tilespmem:s0+$0x4160] =	vst v0;
	s0 =	sshra.s32 s3, $0x2;
	s3 =	sadd.s32 $0x200, s3  }
0x22: {  	[tilespmem:s0+$0x4170] =	vst v0  }
0x23: {  	[tilespmem:s0+$0x4100] =	vst v0  }
0x24: {  	[tilespmem:s0+$0x4110] =	vst v0  }
0x25: {  	[tilespmem:s0+$0x4120] =	vst v0  }
0x26: {  	[tilespmem:s0+$0x4130] =	vst v0  }
0x27: {  	[tilespmem:s0+$0x4140] =	vst v0  }
0x28: {  	[tilespmem:s0+$0x4150] =	vst v0  }
0x29: {  	[tilespmem:s0+$0x4160] =	vst v0  }
0x2a: {  	[spmem:s5] =	stream.linear.scatter [tilespmem:s21], [sflag:$0x2], $0x4000, $0x38;
	[tilespmem:$0x1C600] =	vst v63  }
0x2b: {  	_ =	swait.ge [sflag:s22], $0x4000  }
0x2c: {  	[sflag:s22] =	ssyncset.done $0x0  }
0x2d: {  	[sflag:s22] =	ssyncadd.s32 $0xFFFFC000  }
0x2e: {  	[spmem:s6] =	stream.linear.scatter [tilespmem:s21], [sflag:$0x2], $0x4000, $0x38;
	[tilespmem:$0x1C600] =	vst v63  }
0x2f: {  	_ =	swait.ge [sflag:s22], $0x4000  }
0x30: {  	[sflag:s22] =	ssyncset.done $0x0  }
0x31: {  	[sflag:s22] =	ssyncadd.s32 $0xFFFFC000  }
0x32: {  	[spmem:s7] =	stream.linear.scatter [tilespmem:s21], [sflag:$0x2], $0x4000, $0x38;
	[tilespmem:$0x1C600] =	vst v63  }
0x33: {  	_ =	swait.ge [sflag:s22], $0x4000  }
0x34: {  	[sflag:s22] =	ssyncset.done $0x0  }
0x35: {  	[sflag:s22] =	ssyncadd.s32 $0xFFFFC000  }
0x36: {  	[spmem:s8] =	stream.linear.scatter [tilespmem:s21], [sflag:$0x2], $0x4000, $0x38;
	[tilespmem:$0x1C600] =	vst v63  }
0x37: {  	_ =	swait.ge [sflag:s22], $0x4000  }
0x38: {  	[sflag:s22] =	ssyncset.done $0x0  }
0x39: {  	[sflag:s22] =	ssyncadd.s32 $0xFFFFC000  }
0x3a: {  	[spmem:s9] =	stream.linear.scatter [tilespmem:s21], [sflag:$0x2], $0x4000, $0x38;
	[tilespmem:$0x1C600] =	vst v63  }
0x3b: {  	_ =	swait.ge [sflag:s22], $0x4000  }
0x3c: {  	[sflag:s22] =	ssyncset.done $0x0  }
0x3d: {  	[sflag:s22] =	ssyncadd.s32 $0xFFFFC000  }
0x3e: {  	s13 =	sadd.s32 $0x0, s18;
	[bflag:$0x0] =	sbarrier.arrive $0xFFFF  }
0x3f: {  	[tilespmem:s4], [sflag:$0x2] =	stream.linear.gather [hbm4b:s13+s4], $0x80, $0x38;
	[tilespmem:$0x1C600] =	vst v63  }
0x40: {  	_ =	swait.ge [sflag:s22], $0x80  }
0x41: {  	[sflag:s22] =	ssyncset.done $0x0  }
0x42: {  	s14 =	sadd.s32 $0x0, s17;
	[sflag:s22] =	ssyncadd.s32 $0xFFFFFF80  }
0x43: {  	[tilespmem:s23], [sflag:$0x2] =	stream.linear.gather [hbm4b:s14+s4], $0x80, $0x38;
	[tilespmem:$0x1C600] =	vst v63  }
0x44: {  	_ =	swait.ge [sflag:s22], $0x80  }
0x45: {  	[sflag:s22] =	ssyncset.done $0x0  }
0x46: {  	[sflag:s22] =	ssyncadd.s32 $0xFFFFFF80  }
0x47: {  	[tilespmem:s24], [sflag:$0x1] =	stream.indirect.gather [hbm4b:s1+s23], $0x80, s4, s23, $0xb8;
	[tilespmem:$0x1C600] =	vst v63  }
0x48: {  	_ =	swait.ge [sflag:s25], $0x4000  }
0x49: {  	[sflag:s25] =	ssyncset.done $0x0  }
0x4a: {  	[sflag:s25] =	ssyncadd.s32 $0xFFFFC000  }
0x4b: {  	[spmem:s2] =	stream.indirect.scatter.add.f32 [tilespmem:s24], [sflag:$0x2], $0x80, s23, s23, $0xb8;
	[tilespmem:$0x1C600] =	vst v63  }
0x4c: {  	_ =	swait.ge [sflag:s22], $0x4000  }
0x4d: {  	s0 =	simm.s32 $0x10;
	s3 =	simm.s32 $0x20;
	[sflag:s22] =	ssyncset.done $0x0  }
.LBB2_4:
0x4e: {  	s10 =	sadd.s32 s0, s18  }
0x4f: {  	[sflag:s22] =	ssyncadd.s32 $0xFFFFC000;
	s11 =	smov.u32 s3;
	s12 =	sadd.s32 $0x10, s3  }
0x50: {  	[tilespmem:s4], [sflag:$0x2] =	stream.linear.gather [hbm4b:s10+s4], $0x80, $0x38;
	[tilespmem:$0x1C600] =	vst v63  }
0x51: {  	p0 =	sne.s32 s3, $0x260;
	_ =	swait.ge [sflag:s22], $0x80  }
0x52: {  	[sflag:s22] =	ssyncset.done $0x0  }
0x53: {  	s3 =	sadd.s32 s0, s17;
	s0 =	smov.u32 s11;
	[sflag:s22] =	ssyncadd.s32 $0xFFFFFF80  }
0x54: {  	[tilespmem:s23], [sflag:$0x2] =	stream.linear.gather [hbm4b:s3+s4], $0x80, $0x38;
	[tilespmem:$0x1C600] =	vst v63  }
0x55: {  	_ =	swait.ge [sflag:s22], $0x80  }
0x56: {  	[sflag:s22] =	ssyncset.done $0x0  }
0x57: {  	[sflag:s22] =	ssyncadd.s32 $0xFFFFFF80  }
0x58: {  	[tilespmem:s24], [sflag:$0x1] =	stream.indirect.gather [hbm4b:s1+s23], $0x80, s4, s23, $0xb8;
	[tilespmem:$0x1C600] =	vst v63  }
0x59: {  	_ =	swait.ge [sflag:s25], $0x4000  }
.Ltmp1:
0x5a: {  	[sflag:s25] =	ssyncset.done $0x0;
	(pc) =	sbr.rel @p0 .LBB2_4-.Ltmp1, $4  }
0x5b: {  	[sflag:s25] =	ssyncadd.s32 $0xFFFFC000  }
0x5c: {  	[spmem:s2] =	stream.indirect.scatter.add.f32 [tilespmem:s24], [sflag:$0x2], $0x80, s23, s23, $0xb8;
	[tilespmem:$0x1C600] =	vst v63  }
0x5d: {  	_ =	swait.ge [sflag:s22], $0x4000  }
0x5e: {  	s3 =	smov.u32 s12;
	[sflag:s22] =	ssyncset.done $0x0  }
0x5f: {  	s3 =	sadd.s32 s0, s18;
	[sflag:s22] =	ssyncadd.s32 $0xFFFFC000  }
0x60: {  	[tilespmem:s4], [sflag:$0x2] =	stream.linear.gather [hbm4b:s3+s4], $0x80, $0x38;
	[tilespmem:$0x1C600] =	vst v63  }
0x61: {  	_ =	swait.ge [sflag:s22], $0x80  }
0x62: {  	[sflag:s22] =	ssyncset.done $0x0  }
0x63: {  	s13 =	sadd.s32 s0, s17;
	[sflag:s22] =	ssyncadd.s32 $0xFFFFFF80  }
0x64: {  	[tilespmem:s23], [sflag:$0x2] =	stream.linear.gather [hbm4b:s13+s4], $0x80, $0x38;
	[tilespmem:$0x1C600] =	vst v63  }
0x65: {  	_ =	swait.ge [sflag:s22], $0x80  }
0x66: {  	[sflag:s22] =	ssyncset.done $0x0  }
0x67: {  	[sflag:s22] =	ssyncadd.s32 $0xFFFFFF80  }
0x68: {  	[tilespmem:s24], [sflag:$0x1] =	stream.indirect.gather [hbm4b:s1+s23], $0x80, s4, s23, $0xb8;
	[tilespmem:$0x1C600] =	vst v63  }
0x69: {  	_ =	swait.ge [sflag:s25], $0x4000  }
0x6a: {  	[sflag:s25] =	ssyncset.done $0x0  }
0x6b: {  	[sflag:s25] =	ssyncadd.s32 $0xFFFFC000  }
0x6c: {  	[spmem:s2] =	stream.indirect.scatter.add.f32 [tilespmem:s24], [sflag:$0x2], $0x80, s23, s23, $0xb8;
	[tilespmem:$0x1C600] =	vst v63  }
0x6d: {  	_ =	swait.ge [sflag:s22], $0x4000  }
0x6e: {  	[sflag:s22] =	ssyncset.done $0x0  }
0x6f: {  	s14 =	simm.s32 $0x0;
	s10 =	rddreg [dreg:$0x4];
	[sflag:s22] =	ssyncadd.s32 $0xFFFFC000  }
0x70: {  	[tilespmem:s26], [sflag:$0x2] =	stream.linear.gather [hbm4b:s10+s14], $0x8, $0x38;
	[tilespmem:$0x1C600] =	vst v63  }
0x71: {  	_ =	swait.ge [sflag:s22], $0x8  }
0x72: {  	[sflag:s22] =	ssyncset.done $0x0  }
0x73: {  	s11 =	rddreg [dreg:$0x5];
	[sflag:s22] =	ssyncadd.s32 $0xFFFFFFF8  }
0x74: {  	[tilespmem:s28], [sflag:$0x2] =	stream.linear.gather [hbm4b:s11+s14], $0x8, $0x38;
	[tilespmem:$0x1C600] =	vst v63  }
0x75: {  	_ =	swait.ge [sflag:s22], $0x8  }
0x76: {  	[sflag:s22] =	ssyncset.done $0x0  }
0x77: {  	[sflag:s22] =	ssyncadd.s32 $0xFFFFFFF8  }
0x78: {  	[tilespmem:s30], [sflag:$0x1] =	stream.indirect.gather [hbm4b:s1+s29], $0x80, s26, s29, $0xb8;
	[tilespmem:$0x1C600] =	vst v63  }
0x79: {  	_ =	swait.ge [sflag:s25], $0x400  }
0x7a: {  	[sflag:s25] =	ssyncset.done $0x0  }
0x7b: {  	[sflag:s25] =	ssyncadd.s32 $0xFFFFFC00  }
0x7c: {  	[spmem:s2] =	stream.indirect.scatter.add.f32 [tilespmem:s30], [sflag:$0x2], $0x80, s28, s29, $0xb8;
	[tilespmem:$0x1C600] =	vst v63  }
0x7d: {  	_ =	swait.ge [sflag:s22], $0x400  }
0x7e: {  	[sflag:s22] =	ssyncset.done $0x0  }
0x7f: {  	s12 =	stileid.u32;
	[sflag:s22] =	ssyncadd.s32 $0xFFFFFC00  }
0x80: {  	s0 =	sshll.u32 s12, $0x6;
	[bflag:$0x0] =	sbarrier.arrive $0xFFFF  }
0x81: {  	s3 =	sshrl.u32 s5, $0x3;
	s0 =	sor.u32 $0x1C02, s0;
	s10 =	rddreg [dreg:$0x6]  }
0x82: {  	[hbm:s10], [sflag:s0] =	dma.local [spmem:s3], $0x2800  }
0x83: {  	_ =	swait.ge [sflag:s22], $0x2800  }
0x84: {  	[sflag:s22] =	ssyncset.done $0x0  }
0x85: {  	[sflag:s22] =	ssyncadd.s32 $0xFFFFD800  }
0x86: {  	[spmem:s5] =	stream.linear.scatter [tilespmem:s21], [sflag:$0x2], $0x4000, $0x38;
	[tilespmem:$0x1C600] =	vst v63  }
0x87: {  	_ =	swait.ge [sflag:s22], $0x4000  }
0x88: {  	[sflag:s22] =	ssyncset.done $0x0  }
0x89: {  	[sflag:s22] =	ssyncadd.s32 $0xFFFFC000  }
0x8a: {  	[spmem:s6] =	stream.linear.scatter [tilespmem:s21], [sflag:$0x2], $0x4000, $0x38;
	[tilespmem:$0x1C600] =	vst v63  }
0x8b: {  	_ =	swait.ge [sflag:s22], $0x4000  }
0x8c: {  	[sflag:s22] =	ssyncset.done $0x0  }
0x8d: {  	[sflag:s22] =	ssyncadd.s32 $0xFFFFC000  }
0x8e: {  	[spmem:s7] =	stream.linear.scatter [tilespmem:s21], [sflag:$0x2], $0x4000, $0x38;
	[tilespmem:$0x1C600] =	vst v63  }
0x8f: {  	_ =	swait.ge [sflag:s22], $0x4000  }
0x90: {  	[sflag:s22] =	ssyncset.done $0x0  }
0x91: {  	[sflag:s22] =	ssyncadd.s32 $0xFFFFC000  }
0x92: {  	[spmem:s8] =	stream.linear.scatter [tilespmem:s21], [sflag:$0x2], $0x4000, $0x38;
	[tilespmem:$0x1C600] =	vst v63  }
0x93: {  	_ =	swait.ge [sflag:s22], $0x4000  }
0x94: {  	[sflag:s22] =	ssyncset.done $0x0  }
0x95: {  	[sflag:s22] =	ssyncadd.s32 $0xFFFFC000  }
0x96: {  	[spmem:s9] =	stream.linear.scatter [tilespmem:s21], [sflag:$0x2], $0x4000, $0x38;
	[tilespmem:$0x1C600] =	vst v63  }
0x97: {  	_ =	swait.ge [sflag:s22], $0x4000  }
0x98: {  	[sflag:s22] =	ssyncset.done $0x0  }
0x99: {  	[sflag:s22] =	ssyncadd.s32 $0xFFFFC000  }
0x9a: {  	s13 =	sadd.s32 $0x0, s20;
	[bflag:$0x0] =	sbarrier.arrive $0xFFFF  }
0x9b: {  	[tilespmem:s4], [sflag:$0x2] =	stream.linear.gather [hbm4b:s13+s4], $0x80, $0x38;
	[tilespmem:$0x1C600] =	vst v63  }
0x9c: {  	_ =	swait.ge [sflag:s22], $0x80  }
0x9d: {  	[sflag:s22] =	ssyncset.done $0x0  }
0x9e: {  	s14 =	sadd.s32 $0x0, s19;
	[sflag:s22] =	ssyncadd.s32 $0xFFFFFF80  }
0x9f: {  	[tilespmem:s23], [sflag:$0x2] =	stream.linear.gather [hbm4b:s14+s4], $0x80, $0x38;
	[tilespmem:$0x1C600] =	vst v63  }
0xa0: {  	_ =	swait.ge [sflag:s22], $0x80  }
0xa1: {  	[sflag:s22] =	ssyncset.done $0x0  }
0xa2: {  	[sflag:s22] =	ssyncadd.s32 $0xFFFFFF80  }
0xa3: {  	[tilespmem:s24], [sflag:$0x1] =	stream.indirect.gather [hbm4b:s1+s23], $0x80, s4, s23, $0xb8;
	[tilespmem:$0x1C600] =	vst v63  }
0xa4: {  	_ =	swait.ge [sflag:s25], $0x4000  }
0xa5: {  	[sflag:s25] =	ssyncset.done $0x0  }
0xa6: {  	[sflag:s25] =	ssyncadd.s32 $0xFFFFC000  }
0xa7: {  	[spmem:s2] =	stream.indirect.scatter.add.f32 [tilespmem:s24], [sflag:$0x2], $0x80, s23, s23, $0xb8;
	[tilespmem:$0x1C600] =	vst v63  }
0xa8: {  	_ =	swait.ge [sflag:s22], $0x4000  }
0xa9: {  	s11 =	simm.s32 $0x20;
	s10 =	simm.s32 $0x10;
	[sflag:s22] =	ssyncset.done $0x0  }
.LBB2_6:
0xaa: {  	s12 =	sadd.s32 s10, s20  }
0xab: {  	[sflag:s22] =	ssyncadd.s32 $0xFFFFC000;
	s13 =	smov.u32 s11;
	s14 =	sadd.s32 $0x10, s11  }
0xac: {  	[tilespmem:s4], [sflag:$0x2] =	stream.linear.gather [hbm4b:s12+s4], $0x80, $0x38;
	[tilespmem:$0x1C600] =	vst v63  }
0xad: {  	p0 =	sne.s32 s11, $0x260;
	_ =	swait.ge [sflag:s22], $0x80  }
0xae: {  	[sflag:s22] =	ssyncset.done $0x0  }
0xaf: {  	s11 =	sadd.s32 s10, s19;
	s10 =	smov.u32 s13;
	[sflag:s22] =	ssyncadd.s32 $0xFFFFFF80  }
0xb0: {  	[tilespmem:s23], [sflag:$0x2] =	stream.linear.gather [hbm4b:s11+s4], $0x80, $0x38;
	[tilespmem:$0x1C600] =	vst v63  }
0xb1: {  	_ =	swait.ge [sflag:s22], $0x80  }
0xb2: {  	[sflag:s22] =	ssyncset.done $0x0  }
0xb3: {  	[sflag:s22] =	ssyncadd.s32 $0xFFFFFF80  }
0xb4: {  	[tilespmem:s24], [sflag:$0x1] =	stream.indirect.gather [hbm4b:s1+s23], $0x80, s4, s23, $0xb8;
	[tilespmem:$0x1C600] =	vst v63  }
0xb5: {  	_ =	swait.ge [sflag:s25], $0x4000  }
.Ltmp2:
0xb6: {  	[sflag:s25] =	ssyncset.done $0x0;
	(pc) =	sbr.rel @p0 .LBB2_6-.Ltmp2, $4  }
0xb7: {  	[sflag:s25] =	ssyncadd.s32 $0xFFFFC000  }
0xb8: {  	[spmem:s2] =	stream.indirect.scatter.add.f32 [tilespmem:s24], [sflag:$0x2], $0x80, s23, s23, $0xb8;
	[tilespmem:$0x1C600] =	vst v63  }
0xb9: {  	_ =	swait.ge [sflag:s22], $0x4000  }
0xba: {  	s11 =	smov.u32 s14;
	[sflag:s22] =	ssyncset.done $0x0  }
0xbb: {  	s11 =	sadd.s32 s10, s20;
	[sflag:s22] =	ssyncadd.s32 $0xFFFFC000  }
0xbc: {  	[tilespmem:s4], [sflag:$0x2] =	stream.linear.gather [hbm4b:s11+s4], $0x80, $0x38;
	[tilespmem:$0x1C600] =	vst v63  }
0xbd: {  	_ =	swait.ge [sflag:s22], $0x80  }
0xbe: {  	[sflag:s22] =	ssyncset.done $0x0  }
0xbf: {  	s12 =	sadd.s32 s10, s19;
	[sflag:s22] =	ssyncadd.s32 $0xFFFFFF80  }
0xc0: {  	[tilespmem:s23], [sflag:$0x2] =	stream.linear.gather [hbm4b:s12+s4], $0x80, $0x38;
	[tilespmem:$0x1C600] =	vst v63  }
0xc1: {  	_ =	swait.ge [sflag:s22], $0x80  }
0xc2: {  	[sflag:s22] =	ssyncset.done $0x0  }
0xc3: {  	[sflag:s22] =	ssyncadd.s32 $0xFFFFFF80  }
0xc4: {  	[tilespmem:s24], [sflag:$0x1] =	stream.indirect.gather [hbm4b:s1+s23], $0x80, s4, s23, $0xb8;
	[tilespmem:$0x1C600] =	vst v63  }
0xc5: {  	_ =	swait.ge [sflag:s25], $0x4000  }
0xc6: {  	[sflag:s25] =	ssyncset.done $0x0  }
0xc7: {  	[sflag:s25] =	ssyncadd.s32 $0xFFFFC000  }
0xc8: {  	[spmem:s2] =	stream.indirect.scatter.add.f32 [tilespmem:s24], [sflag:$0x2], $0x80, s23, s23, $0xb8;
	[tilespmem:$0x1C600] =	vst v63  }
0xc9: {  	_ =	swait.ge [sflag:s22], $0x4000  }
0xca: {  	[sflag:s22] =	ssyncset.done $0x0  }
0xcb: {  	s13 =	rddreg [dreg:$0x7];
	[sflag:s22] =	ssyncadd.s32 $0xFFFFC000  }
0xcc: {  	[tilespmem:s26], [sflag:$0x2] =	stream.linear.gather [hbm4b:s13+s4], $0x8, $0x38;
	[tilespmem:$0x1C600] =	vst v63  }
0xcd: {  	_ =	swait.ge [sflag:s22], $0x8  }
0xce: {  	[sflag:s22] =	ssyncset.done $0x0  }
0xcf: {  	s14 =	rddreg [dreg:$0x8];
	[sflag:s22] =	ssyncadd.s32 $0xFFFFFFF8  }
0xd0: {  	[tilespmem:s28], [sflag:$0x2] =	stream.linear.gather [hbm4b:s14+s4], $0x8, $0x38;
	[tilespmem:$0x1C600] =	vst v63  }
0xd1: {  	_ =	swait.ge [sflag:s22], $0x8  }
0xd2: {  	[sflag:s22] =	ssyncset.done $0x0  }
0xd3: {  	[sflag:s22] =	ssyncadd.s32 $0xFFFFFFF8  }
0xd4: {  	[tilespmem:s30], [sflag:$0x1] =	stream.indirect.gather [hbm4b:s1+s29], $0x80, s26, s29, $0xb8;
	[tilespmem:$0x1C600] =	vst v63  }
0xd5: {  	_ =	swait.ge [sflag:s25], $0x400  }
0xd6: {  	[sflag:s25] =	ssyncset.done $0x0  }
0xd7: {  	[sflag:s25] =	ssyncadd.s32 $0xFFFFFC00  }
0xd8: {  	[spmem:s2] =	stream.indirect.scatter.add.f32 [tilespmem:s30], [sflag:$0x2], $0x80, s28, s29, $0xb8;
	[tilespmem:$0x1C600] =	vst v63  }
0xd9: {  	_ =	swait.ge [sflag:s22], $0x400  }
0xda: {  	s31 =	sadd.s32 $0x1, s31;
	[sflag:s22] =	ssyncset.done $0x0  }
0xdb: {  	p0 =	sne.s32 s31, s16;
	[sflag:s22] =	ssyncadd.s32 $0xFFFFFC00  }
.Ltmp3:
0xdc: {  	[bflag:$0x0] =	sbarrier.arrive $0xFFFF;
	(pc) =	sbr.rel @p0 .LBB2_1-.Ltmp3, $4  }
0xdd: {  	[hbm:s15], [sflag:s0] =	dma.local [spmem:s3], $0x2800  }
0xde: {  	_ =	swait.ge [sflag:s22], $0x2800  }
0xdf: {  	[sflag:s22] =	ssyncset.done $0x0  }
0xe0: {  	[sflag:s22] =	ssyncadd.s32 $0xFFFFD800  }
0xe1: {  	_ =	sfence.sel $0x180000  }
0xe2: {  	[bflag:$0x0] =	sbarrier.arrive $0xFFFF  }
0xe3: {  	_ =	strace $0x90000047  }
0xe4: {  	s0 =	stileid.u32;
	[bflag:$0x2] =	sbarrier.arrive $0xFFFF  }
0xe5: {  	p0 =	sne.s32 s0, $0x0;
	s0 =	rddreg [dreg:$0x3]  }
0xe6: {  	s0 =	sadd.s32 @!p0 $0x100000, s0  }
0xe7: {  	[sflag:s0] =	ssyncadd.tile.s32 @!p0 $0x1;
	_ =	shalt  }
.Lfunc_end2:
_tile_overlayer_lowered:
.L_overlay_start_2:
0xe8: {  	(tag) =	ssettag $0x2  }
0xe9: {  	s0 =	rddreg [dreg:$0x0];
	s2 =	stileid.u32  }
0xea: {  	s1 =	rddreg [dreg:$0x1];
	p0 =	sne.s32 s2, $0x0  }
0xeb: {  	s3 =	rddreg [dreg:$0x2];
	[bflag:$0x3] =	sbarrier.arrive $0xFFFF;
	s2 =	simm.s32 @!p0 $0x1C02  }
0xec: {  	[timem:s3], [sflag:s2] =	dma.local @!p0 [hbm:s0], s1  }
0xed: {  	s0 =	simm.s32 @!p0 $0x2  }
0xee: {  	_ =	swait.ge @!p0 [sflag:s0], s1  }
0xef: {  	s1 =	ssub.s32 @!p0 $0x0, s1;
	[sflag:s0] =	ssyncset.done @!p0 $0x0  }
0xf0: {  	[sflag:s0] =	ssyncadd.s32 @!p0 s1  }
0xf1: {  	[bflag:$0x3] =	sbarrier.arrive $0xFFFF  }
0xf2: {  	_ =	shalt  }

// kernel: sc_rel_agg.7.cloned.1.call-start
scs
__scs_entry_jumppad:
0x0: {  	(pc) =	sbr.rel $0x88, $3  }
0x1: {  	(tag) =	ssettag $0x0;
	lr =	simm.s32 $0x1  }
0x2: {  	[smem:$0x3F9D] =	sst lr;
	_ =	strace $0xD0000000  }
0x3: {  	_ = 	snop  }
0x4: {  	_ = 	snop  }
0x5: {  	_ = 	snop  }
0x6: {  	_ = 	snop  }
0x7: {  	_ = 	snop  }
__scs_overlays_trampoline_lowered:
0x8: {  	[smem:$0x3FAC] =	sst s0  }
0x9: {  	[smem:$0x3FAD] =	sst s1  }
0xa: {  	[smem:$0x3FAE] =	sst s2  }
0xb: {  	[smem:$0x3FAF] =	sst s3  }
0xc: {  	[smem:$0x3FB0] =	sst s4  }
0xd: {  	[smem:$0x3FB1] =	sst s5  }
0xe: {  	[smem:$0x3FB2] =	sst s6  }
0xf: {  	[smem:$0x3FB3] =	sst s7  }
0x10: {  	[smem:$0x3FB4] =	sst s8  }
0x11: {  	[smem:$0x3FB5] =	sst s9;
	s0 =	simm.s32 @!p0 $0x0  }
0x12: {  	s1 =	sld [smem:$0x3F9B];
	s0 =	simm.s32 @p0 $0x1  }
0x13: {  	[smem:$0x3FB6] =	sst s0;
	s0 =	simm.s32 @!p1 $0x0  }
0x14: {  	s2 =	sld [smem:$0x3F9A];
	s0 =	simm.s32 @p1 $0x1  }
0x15: {  	[smem:$0x3FB7] =	sst s0;
	s0 =	simm.s32 @!p2 $0x0  }
0x16: {  	s3 =	sld [smem:$0x3FDB];
	s0 =	simm.s32 @p2 $0x1  }
0x17: {  	s4 =	simm.s32 $0x1BF5;
	[smem:$0x3FB9] =	sst s0  }
0x18: {  	s0 =	sld [smem:$0x3F9C];
	_ =	swait.ge [sflag:s4], $0x0  }
0x19: {  	s7 =	sld [smem:$0x3F9D]  }
0x1a: {  	s8 =	sadd.s32 $0xFFFFE003, lr  }
0x1b: {  	s9 =	sadd.s32 $0xFFFFFEF7, lr;
	s5 =	simm.s32 $0xFFFFFFFF;
	p2 =	slt.u32 s8, $0xFFFFF086  }
0x1c: {  	p1 =	slt.u32 s9, $0xF7A;
	s5 =	simm.s32 @!p2 $0x0  }
0x1d: {  	s5 =	simm.s32 @p1 $0x1;
	p0 =	seq.s32 s7, s2  }
0x1e: {  	s7 =	smul.u32 @!p0 $0xF7A, s2;
	p2 =	seq.s32 @!p0 s5, $0x0  }
0x1f: {  	s9 =	smul.u32 $0xF7A, s1;
	s8 =	simm.s32 @!p0 $0x1BF5;
	p2 =	por !p2, p0  }
0x20: {  	[sflag:s8] =	ssyncset.s32 @!p0 $0xFFFFF086;
	s6 =	sadd.s32 @!p0 s3, s7;
	s7 =	simm.s32 @!p0 $0x108  }
0x21: {  	s3 =	sadd.s32 s3, s9;
	s6 =	sadd.s32 @!p0 $0x88, s6;
	s7 =	simm.s32 @p2 $0x1082  }
0x22: {  	[simem:s7], [sflag:s8] =	dma.local @!p0 [hbm:s6], $0xF7A  }
0x23: {  	s9 =	sor.u32 $0xD0000000, s2;
	s6 =	simm.s32 $0x108;
	_ =	swait.ge @!p0 [sflag:s8], $0x0  }
0x24: {  	s3 =	sadd.s32 $0x88, s3;
	s6 =	simm.s32 @!p1 $0x1082;
	[sflag:s4] =	ssyncset.s32 $0xFFFFF086  }
0x25: {  	[simem:s6], [sflag:s4] =	dma.local [hbm:s3], $0xF7A  }
0x26: {  	[smem:$0x3F9D] =	sst s1;
	(tag) =	ssettag s2;
	_ =	strace s9  }
0x27: {  	s1 =	sld [smem:$0x3FAD]  }
0x28: {  	s2 =	sld [smem:$0x3FAE]  }
0x29: {  	s4 =	sld [smem:$0x3FB0]  }
0x2a: {  	p0 =	seq.s32 s5, $0x0;
	s5 =	sld [smem:$0x3FB1]  }
0x2b: {  	s6 =	sld [smem:$0x3FB2]  }
0x2c: {  	s7 =	sld [smem:$0x3FB3]  }
0x2d: {  	s3 =	simm.s32 $0x108;
	s8 =	sld [smem:$0x3FB4]  }
0x2e: {  	s3 =	simm.s32 @!p0 $0x1082;
	s9 =	sld [smem:$0x3FB5]  }
0x2f: {  	lr =	sadd.s32 s0, s3;
	s0 =	sld [smem:$0x3FAC]  }
0x30: {  	s3 =	sld [smem:$0x3FAF]  }
0x31: {  	[smem:$0x3FB8] =	sst s10  }
0x32: {  	s10 =	sld [smem:$0x3FB6];
	_ =	sdelay $0x3  }
0x33: {  	p0 =	seq.s32 s10, $0x1;
	s10 =	sld [smem:$0x3FB8];
	_ =	sdelay $0x3  }
0x34: {  	[smem:$0x3FB8] =	sst s10  }
0x35: {  	s10 =	sld [smem:$0x3FB7];
	_ =	sdelay $0x3  }
0x36: {  	p1 =	seq.s32 s10, $0x1;
	s10 =	sld [smem:$0x3FB8];
	_ =	sdelay $0x3  }
0x37: {  	[smem:$0x3FB8] =	sst s10  }
0x38: {  	s10 =	sld [smem:$0x3FB9]  }
0x39: {  	_ = 	snop;
	(pc) =	sbr.ind lr, $3  }
0x3a: {  	_ = 	snop  }
0x3b: {  	_ = 	snop  }
0x3c: {  	p2 =	seq.s32 s10, $0x1;
	s10 =	sld [smem:$0x3FB8]  }
0x3d: {  	_ =	shalt  }
0x3e: {  	_ =	shalt  }
0x3f: {  	_ =	shalt  }
0x40: {  	_ =	shalt  }
0x41: {  	_ =	shalt  }
0x42: {  	_ =	shalt  }
0x43: {  	_ =	shalt  }
0x44: {  	_ =	shalt  }
0x45: {  	_ =	shalt  }
0x46: {  	_ =	shalt  }
0x47: {  	_ =	shalt  }
0x48: {  	_ =	shalt  }
0x49: {  	_ =	shalt  }
0x4a: {  	_ =	shalt  }
0x4b: {  	_ =	shalt  }
0x4c: {  	_ =	shalt  }
0x4d: {  	_ =	shalt  }
0x4e: {  	_ =	shalt  }
0x4f: {  	_ =	shalt  }
0x50: {  	_ =	shalt  }
0x51: {  	_ =	shalt  }
0x52: {  	_ =	shalt  }
0x53: {  	_ =	shalt  }
0x54: {  	_ =	shalt  }
0x55: {  	_ =	shalt  }
0x56: {  	_ =	shalt  }
0x57: {  	_ =	shalt  }
0x58: {  	_ =	shalt  }
0x59: {  	_ =	shalt  }
0x5a: {  	_ =	shalt  }
0x5b: {  	_ =	shalt  }
0x5c: {  	_ =	shalt  }
0x5d: {  	_ =	shalt  }
0x5e: {  	_ =	shalt  }
0x5f: {  	_ =	shalt  }
0x60: {  	_ =	shalt  }
0x61: {  	_ =	shalt  }
0x62: {  	_ =	shalt  }
0x63: {  	_ =	shalt  }
0x64: {  	_ =	shalt  }
0x65: {  	_ =	shalt  }
0x66: {  	_ =	shalt  }
0x67: {  	_ =	shalt  }
0x68: {  	_ =	shalt  }
0x69: {  	_ =	shalt  }
0x6a: {  	_ =	shalt  }
0x6b: {  	_ =	shalt  }
0x6c: {  	_ =	shalt  }
0x6d: {  	_ =	shalt  }
0x6e: {  	_ =	shalt  }
0x6f: {  	_ =	shalt  }
0x70: {  	_ =	shalt  }
0x71: {  	_ =	shalt  }
0x72: {  	_ =	shalt  }
0x73: {  	_ =	shalt  }
0x74: {  	_ =	shalt  }
0x75: {  	_ =	shalt  }
0x76: {  	_ =	shalt  }
0x77: {  	_ =	shalt  }
0x78: {  	_ =	shalt  }
0x79: {  	_ =	shalt  }
0x7a: {  	_ =	shalt  }
0x7b: {  	_ =	shalt  }
0x7c: {  	_ =	shalt  }
0x7d: {  	_ =	shalt  }
0x7e: {  	_ =	shalt  }
0x7f: {  	_ =	shalt  }
0x80: {  	_ =	shalt  }
0x81: {  	_ =	shalt  }
0x82: {  	_ =	shalt  }
0x83: {  	_ =	shalt  }
0x84: {  	_ =	shalt  }
0x85: {  	_ =	shalt  }
0x86: {  	_ =	shalt  }
0x87: {  	_ =	shalt  }
.Lfunc_end0:
.L_simem_size_0:
called_computation.2_lowered:
.L_overlay_start_0:
0x88: {  	s2 =	sld [smem:$0x3FD9]  }
0x89: {  	s3 =	sld [smem:$0x3FFE];
	_ =	sdelay $0x1  }
0x8a: {  	s1 =	srdreg.scid  }
0x8b: {  	s0 =	sand.u32 $0x1, s1  }
0x8c: {  	s17 =	sshll.u32 s0, $0xA;
	s2 =	sadd.s32 s3, s2  }
0x8d: {  	s2 =	sadd.s32 s2, s17  }
0x8e: {  	[smem:$0x3FC4] =	sst s2  }
0x8f: {  	_ = 	snop  }
0x90: {  	s2 =	sld [smem:$0x3FD0];
	(tm) =	ssettm $0x1  }
0x91: {  	s18 =	sld [smem:$0x3FFB];
	_ =	sdelay $0x3  }
0x92: {  	_ =	strace s18  }
0x93: {  	s3 =	sld [smem:$0x3FFC];
	_ =	sdelay $0x3  }
0x94: {  	_ =	strace s3  }
0x95: {  	s3 =	sld [smem:$0x3FFD];
	_ =	sdelay $0x3  }
0x96: {  	_ =	strace s3  }
0x97: {  	_ =	strace $0x8FFFFFFF  }
0x98: {  	s19 =	sld [smem:$0x3FDB];
	_ =	sdelay $0x1  }
0x99: {  	s4 =	simm.s32 $_scs_section_size  }
0x9a: {  	s5 =	simm.s32 $_size__tile_overlayer_lowered;
	s6 =	simm.s32 $_tile_overlayer_lowered  }
0x9b: {  	s22 =	simm.s32 $0x1BFF;
	s21 =	sshll.u32 s6, $0x1;
	s3 =	sadd.s32 s4, s19  }
0x9c: {  	s7 =	simm.s32 $0x0;
	s20 =	sshll.u32 s5, $0x1;
	s5 =	sadd.s32 s21, s3  }
0x9d: {  	[timem:s7], [sflag:s22] =	dma.local [hbm:s5], s20  }
0x9e: {  	_ =	swait.ge [sflag:s22], s20  }
0x9f: {  	s4 =	ssub.s32 $0x0, s20;
	[sflag:s22] =	ssyncset.done $0x0  }
0xa0: {  	[sflag:s22] =	ssyncadd.s32 s4;
	_ =	sdelay $0x1  }
0xa1: {  	s23 =	simm.s32 $0x1B8B  }
0xa2: {  	_ =	swait.ge [sflag:s23], $0x1  }
0xa3: {  	[sflag:s23] =	ssyncset.done $0x0  }
0xa4: {  	s25 =	simm.s32 $0x1B8E;
	s24 =	sld [smem:$0x3FFE];
	[sflag:s23] =	ssyncadd.s32 $0xFFFFFFFF  }
0xa5: {  	s26 =	simm.s32 $execute0_lowered;
	[smem:$0x3FD2] =	sst s25  }
0xa6: {  	s5 =	sshll.u32 s26, $0x1;
	_ =	strace $0x8000004C;
	[dreg:$0x1] =	wrdreg $0xFFFFFFFF  }
0xa7: {  	s28 =	simm.s32 $_size_execute0_lowered;
	s3 =	sadd.s32 s3, s5;
	[dreg:$0x0] =	wrdreg $0x0  }
0xa8: {  	s5 =	sshll.u32 s28, $0x1;
	[dreg:$0x2] =	wrdreg s3  }
0xa9: {  	[dreg:$0x3] =	wrdreg s5  }
0xaa: {  	[dreg:$0x4] =	wrdreg $0xC0  }
0xab: {  	_ =	task [dreg:s7], $0x5FFFF  }
0xac: {  	[dreg:$0x1] =	wrdreg $0xFFFFFFFF  }
0xad: {  	[dreg:$0x0] =	wrdreg $0x60  }
0xae: {  	[dreg:$0x2] =	wrdreg s2  }
0xaf: {  	[dreg:$0x3] =	wrdreg s24  }
0xb0: {  	[dreg:$0x4] =	wrdreg $0x86000  }
0xb1: {  	[dreg:$0x5] =	wrdreg $0x9  }
0xb2: {  	_ =	task.clear_ibuf [dreg:s7], $0x6FFFF;
	_ =	strace $0x9000004C  }
0xb3: {  	s29 =	simm.s32 $0x9;
	_ =	strace $0x8000004E  }
0xb4: {  	_ =	swait.ge [sflag:s29], $0x1  }
0xb5: {  	[sflag:s29] =	ssyncadd.s32 $0xFFFFFFFF  }
0xb6: {  	_ =	strace $0x9000004E  }
0xb7: {  	_ =	sfence  }
0xb8: {  	s30 =	sld [smem:$0x0];
	_ =	sdelay $0x2  }
0xb9: {  	s31 =	sshll.u32 s1, $0xD;
	s1 =	sshrl.u32 s1, $0x2  }
0xba: {  	s3 =	sand.u32 $0x4000, s31;
	s1 =	sadd.s32 s1, s30  }
0xbb: {  	s0 =	sor.u32 s3, s0;
	s1 =	sshll.u32 s1, $0x11  }
0xbc: {  	s0 =	sor.u32 s1, s0  }
0xbd: {  	s0 =	sadd.s32 $0x8F2B, s0  }
0xbe: {  	[sflag:s0] =	ssyncadd.remote.s32 $0x1  }
0xbf: {  	_ =	sfence.sel $0xFFFF  }
0xc0: {  	[dreg:$0x0] =	wrdreg $0xFFFFFFFF;
	(pc) =	sbr.abs _section_cstart, $3  }
0xc1: {  	[dreg:$0x1] =	wrdreg $0xFFFFFFFF  }
0xc2: {  	_ =	task.clear_ibuf [dreg:s7], $0x2FFFF;
	_ =	strace $0x9FFFFFFF  }
0xc3: {  	(tm) =	ssettm $0x7FFFFFFF  }
tec
execute0_lowered:
.L_overlay_start_1:
0x0: {  	(tag) =	ssettag $0x1  }
0x1: {  	s1 =	rddreg [dreg:$0x0]  }
0x2: {  	s0 =	rddreg [dreg:$0x1]  }
0x3: {  	s2 =	rddreg [dreg:$0x2];
	s4 =	simm.s32 $0x0  }
0x4: {  	s3 =	srdreg.scid;
	s9 =	stileid.u32;
	s28 =	simm.s32 $0x8180  }
0x5: {  	s29 =	simm.s32 $0x8;
	s30 =	simm.s32 $0x8200;
	s5 =	smul.u32 $0x50000, s9  }
0x6: {  	s31 =	simm.s32 $0x0;
	[smem:$0x7FF] =	sst s4;
	s12 =	smul.u32 $0x1388, s9  }
0x7: {  	s10 =	sadd.s32 $0xAA00, s0;
	s3 =	sand.u32 $0x1, s3;
	s13 =	smul.u32 $0x280, s9  }
0x8: {  	s11 =	sadd.s32 $0xC00, s0;
	s0 =	sadd.s32 $0x14800, s0;
	s7 =	smul.u32 $0x27100, s3  }
0x9: {  	s6 =	ssub.s32 $0x2, s3;
	s14 =	smul.u32 $0x5000, s3;
	s3 =	sshllo.u32 s3, $0x1  }
0xa: {  	_ =	strace $0x8000004D;
	s8 =	sshrl.u32 s6, $0x1;
	s19 =	smul.u32 $0x13880, s3  }
0xb: {  	s5 =	sshrl.u32 s5, $0x2;
	s3 =	smul.u32 $0x2800, s3;
	s16 =	ssub.s32 s6, s8  }
0xc: {  	s5 =	sadd.s32 s5, s2;
	s17 =	sadd.s32 s12, s7;
	s14 =	sadd.s32 s13, s14  }
0xd: {  	s6 =	sadd.s32 $0x4000, s5;
	s18 =	sshrl.u32 s17, $0x3;
	s7 =	sadd.s32 $0x8000, s5  }
0xe: {  	s8 =	sadd.s32 $0xC000, s5;
	s9 =	sadd.s32 $0x10000, s5;
	s12 =	sadd.s32 s12, s19  }
0xf: {  	s14 =	sshll.u32 s14, $0x4;
	s3 =	sadd.s32 s13, s3;
	s16 =	smax.u32 s16, $0x1  }
0x10: {  	s26 =	sadd.s32 $0x13880, s17;
	s15 =	sadd.s32 $0x270, s18;
	s21 =	sshrl.u32 s12, $0x3  }
0x11: {  	s22 =	sadd.s32 s0, s14;
	s3 =	sshll.u32 s3, $0x4;
	s17 =	sadd.s32 s18, s11  }
0x12: {  	s18 =	sadd.s32 s18, s10;
	s20 =	sadd.s32 s10, s15;
	[dreg:$0x6] =	wrdreg s22  }
0x13: {  	s15 =	sadd.s32 s11, s15;
	s23 =	sadd.s32 $0x270, s21;
	[dreg:$0x4] =	wrdreg s20  }
0x14: {  	s21 =	simm.s32 $0x4100;
	s22 =	simm.s32 $0x2;
	[dreg:$0x5] =	wrdreg s15  }
0x15: {  	s24 =	sadd.s32 s10, s23;
	s25 =	sadd.s32 s11, s23;
	s15 =	sadd.s32 s0, s3  }
0x16: {  	s0 =	sshrl.u32 s26, $0x3;
	s23 =	simm.s32 $0x80;
	[dreg:$0x7] =	wrdreg s24  }
0x17: {  	s26 =	simm.s32 $0x8100;
	[dreg:$0x8] =	wrdreg s25;
	s19 =	sadd.s32 s0, s11  }
0x18: {  	v0 =	vimm.f32 $0.0e+00;
	s20 =	sadd.s32 s0, s10;
	s24 =	simm.s32 $0x100;
	s25 =	simm.s32 $0x1  }
.LBB2_1:
0x19: {  	s0 =	simm.s32 $0x0;
	s3 =	simm.s32 $0x200  }
.LBB2_2:
0x1a: {  	p0 =	sne.s32 s3, $0xFE00;
	[tilespmem:s0+$0x4170] =	vst v0  }
0x1b: {  	[tilespmem:s0+$0x4100] =	vst v0  }
0x1c: {  	[tilespmem:s0+$0x4110] =	vst v0  }
.Ltmp0:
0x1d: {  	[tilespmem:s0+$0x4120] =	vst v0;
	(pc) =	sbr.rel @p0 .LBB2_2-.Ltmp0, $4  }
0x1e: {  	[tilespmem:s0+$0x4130] =	vst v0  }
0x1f: {  	[tilespmem:s0+$0x4140] =	vst v0  }
0x20: {  	[tilespmem:s0+$0x4150] =	vst v0  }
0x21: {  	[tilespmem:s0+$0x4160] =	vst v0;
	s0 =	sshra.s32 s3, $0x2;
	s3 =	sadd.s32 $0x200, s3  }
0x22: {  	[tilespmem:s0+$0x4170] =	vst v0  }
0x23: {  	[tilespmem:s0+$0x4100] =	vst v0  }
0x24: {  	[tilespmem:s0+$0x4110] =	vst v0  }
0x25: {  	[tilespmem:s0+$0x4120] =	vst v0  }
0x26: {  	[tilespmem:s0+$0x4130] =	vst v0  }
0x27: {  	[tilespmem:s0+$0x4140] =	vst v0  }
0x28: {  	[tilespmem:s0+$0x4150] =	vst v0  }
0x29: {  	[tilespmem:s0+$0x4160] =	vst v0  }
0x2a: {  	[spmem:s5] =	stream.linear.scatter [tilespmem:s21], [sflag:$0x2], $0x4000, $0x38;
	[tilespmem:$0x1C600] =	vst v63  }
0x2b: {  	_ =	swait.ge [sflag:s22], $0x4000  }
0x2c: {  	[sflag:s22] =	ssyncset.done $0x0  }
0x2d: {  	[sflag:s22] =	ssyncadd.s32 $0xFFFFC000  }
0x2e: {  	[spmem:s6] =	stream.linear.scatter [tilespmem:s21], [sflag:$0x2], $0x4000, $0x38;
	[tilespmem:$0x1C600] =	vst v63  }
0x2f: {  	_ =	swait.ge [sflag:s22], $0x4000  }
0x30: {  	[sflag:s22] =	ssyncset.done $0x0  }
0x31: {  	[sflag:s22] =	ssyncadd.s32 $0xFFFFC000  }
0x32: {  	[spmem:s7] =	stream.linear.scatter [tilespmem:s21], [sflag:$0x2], $0x4000, $0x38;
	[tilespmem:$0x1C600] =	vst v63  }
0x33: {  	_ =	swait.ge [sflag:s22], $0x4000  }
0x34: {  	[sflag:s22] =	ssyncset.done $0x0  }
0x35: {  	[sflag:s22] =	ssyncadd.s32 $0xFFFFC000  }
0x36: {  	[spmem:s8] =	stream.linear.scatter [tilespmem:s21], [sflag:$0x2], $0x4000, $0x38;
	[tilespmem:$0x1C600] =	vst v63  }
0x37: {  	_ =	swait.ge [sflag:s22], $0x4000  }
0x38: {  	[sflag:s22] =	ssyncset.done $0x0  }
0x39: {  	[sflag:s22] =	ssyncadd.s32 $0xFFFFC000  }
0x3a: {  	[spmem:s9] =	stream.linear.scatter [tilespmem:s21], [sflag:$0x2], $0x4000, $0x38;
	[tilespmem:$0x1C600] =	vst v63  }
0x3b: {  	_ =	swait.ge [sflag:s22], $0x4000  }
0x3c: {  	[sflag:s22] =	ssyncset.done $0x0  }
0x3d: {  	[sflag:s22] =	ssyncadd.s32 $0xFFFFC000  }
0x3e: {  	s13 =	sadd.s32 $0x0, s18;
	[bflag:$0x0] =	sbarrier.arrive $0xFFFF  }
0x3f: {  	[tilespmem:s4], [sflag:$0x2] =	stream.linear.gather [hbm4b:s13+s4], $0x80, $0x38;
	[tilespmem:$0x1C600] =	vst v63  }
0x40: {  	_ =	swait.ge [sflag:s22], $0x80  }
0x41: {  	[sflag:s22] =	ssyncset.done $0x0  }
0x42: {  	s14 =	sadd.s32 $0x0, s17;
	[sflag:s22] =	ssyncadd.s32 $0xFFFFFF80  }
0x43: {  	[tilespmem:s23], [sflag:$0x2] =	stream.linear.gather [hbm4b:s14+s4], $0x80, $0x38;
	[tilespmem:$0x1C600] =	vst v63  }
0x44: {  	_ =	swait.ge [sflag:s22], $0x80  }
0x45: {  	[sflag:s22] =	ssyncset.done $0x0  }
0x46: {  	[sflag:s22] =	ssyncadd.s32 $0xFFFFFF80  }
0x47: {  	[tilespmem:s24], [sflag:$0x1] =	stream.indirect.gather [hbm4b:s1+s23], $0x80, s4, s23, $0xb8;
	[tilespmem:$0x1C600] =	vst v63  }
0x48: {  	_ =	swait.ge [sflag:s25], $0x4000  }
0x49: {  	[sflag:s25] =	ssyncset.done $0x0  }
0x4a: {  	[sflag:s25] =	ssyncadd.s32 $0xFFFFC000  }
0x4b: {  	[spmem:s2] =	stream.indirect.scatter.add.f32 [tilespmem:s24], [sflag:$0x2], $0x80, s23, s23, $0xb8;
	[tilespmem:$0x1C600] =	vst v63  }
0x4c: {  	_ =	swait.ge [sflag:s22], $0x4000  }
0x4d: {  	s0 =	simm.s32 $0x10;
	s3 =	simm.s32 $0x20;
	[sflag:s22] =	ssyncset.done $0x0  }
.LBB2_4:
0x4e: {  	s10 =	sadd.s32 s0, s18  }
0x4f: {  	[sflag:s22] =	ssyncadd.s32 $0xFFFFC000;
	s11 =	smov.u32 s3;
	s12 =	sadd.s32 $0x10, s3  }
0x50: {  	[tilespmem:s4], [sflag:$0x2] =	stream.linear.gather [hbm4b:s10+s4], $0x80, $0x38;
	[tilespmem:$0x1C600] =	vst v63  }
0x51: {  	p0 =	sne.s32 s3, $0x260;
	_ =	swait.ge [sflag:s22], $0x80  }
0x52: {  	[sflag:s22] =	ssyncset.done $0x0  }
0x53: {  	s3 =	sadd.s32 s0, s17;
	s0 =	smov.u32 s11;
	[sflag:s22] =	ssyncadd.s32 $0xFFFFFF80  }
0x54: {  	[tilespmem:s23], [sflag:$0x2] =	stream.linear.gather [hbm4b:s3+s4], $0x80, $0x38;
	[tilespmem:$0x1C600] =	vst v63  }
0x55: {  	_ =	swait.ge [sflag:s22], $0x80  }
0x56: {  	[sflag:s22] =	ssyncset.done $0x0  }
0x57: {  	[sflag:s22] =	ssyncadd.s32 $0xFFFFFF80  }
0x58: {  	[tilespmem:s24], [sflag:$0x1] =	stream.indirect.gather [hbm4b:s1+s23], $0x80, s4, s23, $0xb8;
	[tilespmem:$0x1C600] =	vst v63  }
0x59: {  	_ =	swait.ge [sflag:s25], $0x4000  }
.Ltmp1:
0x5a: {  	[sflag:s25] =	ssyncset.done $0x0;
	(pc) =	sbr.rel @p0 .LBB2_4-.Ltmp1, $4  }
0x5b: {  	[sflag:s25] =	ssyncadd.s32 $0xFFFFC000  }
0x5c: {  	[spmem:s2] =	stream.indirect.scatter.add.f32 [tilespmem:s24], [sflag:$0x2], $0x80, s23, s23, $0xb8;
	[tilespmem:$0x1C600] =	vst v63  }
0x5d: {  	_ =	swait.ge [sflag:s22], $0x4000  }
0x5e: {  	s3 =	smov.u32 s12;
	[sflag:s22] =	ssyncset.done $0x0  }
0x5f: {  	s3 =	sadd.s32 s0, s18;
	[sflag:s22] =	ssyncadd.s32 $0xFFFFC000  }
0x60: {  	[tilespmem:s4], [sflag:$0x2] =	stream.linear.gather [hbm4b:s3+s4], $0x80, $0x38;
	[tilespmem:$0x1C600] =	vst v63  }
0x61: {  	_ =	swait.ge [sflag:s22], $0x80  }
0x62: {  	[sflag:s22] =	ssyncset.done $0x0  }
0x63: {  	s13 =	sadd.s32 s0, s17;
	[sflag:s22] =	ssyncadd.s32 $0xFFFFFF80  }
0x64: {  	[tilespmem:s23], [sflag:$0x2] =	stream.linear.gather [hbm4b:s13+s4], $0x80, $0x38;
	[tilespmem:$0x1C600] =	vst v63  }
0x65: {  	_ =	swait.ge [sflag:s22], $0x80  }
0x66: {  	[sflag:s22] =	ssyncset.done $0x0  }
0x67: {  	[sflag:s22] =	ssyncadd.s32 $0xFFFFFF80  }
0x68: {  	[tilespmem:s24], [sflag:$0x1] =	stream.indirect.gather [hbm4b:s1+s23], $0x80, s4, s23, $0xb8;
	[tilespmem:$0x1C600] =	vst v63  }
0x69: {  	_ =	swait.ge [sflag:s25], $0x4000  }
0x6a: {  	[sflag:s25] =	ssyncset.done $0x0  }
0x6b: {  	[sflag:s25] =	ssyncadd.s32 $0xFFFFC000  }
0x6c: {  	[spmem:s2] =	stream.indirect.scatter.add.f32 [tilespmem:s24], [sflag:$0x2], $0x80, s23, s23, $0xb8;
	[tilespmem:$0x1C600] =	vst v63  }
0x6d: {  	_ =	swait.ge [sflag:s22], $0x4000  }
0x6e: {  	[sflag:s22] =	ssyncset.done $0x0  }
0x6f: {  	s14 =	simm.s32 $0x0;
	s10 =	rddreg [dreg:$0x4];
	[sflag:s22] =	ssyncadd.s32 $0xFFFFC000  }
0x70: {  	[tilespmem:s26], [sflag:$0x2] =	stream.linear.gather [hbm4b:s10+s14], $0x8, $0x38;
	[tilespmem:$0x1C600] =	vst v63  }
0x71: {  	_ =	swait.ge [sflag:s22], $0x8  }
0x72: {  	[sflag:s22] =	ssyncset.done $0x0  }
0x73: {  	s11 =	rddreg [dreg:$0x5];
	[sflag:s22] =	ssyncadd.s32 $0xFFFFFFF8  }
0x74: {  	[tilespmem:s28], [sflag:$0x2] =	stream.linear.gather [hbm4b:s11+s14], $0x8, $0x38;
	[tilespmem:$0x1C600] =	vst v63  }
0x75: {  	_ =	swait.ge [sflag:s22], $0x8  }
0x76: {  	[sflag:s22] =	ssyncset.done $0x0  }
0x77: {  	[sflag:s22] =	ssyncadd.s32 $0xFFFFFFF8  }
0x78: {  	[tilespmem:s30], [sflag:$0x1] =	stream.indirect.gather [hbm4b:s1+s29], $0x80, s26, s29, $0xb8;
	[tilespmem:$0x1C600] =	vst v63  }
0x79: {  	_ =	swait.ge [sflag:s25], $0x400  }
0x7a: {  	[sflag:s25] =	ssyncset.done $0x0  }
0x7b: {  	[sflag:s25] =	ssyncadd.s32 $0xFFFFFC00  }
0x7c: {  	[spmem:s2] =	stream.indirect.scatter.add.f32 [tilespmem:s30], [sflag:$0x2], $0x80, s28, s29, $0xb8;
	[tilespmem:$0x1C600] =	vst v63  }
0x7d: {  	_ =	swait.ge [sflag:s22], $0x400  }
0x7e: {  	[sflag:s22] =	ssyncset.done $0x0  }
0x7f: {  	s12 =	stileid.u32;
	[sflag:s22] =	ssyncadd.s32 $0xFFFFFC00  }
0x80: {  	s0 =	sshll.u32 s12, $0x6;
	[bflag:$0x0] =	sbarrier.arrive $0xFFFF  }
0x81: {  	s3 =	sshrl.u32 s5, $0x3;
	s0 =	sor.u32 $0x1C02, s0;
	s10 =	rddreg [dreg:$0x6]  }
0x82: {  	[hbm:s10], [sflag:s0] =	dma.local [spmem:s3], $0x2800  }
0x83: {  	_ =	swait.ge [sflag:s22], $0x2800  }
0x84: {  	[sflag:s22] =	ssyncset.done $0x0  }
0x85: {  	[sflag:s22] =	ssyncadd.s32 $0xFFFFD800  }
0x86: {  	[spmem:s5] =	stream.linear.scatter [tilespmem:s21], [sflag:$0x2], $0x4000, $0x38;
	[tilespmem:$0x1C600] =	vst v63  }
0x87: {  	_ =	swait.ge [sflag:s22], $0x4000  }
0x88: {  	[sflag:s22] =	ssyncset.done $0x0  }
0x89: {  	[sflag:s22] =	ssyncadd.s32 $0xFFFFC000  }
0x8a: {  	[spmem:s6] =	stream.linear.scatter [tilespmem:s21], [sflag:$0x2], $0x4000, $0x38;
	[tilespmem:$0x1C600] =	vst v63  }
0x8b: {  	_ =	swait.ge [sflag:s22], $0x4000  }
0x8c: {  	[sflag:s22] =	ssyncset.done $0x0  }
0x8d: {  	[sflag:s22] =	ssyncadd.s32 $0xFFFFC000  }
0x8e: {  	[spmem:s7] =	stream.linear.scatter [tilespmem:s21], [sflag:$0x2], $0x4000, $0x38;
	[tilespmem:$0x1C600] =	vst v63  }
0x8f: {  	_ =	swait.ge [sflag:s22], $0x4000  }
0x90: {  	[sflag:s22] =	ssyncset.done $0x0  }
0x91: {  	[sflag:s22] =	ssyncadd.s32 $0xFFFFC000  }
0x92: {  	[spmem:s8] =	stream.linear.scatter [tilespmem:s21], [sflag:$0x2], $0x4000, $0x38;
	[tilespmem:$0x1C600] =	vst v63  }
0x93: {  	_ =	swait.ge [sflag:s22], $0x4000  }
0x94: {  	[sflag:s22] =	ssyncset.done $0x0  }
0x95: {  	[sflag:s22] =	ssyncadd.s32 $0xFFFFC000  }
0x96: {  	[spmem:s9] =	stream.linear.scatter [tilespmem:s21], [sflag:$0x2], $0x4000, $0x38;
	[tilespmem:$0x1C600] =	vst v63  }
0x97: {  	_ =	swait.ge [sflag:s22], $0x4000  }
0x98: {  	[sflag:s22] =	ssyncset.done $0x0  }
0x99: {  	[sflag:s22] =	ssyncadd.s32 $0xFFFFC000  }
0x9a: {  	s13 =	sadd.s32 $0x0, s20;
	[bflag:$0x0] =	sbarrier.arrive $0xFFFF  }
0x9b: {  	[tilespmem:s4], [sflag:$0x2] =	stream.linear.gather [hbm4b:s13+s4], $0x80, $0x38;
	[tilespmem:$0x1C600] =	vst v63  }
0x9c: {  	_ =	swait.ge [sflag:s22], $0x80  }
0x9d: {  	[sflag:s22] =	ssyncset.done $0x0  }
0x9e: {  	s14 =	sadd.s32 $0x0, s19;
	[sflag:s22] =	ssyncadd.s32 $0xFFFFFF80  }
0x9f: {  	[tilespmem:s23], [sflag:$0x2] =	stream.linear.gather [hbm4b:s14+s4], $0x80, $0x38;
	[tilespmem:$0x1C600] =	vst v63  }
0xa0: {  	_ =	swait.ge [sflag:s22], $0x80  }
0xa1: {  	[sflag:s22] =	ssyncset.done $0x0  }
0xa2: {  	[sflag:s22] =	ssyncadd.s32 $0xFFFFFF80  }
0xa3: {  	[tilespmem:s24], [sflag:$0x1] =	stream.indirect.gather [hbm4b:s1+s23], $0x80, s4, s23, $0xb8;
	[tilespmem:$0x1C600] =	vst v63  }
0xa4: {  	_ =	swait.ge [sflag:s25], $0x4000  }
0xa5: {  	[sflag:s25] =	ssyncset.done $0x0  }
0xa6: {  	[sflag:s25] =	ssyncadd.s32 $0xFFFFC000  }
0xa7: {  	[spmem:s2] =	stream.indirect.scatter.add.f32 [tilespmem:s24], [sflag:$0x2], $0x80, s23, s23, $0xb8;
	[tilespmem:$0x1C600] =	vst v63  }
0xa8: {  	_ =	swait.ge [sflag:s22], $0x4000  }
0xa9: {  	s11 =	simm.s32 $0x20;
	s10 =	simm.s32 $0x10;
	[sflag:s22] =	ssyncset.done $0x0  }
.LBB2_6:
0xaa: {  	s12 =	sadd.s32 s10, s20  }
0xab: {  	[sflag:s22] =	ssyncadd.s32 $0xFFFFC000;
	s13 =	smov.u32 s11;
	s14 =	sadd.s32 $0x10, s11  }
0xac: {  	[tilespmem:s4], [sflag:$0x2] =	stream.linear.gather [hbm4b:s12+s4], $0x80, $0x38;
	[tilespmem:$0x1C600] =	vst v63  }
0xad: {  	p0 =	sne.s32 s11, $0x260;
	_ =	swait.ge [sflag:s22], $0x80  }
0xae: {  	[sflag:s22] =	ssyncset.done $0x0  }
0xaf: {  	s11 =	sadd.s32 s10, s19;
	s10 =	smov.u32 s13;
	[sflag:s22] =	ssyncadd.s32 $0xFFFFFF80  }
0xb0: {  	[tilespmem:s23], [sflag:$0x2] =	stream.linear.gather [hbm4b:s11+s4], $0x80, $0x38;
	[tilespmem:$0x1C600] =	vst v63  }
0xb1: {  	_ =	swait.ge [sflag:s22], $0x80  }
0xb2: {  	[sflag:s22] =	ssyncset.done $0x0  }
0xb3: {  	[sflag:s22] =	ssyncadd.s32 $0xFFFFFF80  }
0xb4: {  	[tilespmem:s24], [sflag:$0x1] =	stream.indirect.gather [hbm4b:s1+s23], $0x80, s4, s23, $0xb8;
	[tilespmem:$0x1C600] =	vst v63  }
0xb5: {  	_ =	swait.ge [sflag:s25], $0x4000  }
.Ltmp2:
0xb6: {  	[sflag:s25] =	ssyncset.done $0x0;
	(pc) =	sbr.rel @p0 .LBB2_6-.Ltmp2, $4  }
0xb7: {  	[sflag:s25] =	ssyncadd.s32 $0xFFFFC000  }
0xb8: {  	[spmem:s2] =	stream.indirect.scatter.add.f32 [tilespmem:s24], [sflag:$0x2], $0x80, s23, s23, $0xb8;
	[tilespmem:$0x1C600] =	vst v63  }
0xb9: {  	_ =	swait.ge [sflag:s22], $0x4000  }
0xba: {  	s11 =	smov.u32 s14;
	[sflag:s22] =	ssyncset.done $0x0  }
0xbb: {  	s11 =	sadd.s32 s10, s20;
	[sflag:s22] =	ssyncadd.s32 $0xFFFFC000  }
0xbc: {  	[tilespmem:s4], [sflag:$0x2] =	stream.linear.gather [hbm4b:s11+s4], $0x80, $0x38;
	[tilespmem:$0x1C600] =	vst v63  }
0xbd: {  	_ =	swait.ge [sflag:s22], $0x80  }
0xbe: {  	[sflag:s22] =	ssyncset.done $0x0  }
0xbf: {  	s12 =	sadd.s32 s10, s19;
	[sflag:s22] =	ssyncadd.s32 $0xFFFFFF80  }
0xc0: {  	[tilespmem:s23], [sflag:$0x2] =	stream.linear.gather [hbm4b:s12+s4], $0x80, $0x38;
	[tilespmem:$0x1C600] =	vst v63  }
0xc1: {  	_ =	swait.ge [sflag:s22], $0x80  }
0xc2: {  	[sflag:s22] =	ssyncset.done $0x0  }
0xc3: {  	[sflag:s22] =	ssyncadd.s32 $0xFFFFFF80  }
0xc4: {  	[tilespmem:s24], [sflag:$0x1] =	stream.indirect.gather [hbm4b:s1+s23], $0x80, s4, s23, $0xb8;
	[tilespmem:$0x1C600] =	vst v63  }
0xc5: {  	_ =	swait.ge [sflag:s25], $0x4000  }
0xc6: {  	[sflag:s25] =	ssyncset.done $0x0  }
0xc7: {  	[sflag:s25] =	ssyncadd.s32 $0xFFFFC000  }
0xc8: {  	[spmem:s2] =	stream.indirect.scatter.add.f32 [tilespmem:s24], [sflag:$0x2], $0x80, s23, s23, $0xb8;
	[tilespmem:$0x1C600] =	vst v63  }
0xc9: {  	_ =	swait.ge [sflag:s22], $0x4000  }
0xca: {  	[sflag:s22] =	ssyncset.done $0x0  }
0xcb: {  	s13 =	rddreg [dreg:$0x7];
	[sflag:s22] =	ssyncadd.s32 $0xFFFFC000  }
0xcc: {  	[tilespmem:s26], [sflag:$0x2] =	stream.linear.gather [hbm4b:s13+s4], $0x8, $0x38;
	[tilespmem:$0x1C600] =	vst v63  }
0xcd: {  	_ =	swait.ge [sflag:s22], $0x8  }
0xce: {  	[sflag:s22] =	ssyncset.done $0x0  }
0xcf: {  	s14 =	rddreg [dreg:$0x8];
	[sflag:s22] =	ssyncadd.s32 $0xFFFFFFF8  }
0xd0: {  	[tilespmem:s28], [sflag:$0x2] =	stream.linear.gather [hbm4b:s14+s4], $0x8, $0x38;
	[tilespmem:$0x1C600] =	vst v63  }
0xd1: {  	_ =	swait.ge [sflag:s22], $0x8  }
0xd2: {  	[sflag:s22] =	ssyncset.done $0x0  }
0xd3: {  	[sflag:s22] =	ssyncadd.s32 $0xFFFFFFF8  }
0xd4: {  	[tilespmem:s30], [sflag:$0x1] =	stream.indirect.gather [hbm4b:s1+s29], $0x80, s26, s29, $0xb8;
	[tilespmem:$0x1C600] =	vst v63  }
0xd5: {  	_ =	swait.ge [sflag:s25], $0x400  }
0xd6: {  	[sflag:s25] =	ssyncset.done $0x0  }
0xd7: {  	[sflag:s25] =	ssyncadd.s32 $0xFFFFFC00  }
0xd8: {  	[spmem:s2] =	stream.indirect.scatter.add.f32 [tilespmem:s30], [sflag:$0x2], $0x80, s28, s29, $0xb8;
	[tilespmem:$0x1C600] =	vst v63  }
0xd9: {  	_ =	swait.ge [sflag:s22], $0x400  }
0xda: {  	s31 =	sadd.s32 $0x1, s31;
	[sflag:s22] =	ssyncset.done $0x0  }
0xdb: {  	p0 =	sne.s32 s31, s16;
	[sflag:s22] =	ssyncadd.s32 $0xFFFFFC00  }
.Ltmp3:
0xdc: {  	[bflag:$0x0] =	sbarrier.arrive $0xFFFF;
	(pc) =	sbr.rel @p0 .LBB2_1-.Ltmp3, $4  }
0xdd: {  	[hbm:s15], [sflag:s0] =	dma.local [spmem:s3], $0x2800  }
0xde: {  	_ =	swait.ge [sflag:s22], $0x2800  }
0xdf: {  	[sflag:s22] =	ssyncset.done $0x0  }
0xe0: {  	[sflag:s22] =	ssyncadd.s32 $0xFFFFD800  }
0xe1: {  	_ =	sfence.sel $0x180000  }
0xe2: {  	[bflag:$0x0] =	sbarrier.arrive $0xFFFF  }
0xe3: {  	_ =	strace $0x9000004D  }
0xe4: {  	s0 =	stileid.u32;
	[bflag:$0x2] =	sbarrier.arrive $0xFFFF  }
0xe5: {  	p0 =	sne.s32 s0, $0x0;
	s0 =	rddreg [dreg:$0x3]  }
0xe6: {  	s0 =	sadd.s32 @!p0 $0x100000, s0  }
0xe7: {  	[sflag:s0] =	ssyncadd.tile.s32 @!p0 $0x1;
	_ =	shalt  }
.Lfunc_end2:
_tile_overlayer_lowered:
.L_overlay_start_2:
0xe8: {  	(tag) =	ssettag $0x2  }
0xe9: {  	s0 =	rddreg [dreg:$0x0];
	s2 =	stileid.u32  }
0xea: {  	s1 =	rddreg [dreg:$0x1];
	p0 =	sne.s32 s2, $0x0  }
0xeb: {  	s3 =	rddreg [dreg:$0x2];
	[bflag:$0x3] =	sbarrier.arrive $0xFFFF;
	s2 =	simm.s32 @!p0 $0x1C02  }
0xec: {  	[timem:s3], [sflag:s2] =	dma.local @!p0 [hbm:s0], s1  }
0xed: {  	s0 =	simm.s32 @!p0 $0x2  }
0xee: {  	_ =	swait.ge @!p0 [sflag:s0], s1  }
0xef: {  	s1 =	ssub.s32 @!p0 $0x0, s1;
	[sflag:s0] =	ssyncset.done @!p0 $0x0  }
0xf0: {  	[sflag:s0] =	ssyncadd.s32 @!p0 s1  }
0xf1: {  	[bflag:$0x3] =	sbarrier.arrive $0xFFFF  }
0xf2: {  	_ =	shalt  }

// kernel: sc_rel_deg.3.cloned.1.call-start
scs
__scs_entry_jumppad:
0x0: {  	(pc) =	sbr.rel $0x88, $3  }
0x1: {  	(tag) =	ssettag $0x0;
	lr =	simm.s32 $0x1  }
0x2: {  	[smem:$0x3F9D] =	sst lr;
	_ =	strace $0xD0000000  }
0x3: {  	_ = 	snop  }
0x4: {  	_ = 	snop  }
0x5: {  	_ = 	snop  }
0x6: {  	_ = 	snop  }
0x7: {  	_ = 	snop  }
__scs_overlays_trampoline_lowered:
0x8: {  	[smem:$0x3FAC] =	sst s0  }
0x9: {  	[smem:$0x3FAD] =	sst s1  }
0xa: {  	[smem:$0x3FAE] =	sst s2  }
0xb: {  	[smem:$0x3FAF] =	sst s3  }
0xc: {  	[smem:$0x3FB0] =	sst s4  }
0xd: {  	[smem:$0x3FB1] =	sst s5  }
0xe: {  	[smem:$0x3FB2] =	sst s6  }
0xf: {  	[smem:$0x3FB3] =	sst s7  }
0x10: {  	[smem:$0x3FB4] =	sst s8  }
0x11: {  	[smem:$0x3FB5] =	sst s9;
	s0 =	simm.s32 @!p0 $0x0  }
0x12: {  	s1 =	sld [smem:$0x3F9B];
	s0 =	simm.s32 @p0 $0x1  }
0x13: {  	[smem:$0x3FB6] =	sst s0;
	s0 =	simm.s32 @!p1 $0x0  }
0x14: {  	s2 =	sld [smem:$0x3F9A];
	s0 =	simm.s32 @p1 $0x1  }
0x15: {  	[smem:$0x3FB7] =	sst s0;
	s0 =	simm.s32 @!p2 $0x0  }
0x16: {  	s3 =	sld [smem:$0x3FDB];
	s0 =	simm.s32 @p2 $0x1  }
0x17: {  	s4 =	simm.s32 $0x1BF5;
	[smem:$0x3FB9] =	sst s0  }
0x18: {  	s0 =	sld [smem:$0x3F9C];
	_ =	swait.ge [sflag:s4], $0x0  }
0x19: {  	s7 =	sld [smem:$0x3F9D]  }
0x1a: {  	s8 =	sadd.s32 $0xFFFFE003, lr  }
0x1b: {  	s9 =	sadd.s32 $0xFFFFFEF7, lr;
	s5 =	simm.s32 $0xFFFFFFFF;
	p2 =	slt.u32 s8, $0xFFFFF086  }
0x1c: {  	p1 =	slt.u32 s9, $0xF7A;
	s5 =	simm.s32 @!p2 $0x0  }
0x1d: {  	s5 =	simm.s32 @p1 $0x1;
	p0 =	seq.s32 s7, s2  }
0x1e: {  	s7 =	smul.u32 @!p0 $0xF7A, s2;
	p2 =	seq.s32 @!p0 s5, $0x0  }
0x1f: {  	s9 =	smul.u32 $0xF7A, s1;
	s8 =	simm.s32 @!p0 $0x1BF5;
	p2 =	por !p2, p0  }
0x20: {  	[sflag:s8] =	ssyncset.s32 @!p0 $0xFFFFF086;
	s6 =	sadd.s32 @!p0 s3, s7;
	s7 =	simm.s32 @!p0 $0x108  }
0x21: {  	s3 =	sadd.s32 s3, s9;
	s6 =	sadd.s32 @!p0 $0x88, s6;
	s7 =	simm.s32 @p2 $0x1082  }
0x22: {  	[simem:s7], [sflag:s8] =	dma.local @!p0 [hbm:s6], $0xF7A  }
0x23: {  	s9 =	sor.u32 $0xD0000000, s2;
	s6 =	simm.s32 $0x108;
	_ =	swait.ge @!p0 [sflag:s8], $0x0  }
0x24: {  	s3 =	sadd.s32 $0x88, s3;
	s6 =	simm.s32 @!p1 $0x1082;
	[sflag:s4] =	ssyncset.s32 $0xFFFFF086  }
0x25: {  	[simem:s6], [sflag:s4] =	dma.local [hbm:s3], $0xF7A  }
0x26: {  	[smem:$0x3F9D] =	sst s1;
	(tag) =	ssettag s2;
	_ =	strace s9  }
0x27: {  	s1 =	sld [smem:$0x3FAD]  }
0x28: {  	s2 =	sld [smem:$0x3FAE]  }
0x29: {  	s4 =	sld [smem:$0x3FB0]  }
0x2a: {  	p0 =	seq.s32 s5, $0x0;
	s5 =	sld [smem:$0x3FB1]  }
0x2b: {  	s6 =	sld [smem:$0x3FB2]  }
0x2c: {  	s7 =	sld [smem:$0x3FB3]  }
0x2d: {  	s3 =	simm.s32 $0x108;
	s8 =	sld [smem:$0x3FB4]  }
0x2e: {  	s3 =	simm.s32 @!p0 $0x1082;
	s9 =	sld [smem:$0x3FB5]  }
0x2f: {  	lr =	sadd.s32 s0, s3;
	s0 =	sld [smem:$0x3FAC]  }
0x30: {  	s3 =	sld [smem:$0x3FAF]  }
0x31: {  	[smem:$0x3FB8] =	sst s10  }
0x32: {  	s10 =	sld [smem:$0x3FB6];
	_ =	sdelay $0x3  }
0x33: {  	p0 =	seq.s32 s10, $0x1;
	s10 =	sld [smem:$0x3FB8];
	_ =	sdelay $0x3  }
0x34: {  	[smem:$0x3FB8] =	sst s10  }
0x35: {  	s10 =	sld [smem:$0x3FB7];
	_ =	sdelay $0x3  }
0x36: {  	p1 =	seq.s32 s10, $0x1;
	s10 =	sld [smem:$0x3FB8];
	_ =	sdelay $0x3  }
0x37: {  	[smem:$0x3FB8] =	sst s10  }
0x38: {  	s10 =	sld [smem:$0x3FB9]  }
0x39: {  	_ = 	snop;
	(pc) =	sbr.ind lr, $3  }
0x3a: {  	_ = 	snop  }
0x3b: {  	_ = 	snop  }
0x3c: {  	p2 =	seq.s32 s10, $0x1;
	s10 =	sld [smem:$0x3FB8]  }
0x3d: {  	_ =	shalt  }
0x3e: {  	_ =	shalt  }
0x3f: {  	_ =	shalt  }
0x40: {  	_ =	shalt  }
0x41: {  	_ =	shalt  }
0x42: {  	_ =	shalt  }
0x43: {  	_ =	shalt  }
0x44: {  	_ =	shalt  }
0x45: {  	_ =	shalt  }
0x46: {  	_ =	shalt  }
0x47: {  	_ =	shalt  }
0x48: {  	_ =	shalt  }
0x49: {  	_ =	shalt  }
0x4a: {  	_ =	shalt  }
0x4b: {  	_ =	shalt  }
0x4c: {  	_ =	shalt  }
0x4d: {  	_ =	shalt  }
0x4e: {  	_ =	shalt  }
0x4f: {  	_ =	shalt  }
0x50: {  	_ =	shalt  }
0x51: {  	_ =	shalt  }
0x52: {  	_ =	shalt  }
0x53: {  	_ =	shalt  }
0x54: {  	_ =	shalt  }
0x55: {  	_ =	shalt  }
0x56: {  	_ =	shalt  }
0x57: {  	_ =	shalt  }
0x58: {  	_ =	shalt  }
0x59: {  	_ =	shalt  }
0x5a: {  	_ =	shalt  }
0x5b: {  	_ =	shalt  }
0x5c: {  	_ =	shalt  }
0x5d: {  	_ =	shalt  }
0x5e: {  	_ =	shalt  }
0x5f: {  	_ =	shalt  }
0x60: {  	_ =	shalt  }
0x61: {  	_ =	shalt  }
0x62: {  	_ =	shalt  }
0x63: {  	_ =	shalt  }
0x64: {  	_ =	shalt  }
0x65: {  	_ =	shalt  }
0x66: {  	_ =	shalt  }
0x67: {  	_ =	shalt  }
0x68: {  	_ =	shalt  }
0x69: {  	_ =	shalt  }
0x6a: {  	_ =	shalt  }
0x6b: {  	_ =	shalt  }
0x6c: {  	_ =	shalt  }
0x6d: {  	_ =	shalt  }
0x6e: {  	_ =	shalt  }
0x6f: {  	_ =	shalt  }
0x70: {  	_ =	shalt  }
0x71: {  	_ =	shalt  }
0x72: {  	_ =	shalt  }
0x73: {  	_ =	shalt  }
0x74: {  	_ =	shalt  }
0x75: {  	_ =	shalt  }
0x76: {  	_ =	shalt  }
0x77: {  	_ =	shalt  }
0x78: {  	_ =	shalt  }
0x79: {  	_ =	shalt  }
0x7a: {  	_ =	shalt  }
0x7b: {  	_ =	shalt  }
0x7c: {  	_ =	shalt  }
0x7d: {  	_ =	shalt  }
0x7e: {  	_ =	shalt  }
0x7f: {  	_ =	shalt  }
0x80: {  	_ =	shalt  }
0x81: {  	_ =	shalt  }
0x82: {  	_ =	shalt  }
0x83: {  	_ =	shalt  }
0x84: {  	_ =	shalt  }
0x85: {  	_ =	shalt  }
0x86: {  	_ =	shalt  }
0x87: {  	_ =	shalt  }
.Lfunc_end0:
.L_simem_size_0:
called_computation_lowered:
.L_overlay_start_0:
0x88: {  	s2 =	sld [smem:$0x3FD9]  }
0x89: {  	s3 =	sld [smem:$0x3FFE];
	_ =	sdelay $0x1  }
0x8a: {  	s1 =	srdreg.scid  }
0x8b: {  	s0 =	sand.u32 $0x1, s1  }
0x8c: {  	s17 =	sshll.u32 s0, $0xA;
	s2 =	sadd.s32 s3, s2  }
0x8d: {  	s2 =	sadd.s32 s2, s17  }
0x8e: {  	[smem:$0x3FC4] =	sst s2  }
0x8f: {  	_ = 	snop  }
0x90: {  	(tm) =	ssettm $0x1  }
0x91: {  	s18 =	sld [smem:$0x3FFB];
	_ =	sdelay $0x3  }
0x92: {  	_ =	strace s18  }
0x93: {  	s2 =	sld [smem:$0x3FFC];
	_ =	sdelay $0x3  }
0x94: {  	_ =	strace s2  }
0x95: {  	s2 =	sld [smem:$0x3FFD];
	_ =	sdelay $0x3  }
0x96: {  	_ =	strace s2  }
0x97: {  	_ =	strace $0x8FFFFFFF  }
0x98: {  	s19 =	sld [smem:$0x3FDB];
	_ =	sdelay $0x1  }
0x99: {  	s20 =	simm.s32 $_scs_section_size  }
0x9a: {  	s4 =	simm.s32 $_size__tile_overlayer_lowered;
	s5 =	simm.s32 $_tile_overlayer_lowered  }
0x9b: {  	s6 =	simm.s32 $0x1BFF;
	s21 =	sshll.u32 s5, $0x1;
	s3 =	sadd.s32 s20, s19  }
0x9c: {  	s22 =	simm.s32 $0x0;
	s4 =	sshll.u32 s4, $0x1;
	s5 =	sadd.s32 s21, s3  }
0x9d: {  	[timem:s22], [sflag:s6] =	dma.local [hbm:s5], s4  }
0x9e: {  	_ =	swait.ge [sflag:s6], s4  }
0x9f: {  	s4 =	ssub.s32 $0x0, s4;
	[sflag:s6] =	ssyncset.done $0x0  }
0xa0: {  	[sflag:s6] =	ssyncadd.s32 s4;
	_ =	sdelay $0x1  }
0xa1: {  	s23 =	simm.s32 $0x1B8B  }
0xa2: {  	_ =	swait.ge [sflag:s23], $0x1  }
0xa3: {  	[sflag:s23] =	ssyncset.done $0x0  }
0xa4: {  	[sflag:s23] =	ssyncadd.s32 $0xFFFFFFFF  }
0xa5: {  	s4 =	sld [smem:$0x0]  }
0xa6: {  	s5 =	sand.u32 $0xFFFFFFFE, s1  }
0xa7: {  	p0 =	sne.s32 s1, s5  }
0xa8: {  	s5 =	sshll.u32 @p0 s5, $0xE  }
0xa9: {  	s5 =	sadd.s32 @p0 $0x11B8D, s5;
	s6 =	sshll.u32 @p0 s4, $0x11  }
0xaa: {  	s5 =	sor.u32 @p0 s6, s5  }
0xab: {  	[sflag:s5] =	ssyncadd.remote.s32 @p0 $0x1;
	_ =	sdelay $0x1  }
0xac: {  	s5 =	simm.s32 @p0 $0x1B8D  }
0xad: {  	_ =	swait.eq @p0 [sflag:s5], $0x1  }
0xae: {  	[sflag:s5] =	ssyncadd.s32 @p0 $0xFFFFFFFF  }
0xaf: {  	s6 =	sshll.u32 @!p0 s1, $0xE  }
0xb0: {  	s6 =	sor.u32 @!p0 $0x4000, s6;
	s5 =	simm.s32 @!p0 $0x1B8D  }
0xb1: {  	s4 =	sshll.u32 @!p0 s4, $0x11;
	s6 =	sadd.s32 @!p0 $0x11B8D, s6;
	_ =	swait.eq @!p0 [sflag:s5], $0x1  }
0xb2: {  	s4 =	sor.u32 @!p0 s4, s6;
	[sflag:s5] =	ssyncadd.s32 @!p0 $0xFFFFFFFF  }
0xb3: {  	s25 =	simm.s32 $0x1B8E;
	s24 =	sld [smem:$0x3FFE];
	[sflag:s4] =	ssyncadd.remote.s32 @!p0 $0x1  }
0xb4: {  	s26 =	simm.s32 $execute0_lowered;
	[smem:$0x3FD2] =	sst s25  }
0xb5: {  	s5 =	sshll.u32 s26, $0x1;
	_ =	strace $0x80000049;
	[dreg:$0x1] =	wrdreg $0xFFFFFFFF  }
0xb6: {  	s28 =	simm.s32 $_size_execute0_lowered;
	s3 =	sadd.s32 s3, s5;
	[dreg:$0x0] =	wrdreg $0x0  }
0xb7: {  	s5 =	sshll.u32 s28, $0x1;
	[dreg:$0x2] =	wrdreg s3  }
0xb8: {  	[dreg:$0x3] =	wrdreg s5  }
0xb9: {  	[dreg:$0x4] =	wrdreg $0xC0  }
0xba: {  	_ =	task [dreg:s22], $0x5FFFF  }
0xbb: {  	[dreg:$0x1] =	wrdreg $0xFFFFFFFF  }
0xbc: {  	[dreg:$0x0] =	wrdreg $0x60  }
0xbd: {  	[dreg:$0x2] =	wrdreg s24  }
0xbe: {  	[dreg:$0x3] =	wrdreg $0x81000  }
0xbf: {  	[dreg:$0x4] =	wrdreg $0x9  }
0xc0: {  	_ =	task.clear_ibuf [dreg:s22], $0x5FFFF;
	_ =	strace $0x90000049  }
0xc1: {  	s29 =	simm.s32 $0x9;
	_ =	strace $0x8000004B  }
0xc2: {  	_ =	swait.ge [sflag:s29], $0x1  }
0xc3: {  	[sflag:s29] =	ssyncadd.s32 $0xFFFFFFFF  }
0xc4: {  	_ =	strace $0x9000004B  }
0xc5: {  	_ =	sfence  }
0xc6: {  	s30 =	sld [smem:$0x0];
	_ =	sdelay $0x2  }
0xc7: {  	s31 =	sshll.u32 s1, $0xD;
	s1 =	sshrl.u32 s1, $0x2  }
0xc8: {  	s4 =	sand.u32 $0x4000, s31;
	s1 =	sadd.s32 s1, s30  }
0xc9: {  	s0 =	sor.u32 s4, s0;
	s1 =	sshll.u32 s1, $0x11  }
0xca: {  	s0 =	sor.u32 s1, s0  }
0xcb: {  	s0 =	sadd.s32 $0x8F2B, s0  }
0xcc: {  	[sflag:s0] =	ssyncadd.remote.s32 $0x1  }
0xcd: {  	_ =	sfence.sel $0xFFFF  }
0xce: {  	[dreg:$0x0] =	wrdreg $0xFFFFFFFF;
	(pc) =	sbr.abs _section_cstart, $3  }
0xcf: {  	[dreg:$0x1] =	wrdreg $0xFFFFFFFF  }
0xd0: {  	_ =	task.clear_ibuf [dreg:s22], $0x2FFFF;
	_ =	strace $0x9FFFFFFF  }
0xd1: {  	(tm) =	ssettm $0x7FFFFFFF  }
tec
execute0_lowered:
.L_overlay_start_1:
0x0: {  	(tag) =	ssettag $0x1  }
0x1: {  	s4 =	rddreg [dreg:$0x0]  }
0x2: {  	s1 =	rddreg [dreg:$0x1]  }
0x3: {  	s0 =	rddreg [dreg:$0x2];
	s2 =	stileid.u32  }
0x4: {  	s3 =	simm.s32 $0x0;
	s5 =	srdreg.scid;
	s30 =	smul.u32 $0x50000, s2  }
0x5: {  	s19 =	simm.s32 $0x8080;
	s20 =	simm.s32 $0x8;
	s10 =	smul.u32 $0x1388, s2  }
0x6: {  	s21 =	simm.s32 $0x0;
	s7 =	sand.u32 $0x1, s5;
	s12 =	smul.u32 $0x280, s2  }
0x7: {  	[smem:$0x7FF] =	sst s3;
	s15 =	sadd.s32 $0xC00, s4;
	s8 =	smul.u32 $0x27100, s7  }
0x8: {  	s13 =	sadd.s32 $0xB4800, s4;
	s11 =	smul.u32 $0x5000, s7;
	s17 =	sshllo.u32 s7, $0x1  }
0x9: {  	_ =	strace $0x8000004A;
	s31 =	ssub.s32 $0x2, s7;
	s18 =	smul.u32 $0x13880, s17  }
0xa: {  	s6 =	sshrl.u32 s31, $0x1;
	s5 =	sshrl.u32 s30, $0x2;
	s17 =	smul.u32 $0x2800, s17  }
0xb: {  	s14 =	ssub.s32 s31, s6;
	s4 =	sadd.s32 s5, s1;
	s16 =	sadd.s32 s10, s8  }
0xc: {  	s11 =	sadd.s32 s12, s11;
	s5 =	sadd.s32 $0x4000, s4;
	s6 =	sadd.s32 $0x8000, s4  }
0xd: {  	s7 =	sadd.s32 $0xC000, s4;
	s9 =	sshrl.u32 s16, $0x3;
	s8 =	sadd.s32 $0x10000, s4  }
0xe: {  	s11 =	sshll.u32 s11, $0x4;
	s18 =	sadd.s32 s10, s18;
	s17 =	sadd.s32 s12, s17  }
0xf: {  	s16 =	sadd.s32 $0x13880, s16;
	s14 =	smax.u32 s14, $0x1;
	s9 =	sadd.s32 s9, s15  }
0x10: {  	s11 =	sadd.s32 s13, s11;
	s18 =	sshrl.u32 s18, $0x3;
	s17 =	sshll.u32 s17, $0x4  }
0x11: {  	s16 =	sshrl.u32 s16, $0x3;
	s10 =	sadd.s32 $0x270, s9;
	s18 =	sadd.s32 s15, s18  }
0x12: {  	s13 =	sadd.s32 s13, s17;
	s15 =	sadd.s32 s16, s15;
	s16 =	simm.s32 $0x4080  }
0x13: {  	v0 =	vimm.f32 $0.0e+00;
	v1 =	vimm.f32 $1.000000000e+00;
	s17 =	simm.s32 $0x1;
	s12 =	sadd.s32 $0x270, s18;
	s18 =	simm.s32 $0x80  }
.LBB2_1:
0x14: {  	s22 =	simm.s32 $0x0;
	s23 =	simm.s32 $0x200  }
.LBB2_2:
0x15: {  	p0 =	sne.s32 s23, $0xFE00;
	[tilespmem:s22+$0x40F0] =	vst v0  }
0x16: {  	[tilespmem:s22+$0x4080] =	vst v0  }
0x17: {  	[tilespmem:s22+$0x4090] =	vst v0  }
.Ltmp0:
0x18: {  	[tilespmem:s22+$0x40A0] =	vst v0;
	(pc) =	sbr.rel @p0 .LBB2_2-.Ltmp0, $4  }
0x19: {  	[tilespmem:s22+$0x40B0] =	vst v0  }
0x1a: {  	[tilespmem:s22+$0x40C0] =	vst v0  }
0x1b: {  	[tilespmem:s22+$0x40D0] =	vst v0  }
0x1c: {  	[tilespmem:s22+$0x40E0] =	vst v0;
	s22 =	sshra.s32 s23, $0x2;
	s23 =	sadd.s32 $0x200, s23  }
0x1d: {  	[tilespmem:s22+$0x40F0] =	vst v0  }
0x1e: {  	[tilespmem:s22+$0x4080] =	vst v0  }
0x1f: {  	[tilespmem:s22+$0x4090] =	vst v0  }
0x20: {  	[tilespmem:s22+$0x40A0] =	vst v0  }
0x21: {  	[tilespmem:s22+$0x40B0] =	vst v0  }
0x22: {  	[tilespmem:s22+$0x40C0] =	vst v0  }
0x23: {  	[tilespmem:s22+$0x40D0] =	vst v0  }
0x24: {  	[tilespmem:s22+$0x40E0] =	vst v0;
	s22 =	simm.s32 $0x0;
	s23 =	simm.s32 $0x200  }
.LBB2_4:
0x25: {  	p0 =	sne.s32 s23, $0xFE00;
	[tilespmem:s22+$0xF0] =	vst v1  }
0x26: {  	[tilespmem:s22+$0x80] =	vst v1  }
0x27: {  	[tilespmem:s22+$0x90] =	vst v1  }
.Ltmp1:
0x28: {  	[tilespmem:s22+$0xA0] =	vst v1;
	(pc) =	sbr.rel @p0 .LBB2_4-.Ltmp1, $4  }
0x29: {  	[tilespmem:s22+$0xB0] =	vst v1  }
0x2a: {  	[tilespmem:s22+$0xC0] =	vst v1  }
0x2b: {  	[tilespmem:s22+$0xD0] =	vst v1  }
0x2c: {  	[tilespmem:s22+$0xE0] =	vst v1;
	s22 =	sshra.s32 s23, $0x2;
	s23 =	sadd.s32 $0x200, s23  }
0x2d: {  	[tilespmem:s22+$0xF0] =	vst v1  }
0x2e: {  	[tilespmem:s22+$0x80] =	vst v1  }
0x2f: {  	[tilespmem:s22+$0x90] =	vst v1  }
0x30: {  	[tilespmem:s22+$0xA0] =	vst v1  }
0x31: {  	[tilespmem:s22+$0xB0] =	vst v1  }
0x32: {  	[tilespmem:s22+$0xC0] =	vst v1  }
0x33: {  	[tilespmem:s22+$0xD0] =	vst v1  }
0x34: {  	[tilespmem:s22+$0xE0] =	vst v1  }
0x35: {  	[spmem:s4] =	stream.linear.scatter [tilespmem:s16], [sflag:$0x1], $0x4000, $0x38;
	[tilespmem:$0x1C100] =	vst v63  }
0x36: {  	_ =	swait.ge [sflag:s17], $0x4000  }
0x37: {  	[sflag:s17] =	ssyncset.done $0x0  }
0x38: {  	[sflag:s17] =	ssyncadd.s32 $0xFFFFC000  }
0x39: {  	[spmem:s5] =	stream.linear.scatter [tilespmem:s16], [sflag:$0x1], $0x4000, $0x38;
	[tilespmem:$0x1C100] =	vst v63  }
0x3a: {  	_ =	swait.ge [sflag:s17], $0x4000  }
0x3b: {  	[sflag:s17] =	ssyncset.done $0x0  }
0x3c: {  	[sflag:s17] =	ssyncadd.s32 $0xFFFFC000  }
0x3d: {  	[spmem:s6] =	stream.linear.scatter [tilespmem:s16], [sflag:$0x1], $0x4000, $0x38;
	[tilespmem:$0x1C100] =	vst v63  }
0x3e: {  	_ =	swait.ge [sflag:s17], $0x4000  }
0x3f: {  	[sflag:s17] =	ssyncset.done $0x0  }
0x40: {  	[sflag:s17] =	ssyncadd.s32 $0xFFFFC000  }
0x41: {  	[spmem:s7] =	stream.linear.scatter [tilespmem:s16], [sflag:$0x1], $0x4000, $0x38;
	[tilespmem:$0x1C100] =	vst v63  }
0x42: {  	_ =	swait.ge [sflag:s17], $0x4000  }
0x43: {  	[sflag:s17] =	ssyncset.done $0x0  }
0x44: {  	[sflag:s17] =	ssyncadd.s32 $0xFFFFC000  }
0x45: {  	[spmem:s8] =	stream.linear.scatter [tilespmem:s16], [sflag:$0x1], $0x4000, $0x38;
	[tilespmem:$0x1C100] =	vst v63  }
0x46: {  	_ =	swait.ge [sflag:s17], $0x4000  }
0x47: {  	[sflag:s17] =	ssyncset.done $0x0  }
0x48: {  	[sflag:s17] =	ssyncadd.s32 $0xFFFFC000  }
0x49: {  	s31 =	sadd.s32 $0x0, s9;
	[bflag:$0x0] =	sbarrier.arrive $0xFFFF  }
0x4a: {  	[tilespmem:s3], [sflag:$0x1] =	stream.linear.gather [hbm4b:s31+s3], $0x80, $0x38;
	[tilespmem:$0x1C100] =	vst v63  }
0x4b: {  	_ =	swait.ge [sflag:s17], $0x80  }
0x4c: {  	[sflag:s17] =	ssyncset.done $0x0  }
0x4d: {  	[sflag:s17] =	ssyncadd.s32 $0xFFFFFF80  }
0x4e: {  	[spmem:s1] =	stream.indirect.scatter.add.f32 [tilespmem:s18], [sflag:$0x1], $0x80, s3, s18, $0xb8;
	[tilespmem:$0x1C100] =	vst v63  }
0x4f: {  	_ =	swait.ge [sflag:s17], $0x4000  }
0x50: {  	s22 =	simm.s32 $0x10;
	s23 =	simm.s32 $0x20;
	[sflag:s17] =	ssyncset.done $0x0  }
.LBB2_6:
0x51: {  	s24 =	sadd.s32 s22, s9  }
0x52: {  	[sflag:s17] =	ssyncadd.s32 $0xFFFFC000;
	s22 =	smov.u32 s23;
	s25 =	sadd.s32 $0x10, s23  }
0x53: {  	[tilespmem:s3], [sflag:$0x1] =	stream.linear.gather [hbm4b:s24+s3], $0x80, $0x38;
	[tilespmem:$0x1C100] =	vst v63  }
0x54: {  	p0 =	sne.s32 s23, $0x260;
	_ =	swait.ge [sflag:s17], $0x80  }
.Ltmp2:
0x55: {  	[sflag:s17] =	ssyncset.done $0x0;
	(pc) =	sbr.rel @p0 .LBB2_6-.Ltmp2, $4  }
0x56: {  	[sflag:s17] =	ssyncadd.s32 $0xFFFFFF80  }
0x57: {  	[spmem:s1] =	stream.indirect.scatter.add.f32 [tilespmem:s18], [sflag:$0x1], $0x80, s3, s18, $0xb8;
	[tilespmem:$0x1C100] =	vst v63  }
0x58: {  	_ =	swait.ge [sflag:s17], $0x4000  }
0x59: {  	s23 =	smov.u32 s25;
	[sflag:s17] =	ssyncset.done $0x0  }
0x5a: {  	s22 =	sadd.s32 s22, s9;
	[sflag:s17] =	ssyncadd.s32 $0xFFFFC000  }
0x5b: {  	[tilespmem:s3], [sflag:$0x1] =	stream.linear.gather [hbm4b:s22+s3], $0x80, $0x38;
	[tilespmem:$0x1C100] =	vst v63  }
0x5c: {  	_ =	swait.ge [sflag:s17], $0x80  }
0x5d: {  	[sflag:s17] =	ssyncset.done $0x0  }
0x5e: {  	[sflag:s17] =	ssyncadd.s32 $0xFFFFFF80  }
0x5f: {  	[spmem:s1] =	stream.indirect.scatter.add.f32 [tilespmem:s18], [sflag:$0x1], $0x80, s3, s18, $0xb8;
	[tilespmem:$0x1C100] =	vst v63  }
0x60: {  	_ =	swait.ge [sflag:s17], $0x4000  }
0x61: {  	[sflag:s17] =	ssyncset.done $0x0  }
0x62: {  	s30 =	simm.s32 $0x0;
	[sflag:s17] =	ssyncadd.s32 $0xFFFFC000  }
0x63: {  	[tilespmem:s19], [sflag:$0x1] =	stream.linear.gather [hbm4b:s10+s30], $0x8, $0x38;
	[tilespmem:$0x1C100] =	vst v63  }
0x64: {  	_ =	swait.ge [sflag:s17], $0x8  }
0x65: {  	[sflag:s17] =	ssyncset.done $0x0  }
0x66: {  	[sflag:s17] =	ssyncadd.s32 $0xFFFFFFF8  }
0x67: {  	[spmem:s1] =	stream.indirect.scatter.add.f32 [tilespmem:s18], [sflag:$0x1], $0x80, s19, s20, $0xb8;
	[tilespmem:$0x1C100] =	vst v63  }
0x68: {  	_ =	swait.ge [sflag:s17], $0x400  }
0x69: {  	[sflag:s17] =	ssyncset.done $0x0  }
0x6a: {  	s31 =	sshll.u32 s2, $0x6;
	[sflag:s17] =	ssyncadd.s32 $0xFFFFFC00  }
0x6b: {  	s23 =	sshrl.u32 s4, $0x3;
	s22 =	sor.u32 $0x1C01, s31;
	[bflag:$0x0] =	sbarrier.arrive $0xFFFF  }
0x6c: {  	[hbm:s11], [sflag:s22] =	dma.local [spmem:s23], $0x2800  }
0x6d: {  	_ =	swait.ge [sflag:s17], $0x2800  }
0x6e: {  	[sflag:s17] =	ssyncset.done $0x0  }
0x6f: {  	[sflag:s17] =	ssyncadd.s32 $0xFFFFD800  }
0x70: {  	[spmem:s4] =	stream.linear.scatter [tilespmem:s16], [sflag:$0x1], $0x4000, $0x38;
	[tilespmem:$0x1C100] =	vst v63  }
0x71: {  	_ =	swait.ge [sflag:s17], $0x4000  }
0x72: {  	[sflag:s17] =	ssyncset.done $0x0  }
0x73: {  	[sflag:s17] =	ssyncadd.s32 $0xFFFFC000  }
0x74: {  	[spmem:s5] =	stream.linear.scatter [tilespmem:s16], [sflag:$0x1], $0x4000, $0x38;
	[tilespmem:$0x1C100] =	vst v63  }
0x75: {  	_ =	swait.ge [sflag:s17], $0x4000  }
0x76: {  	[sflag:s17] =	ssyncset.done $0x0  }
0x77: {  	[sflag:s17] =	ssyncadd.s32 $0xFFFFC000  }
0x78: {  	[spmem:s6] =	stream.linear.scatter [tilespmem:s16], [sflag:$0x1], $0x4000, $0x38;
	[tilespmem:$0x1C100] =	vst v63  }
0x79: {  	_ =	swait.ge [sflag:s17], $0x4000  }
0x7a: {  	[sflag:s17] =	ssyncset.done $0x0  }
0x7b: {  	[sflag:s17] =	ssyncadd.s32 $0xFFFFC000  }
0x7c: {  	[spmem:s7] =	stream.linear.scatter [tilespmem:s16], [sflag:$0x1], $0x4000, $0x38;
	[tilespmem:$0x1C100] =	vst v63  }
0x7d: {  	_ =	swait.ge [sflag:s17], $0x4000  }
0x7e: {  	[sflag:s17] =	ssyncset.done $0x0  }
0x7f: {  	[sflag:s17] =	ssyncadd.s32 $0xFFFFC000  }
0x80: {  	[spmem:s8] =	stream.linear.scatter [tilespmem:s16], [sflag:$0x1], $0x4000, $0x38;
	[tilespmem:$0x1C100] =	vst v63  }
0x81: {  	_ =	swait.ge [sflag:s17], $0x4000  }
0x82: {  	[sflag:s17] =	ssyncset.done $0x0  }
0x83: {  	[sflag:s17] =	ssyncadd.s32 $0xFFFFC000  }
0x84: {  	s24 =	sadd.s32 $0x0, s15;
	[bflag:$0x0] =	sbarrier.arrive $0xFFFF  }
0x85: {  	[tilespmem:s3], [sflag:$0x1] =	stream.linear.gather [hbm4b:s24+s3], $0x80, $0x38;
	[tilespmem:$0x1C100] =	vst v63  }
0x86: {  	_ =	swait.ge [sflag:s17], $0x80  }
0x87: {  	[sflag:s17] =	ssyncset.done $0x0  }
0x88: {  	[sflag:s17] =	ssyncadd.s32 $0xFFFFFF80  }
0x89: {  	[spmem:s1] =	stream.indirect.scatter.add.f32 [tilespmem:s18], [sflag:$0x1], $0x80, s3, s18, $0xb8;
	[tilespmem:$0x1C100] =	vst v63  }
0x8a: {  	_ =	swait.ge [sflag:s17], $0x4000  }
0x8b: {  	s25 =	simm.s32 $0x20;
	s24 =	simm.s32 $0x10;
	[sflag:s17] =	ssyncset.done $0x0  }
.LBB2_8:
0x8c: {  	s26 =	sadd.s32 s24, s15  }
0x8d: {  	[sflag:s17] =	ssyncadd.s32 $0xFFFFC000;
	s24 =	smov.u32 s25;
	s28 =	sadd.s32 $0x10, s25  }
0x8e: {  	[tilespmem:s3], [sflag:$0x1] =	stream.linear.gather [hbm4b:s26+s3], $0x80, $0x38;
	[tilespmem:$0x1C100] =	vst v63  }
0x8f: {  	p0 =	sne.s32 s25, $0x260;
	_ =	swait.ge [sflag:s17], $0x80  }
.Ltmp3:
0x90: {  	[sflag:s17] =	ssyncset.done $0x0;
	(pc) =	sbr.rel @p0 .LBB2_8-.Ltmp3, $4  }
0x91: {  	[sflag:s17] =	ssyncadd.s32 $0xFFFFFF80  }
0x92: {  	[spmem:s1] =	stream.indirect.scatter.add.f32 [tilespmem:s18], [sflag:$0x1], $0x80, s3, s18, $0xb8;
	[tilespmem:$0x1C100] =	vst v63  }
0x93: {  	_ =	swait.ge [sflag:s17], $0x4000  }
0x94: {  	s25 =	smov.u32 s28;
	[sflag:s17] =	ssyncset.done $0x0  }
0x95: {  	s24 =	sadd.s32 s24, s15;
	[sflag:s17] =	ssyncadd.s32 $0xFFFFC000  }
0x96: {  	[tilespmem:s3], [sflag:$0x1] =	stream.linear.gather [hbm4b:s24+s3], $0x80, $0x38;
	[tilespmem:$0x1C100] =	vst v63  }
0x97: {  	_ =	swait.ge [sflag:s17], $0x80  }
0x98: {  	[sflag:s17] =	ssyncset.done $0x0  }
0x99: {  	[sflag:s17] =	ssyncadd.s32 $0xFFFFFF80  }
0x9a: {  	[spmem:s1] =	stream.indirect.scatter.add.f32 [tilespmem:s18], [sflag:$0x1], $0x80, s3, s18, $0xb8;
	[tilespmem:$0x1C100] =	vst v63  }
0x9b: {  	_ =	swait.ge [sflag:s17], $0x4000  }
0x9c: {  	[sflag:s17] =	ssyncset.done $0x0  }
0x9d: {  	[sflag:s17] =	ssyncadd.s32 $0xFFFFC000  }
0x9e: {  	[tilespmem:s19], [sflag:$0x1] =	stream.linear.gather [hbm4b:s12+s3], $0x8, $0x38;
	[tilespmem:$0x1C100] =	vst v63  }
0x9f: {  	_ =	swait.ge [sflag:s17], $0x8  }
0xa0: {  	[sflag:s17] =	ssyncset.done $0x0  }
0xa1: {  	[sflag:s17] =	ssyncadd.s32 $0xFFFFFFF8  }
0xa2: {  	[spmem:s1] =	stream.indirect.scatter.add.f32 [tilespmem:s18], [sflag:$0x1], $0x80, s19, s20, $0xb8;
	[tilespmem:$0x1C100] =	vst v63  }
0xa3: {  	_ =	swait.ge [sflag:s17], $0x400  }
0xa4: {  	s21 =	sadd.s32 $0x1, s21;
	[sflag:s17] =	ssyncset.done $0x0  }
0xa5: {  	p0 =	sne.s32 s21, s14;
	[sflag:s17] =	ssyncadd.s32 $0xFFFFFC00  }
.Ltmp4:
0xa6: {  	[bflag:$0x0] =	sbarrier.arrive $0xFFFF;
	(pc) =	sbr.rel @p0 .LBB2_1-.Ltmp4, $4  }
0xa7: {  	[hbm:s13], [sflag:s22] =	dma.local [spmem:s23], $0x2800  }
0xa8: {  	_ =	swait.ge [sflag:s17], $0x2800  }
0xa9: {  	[sflag:s17] =	ssyncset.done $0x0  }
0xaa: {  	[sflag:s17] =	ssyncadd.s32 $0xFFFFD800  }
0xab: {  	_ =	sfence.sel $0x180000  }
0xac: {  	[bflag:$0x0] =	sbarrier.arrive $0xFFFF  }
0xad: {  	p0 =	sne.s32 s2, $0x0;
	_ =	strace $0x9000004A  }
0xae: {  	s0 =	sadd.s32 @!p0 $0x100000, s0;
	[bflag:$0x2] =	sbarrier.arrive $0xFFFF  }
0xaf: {  	[sflag:s0] =	ssyncadd.tile.s32 @!p0 $0x1;
	_ =	shalt  }
.Lfunc_end2:
_tile_overlayer_lowered:
.L_overlay_start_2:
0xb0: {  	(tag) =	ssettag $0x2  }
0xb1: {  	s0 =	rddreg [dreg:$0x0];
	s2 =	stileid.u32  }
0xb2: {  	s1 =	rddreg [dreg:$0x1];
	p0 =	sne.s32 s2, $0x0  }
0xb3: {  	s3 =	rddreg [dreg:$0x2];
	[bflag:$0x3] =	sbarrier.arrive $0xFFFF;
	s2 =	simm.s32 @!p0 $0x1C01  }
0xb4: {  	[timem:s3], [sflag:s2] =	dma.local @!p0 [hbm:s0], s1  }
0xb5: {  	s0 =	simm.s32 @!p0 $0x1  }
0xb6: {  	_ =	swait.ge @!p0 [sflag:s0], s1  }
0xb7: {  	s1 =	ssub.s32 @!p0 $0x0, s1;
	[sflag:s0] =	ssyncset.done @!p0 $0x0  }
0xb8: {  	[sflag:s0] =	ssyncadd.s32 @!p0 s1  }
0xb9: {  	[bflag:$0x3] =	sbarrier.arrive $0xFFFF  }
0xba: {  	_ =	shalt  }

</sc_bundles>
